<compile_context>
chip_gen: v7x
topology: tpu7x:2x2x1
jax: 0.10.2.dev20260603
libtpu: 0.0.44.dev20260713+nightly
codegen_flags: <defaults>
</compile_context>

<pallas_src>
import functools

import jax
import jax.numpy as jnp
from jax import lax
from jax.experimental import pallas as pl
from jax.experimental.pallas import tpu as pltpu
from jax.experimental.pallas import tpu_sc as plsc

N = 10000
F = 16
HID = 25
D_EDGE = 3
C_OUT = 10
NUM_GRAPHS = 16
E = 160000

NC, NS = 2, 16
NW = NC * NS
EPT = 5120
E_PAD = NW * EPT
CHUNK = 128
NCH = EPT // CHUNK
N_ACC = 10240
RPT = N_ACC // NS

BE = 2048
BN = 2048


def _sc_mesh():
    return plsc.VectorSubcoreMesh(core_axis_name="c", subcore_axis_name="s",
                                  num_cores=NC, num_subcores=NS)


def _sc_params():
    return pltpu.CompilerParams(use_tc_tiling_on_sc=False)


def _gather_body(table_hbm, idx_hbm, out_hbm, idx_v, rows_v, sem):
    wid = lax.axis_index("c") * NS + lax.axis_index("s")
    pltpu.sync_copy(idx_hbm.at[pl.ds(wid * NCH, NCH)], idx_v)

    def fire(j, carry):
        pltpu.async_copy(table_hbm.at[idx_v.at[j]],
                         rows_v.at[pl.ds(j * CHUNK, CHUNK)], sem)
        return carry

    lax.fori_loop(0, NCH, fire, 0)

    def drain(j, carry):
        pltpu.make_async_copy(table_hbm.at[idx_v.at[j]],
                              rows_v.at[pl.ds(j * CHUNK, CHUNK)], sem).wait()
        return carry

    lax.fori_loop(0, NCH, drain, 0)
    pltpu.sync_copy(rows_v, out_hbm.at[pl.ds(wid * EPT, EPT)])


@functools.cache
def _sc_gather():
    return pl.kernel(
        _gather_body,
        out_type=jax.ShapeDtypeStruct((E_PAD, F), jnp.float32),
        mesh=_sc_mesh(),
        compiler_params=_sc_params(),
        scratch_types=[
            pltpu.VMEM((NCH, CHUNK), jnp.int32),
            pltpu.VMEM((EPT, F), jnp.float32),
            pltpu.SemaphoreType.DMA,
        ],
    )


NPT = N_ACC // NS
NHP = NPT // 2


def _mega0_body(msg_hbm, didx_hbm, sidx_hbm, root_hbm,
                xs_out, h1_out, c_out,
                idx_v, buf_v, ones_v, sv, cv, rootv, h1v,
                acc_s, acc_c, sem):
    h1_spm = acc_s
    cid = lax.axis_index("c")
    sid = lax.axis_index("s")
    wid = cid * NS + sid
    owns = (sid < 8) == (cid == 0)

    def zfill(i, carry):
        h1v[i] = jnp.zeros((F,), jnp.float32)
        return carry

    lax.fori_loop(0, NHP, zfill, 0)

    def ofill(i, carry):
        ones_v[i] = jnp.ones((F,), jnp.float32)
        return carry

    lax.fori_loop(0, CHUNK, ofill, 0)
    for q in range(2):
        pltpu.sync_copy(h1v, acc_s.at[pl.ds(sid * NPT + q * NHP, NHP)])
        pltpu.sync_copy(h1v, acc_c.at[pl.ds(sid * NPT + q * NHP, NHP)])
    plsc.subcore_barrier()

    for p in range(2):
        ebase = (sid * 2 + p) * EPT
        pltpu.sync_copy(didx_hbm.at[pl.ds((sid * 2 + p) * NCH, NCH)], idx_v)
        pltpu.sync_copy(msg_hbm.at[pl.ds(ebase, EPT)], buf_v)

        def fire(j, carry):
            pltpu.async_copy(buf_v.at[pl.ds(j * CHUNK, CHUNK)],
                             acc_s.at[idx_v.at[j]], sem, add=True)
            pltpu.async_copy(ones_v, acc_c.at[idx_v.at[j]], sem, add=True)
            return carry

        lax.fori_loop(0, NCH, fire, 0)

        def drain(j, carry):
            pltpu.make_async_copy(buf_v.at[pl.ds(j * CHUNK, CHUNK)],
                                  acc_s.at[idx_v.at[j]], sem).wait()
            pltpu.make_async_copy(ones_v, acc_c.at[idx_v.at[j]], sem).wait()
            return carry

        lax.fori_loop(0, NCH, drain, 0)
    plsc.subcore_barrier()

    for q in range(2):
        nbase = sid * NPT + q * NHP
        pltpu.sync_copy(acc_s.at[pl.ds(nbase, NHP)], sv)
        pltpu.sync_copy(acc_c.at[pl.ds(nbase, NHP)], cv)
        pltpu.sync_copy(root_hbm.at[pl.ds(nbase, NHP)], rootv)

        def node(i, carry):
            t = sv[i] / jnp.maximum(cv[i], 1.0) + rootv[i]
            h1v[i] = jnp.where(t > 0.0, t,
                               jnp.exp(jnp.minimum(t, 0.0)) - 1.0)
            return carry

        lax.fori_loop(0, NHP, node, 0)
        pltpu.sync_copy(h1v, h1_spm.at[pl.ds(nbase, NHP)])

        @pl.when(owns)
        def _():
            pltpu.sync_copy(h1v, h1_out.at[pl.ds(nbase, NHP)])
            pltpu.sync_copy(cv, c_out.at[pl.ds(nbase, NHP)])

    plsc.subcore_barrier()

    pltpu.sync_copy(sidx_hbm.at[pl.ds(wid * NCH, NCH)], idx_v)

    def gfire(j, carry):
        pltpu.async_copy(h1_spm.at[idx_v.at[j]],
                         buf_v.at[pl.ds(j * CHUNK, CHUNK)], sem)
        return carry

    lax.fori_loop(0, NCH, gfire, 0)

    def gdrain(j, carry):
        pltpu.make_async_copy(h1_spm.at[idx_v.at[j]],
                              buf_v.at[pl.ds(j * CHUNK, CHUNK)], sem).wait()
        return carry

    lax.fori_loop(0, NCH, gdrain, 0)
    pltpu.sync_copy(buf_v, xs_out.at[pl.ds(wid * EPT, EPT)])


@functools.cache
def _sc_mega0():
    return pl.kernel(
        _mega0_body,
        out_type=(jax.ShapeDtypeStruct((E_PAD, F), jnp.float32),
                  jax.ShapeDtypeStruct((N_ACC, F), jnp.float32),
                  jax.ShapeDtypeStruct((N_ACC, F), jnp.float32)),
        mesh=_sc_mesh(),
        compiler_params=_sc_params(),
        scratch_types=[
            pltpu.VMEM((NCH, CHUNK), jnp.int32),
            pltpu.VMEM((EPT, F), jnp.float32),
            pltpu.VMEM((CHUNK, F), jnp.float32),
            pltpu.VMEM((NHP, F), jnp.float32),
            pltpu.VMEM((NHP, F), jnp.float32),
            pltpu.VMEM((NHP, F), jnp.float32),
            pltpu.VMEM((NHP, F), jnp.float32),
            pltpu.VMEM_SHARED((N_ACC, F), jnp.float32),
            pltpu.VMEM_SHARED((N_ACC, F), jnp.float32),
            pltpu.SemaphoreType.DMA,
        ],
    )


def _mega1_body(msg_hbm, didx_hbm, root_hbm, c_hbm,
                h2_out,
                idx_v, buf_v, sv, cv, rootv, h1v,
                acc_s, sem):
    cid = lax.axis_index("c")
    sid = lax.axis_index("s")
    owns = (sid < 8) == (cid == 0)

    def zfill(i, carry):
        h1v[i] = jnp.zeros((F,), jnp.float32)
        return carry

    lax.fori_loop(0, NHP, zfill, 0)
    for q in range(2):
        pltpu.sync_copy(h1v, acc_s.at[pl.ds(sid * NPT + q * NHP, NHP)])
    plsc.subcore_barrier()

    for p in range(2):
        ebase = (sid * 2 + p) * EPT
        pltpu.sync_copy(didx_hbm.at[pl.ds((sid * 2 + p) * NCH, NCH)], idx_v)
        pltpu.sync_copy(msg_hbm.at[pl.ds(ebase, EPT)], buf_v)

        def fire(j, carry):
            pltpu.async_copy(buf_v.at[pl.ds(j * CHUNK, CHUNK)],
                             acc_s.at[idx_v.at[j]], sem, add=True)
            return carry

        lax.fori_loop(0, NCH, fire, 0)

        def drain(j, carry):
            pltpu.make_async_copy(buf_v.at[pl.ds(j * CHUNK, CHUNK)],
                                  acc_s.at[idx_v.at[j]], sem).wait()
            return carry

        lax.fori_loop(0, NCH, drain, 0)
    plsc.subcore_barrier()

    for q in range(2):
        nbase = sid * NPT + q * NHP
        pltpu.sync_copy(acc_s.at[pl.ds(nbase, NHP)], sv)
        pltpu.sync_copy(c_hbm.at[pl.ds(nbase, NHP)], cv)
        pltpu.sync_copy(root_hbm.at[pl.ds(nbase, NHP)], rootv)

        def node(i, carry):
            t = sv[i] / jnp.maximum(cv[i], 1.0) + rootv[i]
            h1v[i] = jnp.where(t > 0.0, t,
                               jnp.exp(jnp.minimum(t, 0.0)) - 1.0)
            return carry

        lax.fori_loop(0, NHP, node, 0)

        @pl.when(owns)
        def _():
            pltpu.sync_copy(h1v, h2_out.at[pl.ds(nbase, NHP)])


@functools.cache
def _sc_mega1():
    return pl.kernel(
        _mega1_body,
        out_type=jax.ShapeDtypeStruct((N_ACC, F), jnp.float32),
        mesh=_sc_mesh(),
        compiler_params=_sc_params(),
        scratch_types=[
            pltpu.VMEM((NCH, CHUNK), jnp.int32),
            pltpu.VMEM((EPT, F), jnp.float32),
            pltpu.VMEM((NHP, F), jnp.float32),
            pltpu.VMEM((NHP, F), jnp.float32),
            pltpu.VMEM((NHP, F), jnp.float32),
            pltpu.VMEM((NHP, F), jnp.float32),
            pltpu.VMEM_SHARED((N_ACC, F), jnp.float32),
            pltpu.SemaphoreType.DMA,
        ],
    )


def _msg_body(ea_ref, xs_ref, hp_ref, w1_ref, b1_ref, w2_ref, e1_ref, r_ref,
              wr_ref, brt_ref, out_ref, root_ref):
    h = jnp.dot(ea_ref[...], w1_ref[...], preferred_element_type=jnp.float32)
    h = jnp.maximum(h + b1_ref[...], 0.0)
    w = jnp.dot(h.astype(jnp.bfloat16), w2_ref[...],
                preferred_element_type=jnp.float32)
    xe = jnp.dot(xs_ref[...].astype(jnp.bfloat16), e1_ref[...],
                 preferred_element_type=jnp.float32)
    out_ref[...] = jnp.dot((w * xe).astype(jnp.bfloat16), r_ref[...],
                           preferred_element_type=jnp.float32)
    root_ref[...] = jnp.dot(hp_ref[...], wr_ref[...],
                            preferred_element_type=jnp.float32) + brt_ref[...]


BR = BE // 8
NBR = (N_ACC // 8) // (E_PAD // BE)


def _tc_msg(ea_p, xs_p, hp, w1bd, b1t, w2bd, e1bd, rbd, wrbd, brt):
    grid = (E_PAD // BE,)
    return pl.pallas_call(
        _msg_body,
        grid=grid,
        in_specs=[
            pl.BlockSpec((BR, 64), lambda i: (i, 0)),
            pl.BlockSpec((BR, 128), lambda i: (i, 0)),
            pl.BlockSpec((NBR, 128), lambda i: (i, 0)),
            pl.BlockSpec((64, 256), lambda i: (0, 0)),
            pl.BlockSpec((1, 256), lambda i: (0, 0)),
            pl.BlockSpec((256, 2048), lambda i: (0, 0)),
            pl.BlockSpec((128, 2048), lambda i: (0, 0)),
            pl.BlockSpec((2048, 128), lambda i: (0, 0)),
            pl.BlockSpec((128, 128), lambda i: (0, 0)),
            pl.BlockSpec((1, 128), lambda i: (0, 0)),
        ],
        out_specs=[
            pl.BlockSpec((BR, 128), lambda i: (i, 0)),
            pl.BlockSpec((NBR, 128), lambda i: (i, 0)),
        ],
        out_shape=[
            jax.ShapeDtypeStruct((E_PAD // 8, 128), jnp.float32),
            jax.ShapeDtypeStruct((N_ACC // 8, 128), jnp.float32),
        ],
    )(ea_p, xs_p, hp, w1bd, b1t, w2bd, e1bd, rbd, wrbd, brt)


def _pool_body(h_ref, b_ref, wf_ref, bf_ref, out_ref, acc, cnt):
    i = pl.program_id(0)

    @pl.when(i == 0)
    def _():
        acc[...] = jnp.zeros_like(acc)
        cnt[...] = jnp.zeros_like(cnt)

    gid = lax.broadcasted_iota(jnp.int32, (NUM_GRAPHS, BN), 0)
    oh = (gid == b_ref[0]).astype(jnp.float32)
    acc[...] += jnp.dot(oh, h_ref[...], preferred_element_type=jnp.float32)
    cnt[...] += jnp.dot(oh, jnp.ones((BN, F), jnp.float32),
                        preferred_element_type=jnp.float32)
    pooled = acc[...] / jnp.maximum(cnt[...], 1.0)
    out_ref[...] = jnp.dot(pooled, wf_ref[...],
                           preferred_element_type=jnp.float32) + bf_ref[...]


def _tc_pool(h2, batch3d, wf, bf):
    grid = (N_ACC // BN,)
    return pl.pallas_call(
        _pool_body,
        grid=grid,
        in_specs=[
            pl.BlockSpec((BN, F), lambda i: (i, 0)),
            pl.BlockSpec((1, 1, BN), lambda i: (i, 0, 0)),
            pl.BlockSpec((F, C_OUT), lambda i: (0, 0)),
            pl.BlockSpec((1, C_OUT), lambda i: (0, 0)),
        ],
        out_specs=pl.BlockSpec((NUM_GRAPHS, C_OUT), lambda i: (0, 0)),
        out_shape=jax.ShapeDtypeStruct((NUM_GRAPHS, C_OUT), jnp.float32),
        scratch_shapes=[
            pltpu.VMEM((NUM_GRAPHS, F), jnp.float32),
            pltpu.VMEM((NUM_GRAPHS, F), jnp.float32),
        ],
    )(h2, batch3d, wf, bf)


def _fold_layer(p, ey8):
    g = p['gamma'] / jnp.sqrt(1.0 + 1e-5)
    w1f = p['W1'] * g[None, :]
    b1f = p['b1'] * g + p['beta']
    w1e = jnp.zeros((8, 32), jnp.float32).at[:D_EDGE, :HID].set(w1f)
    b1e = jnp.zeros((1, 32), jnp.float32).at[0, :HID].set(b1f).at[0, HID].set(1.0)
    w2e = jnp.zeros((32, 256), jnp.float32).at[:HID].set(p['W2']).at[HID].set(p['b2'])
    w1bd = jnp.kron(ey8, w1e)
    b1t = jnp.tile(b1e, (1, 8))
    w2bd = jnp.kron(ey8.astype(jnp.bfloat16),
                    w2e.astype(jnp.bfloat16))
    wrbd = jnp.kron(ey8, p['Wr'])
    brt = jnp.tile(p['br'][None, :], (1, 8))
    return w1bd, b1t, w2bd, wrbd, brt


def kernel(x, edge_index, edge_attr, batch, params):
    src = edge_index[0]
    dst = edge_index[1]
    pad = E_PAD - E
    src2d = jnp.concatenate(
        [src, jnp.zeros((pad,), jnp.int32)]).reshape(NW * NCH, CHUNK)
    dst2d = jnp.concatenate(
        [dst, jnp.full((pad,), N, jnp.int32)]).reshape(NW * NCH, CHUNK)
    ea_p = jnp.zeros((E_PAD, 8), jnp.float32).at[:E, :D_EDGE].set(
        edge_attr).reshape(E_PAD // 8, 64)

    ey8 = jnp.eye(8, dtype=jnp.float32)
    ey8b = jnp.eye(8, dtype=jnp.bfloat16)
    e1bd = jnp.kron(ey8b, jnp.kron(jnp.eye(F, dtype=jnp.bfloat16),
                                   jnp.ones((1, F), jnp.bfloat16)))
    rbd = jnp.kron(ey8b, jnp.kron(jnp.ones((F, 1), jnp.bfloat16),
                                  jnp.eye(F, dtype=jnp.bfloat16)))

    w1bd0, b1t0, w2bd0, wrbd0, brt0 = _fold_layer(params['conv0'], ey8)
    w1bd1, b1t1, w2bd1, wrbd1, brt1 = _fold_layer(params['conv1'], ey8)

    x_p = jnp.zeros((N_ACC, F), jnp.float32).at[:N].set(x).reshape(
        N_ACC // 8, 128)
    batch3d = jnp.concatenate(
        [batch, jnp.full((N_ACC - N,), NUM_GRAPHS, jnp.int32)]).reshape(
        N_ACC // BN, 1, BN)

    xs0 = _sc_gather()(x, src2d)
    msg0, root0 = _tc_msg(ea_p, xs0.reshape(E_PAD // 8, 128), x_p,
                          w1bd0, b1t0, w2bd0, e1bd, rbd, wrbd0, brt0)
    xs1, h1, cfull = _sc_mega0()(msg0.reshape(E_PAD, F), dst2d, src2d,
                                 root0.reshape(N_ACC, F))
    msg1, root1 = _tc_msg(ea_p, xs1.reshape(E_PAD // 8, 128),
                          h1.reshape(N_ACC // 8, 128),
                          w1bd1, b1t1, w2bd1, e1bd, rbd, wrbd1, brt1)
    h2 = _sc_mega1()(msg1.reshape(E_PAD, F), dst2d,
                     root1.reshape(N_ACC, F), cfull)
    return _tc_pool(h2, batch3d, params['Wf'], params['bf'][None, :])

# --- scband reference (transcript-rebuilt; emitter-appended) ---
"""Pipeline reference for scband-ecn-35459249996330 (READ-ONLY COPY).

The authoritative reference and input builder live on the scoring server;
editing this copy changes nothing except your own understanding.
"""

import jax, jax.numpy as jnp
import numpy as np

N = 10000
E = 160000
F_IN = 16
DIMS = [16, 16]
D_EDGE = 3
C_OUT = 10
NUM_GRAPHS = 16
HID = 25


def _init_layer(key, in_dim, out_dim):
    k1, k2, k3, k4 = jax.random.split(key, 4)
    return {
        'W1': jax.random.normal(k1, (D_EDGE, HID), dtype=jnp.float32) * (1.0 / np.sqrt(D_EDGE)),
        'b1': jnp.zeros((HID,), jnp.float32),
        'gamma': jnp.ones((HID,), jnp.float32),
        'beta': jnp.zeros((HID,), jnp.float32),
        'W2': jax.random.normal(k2, (HID, in_dim * out_dim), dtype=jnp.float32) * (1.0 / np.sqrt(HID)),
        'b2': jnp.zeros((in_dim * out_dim,), jnp.float32),
        'Wr': jax.random.normal(k3, (in_dim, out_dim), dtype=jnp.float32) * (1.0 / np.sqrt(in_dim)),
        'br': jnp.zeros((out_dim,), jnp.float32),
    }


def setup_inputs(seed: int = 0) -> dict:
    key = jax.random.key(seed)
    ks = jax.random.split(key, 8)
    x = jax.random.normal(ks[0], (N, F_IN), dtype=jnp.float32)
    edge_index = jax.random.randint(ks[1], (2, E), 0, N, dtype=jnp.int32)
    edge_attr = jax.random.normal(ks[2], (E, D_EDGE), dtype=jnp.float32)
    batch = jnp.sort(jax.random.randint(ks[3], (N,), 0, NUM_GRAPHS, dtype=jnp.int32))
    params = {
        'conv0': _init_layer(ks[4], F_IN, DIMS[0]),
        'conv1': _init_layer(ks[5], DIMS[0], DIMS[1]),
        'Wf': jax.random.normal(ks[6], (DIMS[1], C_OUT), dtype=jnp.float32) * (1.0 / np.sqrt(DIMS[1])),
        'bf': jnp.zeros((C_OUT,), jnp.float32),
    }
    return {'x': x, 'edge_index': edge_index, 'edge_attr': edge_attr, 'batch': batch, 'params': params}


def _edge_mlp(p, ea):
    # MLP([3, 25, in*out], norm='batch_norm') in eval mode: running_mean=0, running_var=1
    h = ea @ p['W1'] + p['b1']
    h = (h / jnp.sqrt(1.0 + 1e-5)) * p['gamma'] + p['beta']
    h = jax.nn.relu(h)
    return h @ p['W2'] + p['b2']


def _nnconv(p, x, src, dst, ea, in_dim, out_dim):
    # NNConv with aggr='mean', root weight and bias
    w = _edge_mlp(p, ea).reshape(-1, in_dim, out_dim)
    msg = jnp.einsum('ei,eio->eo', x[src], w)
    s = jax.ops.segment_sum(msg, dst, num_segments=N)
    c = jax.ops.segment_sum(jnp.ones((msg.shape[0],), jnp.float32), dst, num_segments=N)
    agg = s / jnp.maximum(c, 1.0)[:, None]
    return agg + x @ p['Wr'] + p['br']


def _forward(x, edge_attr, params, edge_index, batch):
    src, dst = edge_index[0], edge_index[1]
    h = x
    dims = [F_IN] + DIMS
    for i, name in enumerate(['conv0', 'conv1']):
        h = _nnconv(params[name], h, src, dst, edge_attr, dims[i], dims[i + 1])
        h = jax.nn.elu(h)
    # global mean pooling over graphs in the batch
    s = jax.ops.segment_sum(h, batch, num_segments=NUM_GRAPHS)
    c = jax.ops.segment_sum(jnp.ones((N,), jnp.float32), batch, num_segments=NUM_GRAPHS)
    pooled = s / jnp.maximum(c, 1.0)[:, None]
    # final MLP([dims[-1], out_channels]) is a single plain linear layer
    return pooled @ params['Wf'] + params['bf']


def reference(x, edge_index, edge_attr, batch, params):
    return _forward(x, edge_attr, params, edge_index, batch)

if __name__ == "__main__":
    import jax
    _d = setup_inputs()
    print(jax.jit(kernel)(*tuple(_d.values())))

</pallas_src>

<mosaic_0001>
#map = affine_map<(d0, d1) -> (0, 0)>
module attributes {stable_mosaic.version = 14 : i64} {
  func.func @_gather_body(%arg0: i32, %arg1: i32, %arg2: memref<10000x16xf32, #tpu.memory_space<hbm>>, %arg3: memref<1280x128xi32, #tpu.memory_space<hbm>>, %arg4: memref<163840x16xf32, #tpu.memory_space<hbm>>, %arg5: memref<40x128xi32, #tpu.memory_space<vmem>>, %arg6: memref<5120x16xf32, #tpu.memory_space<vmem>>, %arg7: memref<!tpu.dma_semaphore, #tpu.memory_space<semaphore_mem>>) attributes {dimension_semantics = [#tpu.dimension_semantics<core_parallel>, #tpu.dimension_semantics<subcore_parallel>], iteration_bounds = array<i64: 2, 16>, scalar_prefetch = 0 : i64, scratch_operands = 3 : i64, tpu.core_type = #tpu.core_type<sc_vector_subcore>, window_params = [{transform_indices = #map}, {transform_indices = #map}, {transform_indices = #map}]} {
    %mul3A = arith.constant 16 : i32
    %mul3A_0 = arith.muli %arg0, %mul3A : i32
    %add3A = arith.addi %mul3A_0, %arg1 : i32
    %mul3A_1 = arith.constant 40 : i32
    %mul3A_2 = arith.muli %add3A, %mul3A_1 : i32
    "tpu.region"() ({
      %run_scoped3A = tpu.sem_alloc : memref<!tpu.dma_semaphore, #tpu.memory_space<semaphore_mem>>
      %dma_start3A = arith.constant 0 : i32
      %dma_start3A_16 = tpu.memref_slice %arg3[%mul3A_2, %dma_start3A] : memref<1280x128xi32, #tpu.memory_space<hbm>> -> memref<40x128xi32, #tpu.memory_space<hbm>>
      %dma_start3A_17 = arith.constant 0 : i32
      %dma_start3A_18 = tpu.memref_slice %arg3[%mul3A_2, %dma_start3A_17] : memref<1280x128xi32, #tpu.memory_space<hbm>> -> memref<40x128xi32, #tpu.memory_space<hbm>>
      tpu.enqueue_dma source(%dma_start3A_18 : memref<40x128xi32, #tpu.memory_space<hbm>>) target(%arg5 : memref<40x128xi32, #tpu.memory_space<vmem>>) target_semaphore(%run_scoped3A : memref<!tpu.dma_semaphore, #tpu.memory_space<semaphore_mem>>)
      %dma_wait3A = arith.constant 0 : i32
      %dma_wait3A_19 = tpu.memref_slice %arg3[%mul3A_2, %dma_wait3A] : memref<1280x128xi32, #tpu.memory_space<hbm>> -> memref<40x128xi32, #tpu.memory_space<hbm>>
      %dma_wait3A_20 = arith.constant 0 : i32
      %dma_wait3A_21 = tpu.memref_slice %arg3[%mul3A_2, %dma_wait3A_20] : memref<1280x128xi32, #tpu.memory_space<hbm>> -> memref<40x128xi32, #tpu.memory_space<hbm>>
      tpu.wait_dma2 semaphore(%run_scoped3A : memref<!tpu.dma_semaphore, #tpu.memory_space<semaphore_mem>>) src(%dma_wait3A_21 : memref<40x128xi32, #tpu.memory_space<hbm>>) dst(%arg5 : memref<40x128xi32, #tpu.memory_space<vmem>>)
      tpu.yield
    }) : () -> ()
    %scan3A = arith.constant 0 : i32
    %scan3A_3 = arith.constant 0 : i32
    %scan3A_4 = arith.constant 40 : i32
    %scan3A_5 = arith.addi %scan3A_3, %scan3A_4 : i32
    %scan3A_6 = arith.constant 1 : i32
    scf.for %scan3A_16 = %scan3A_3 to %scan3A_5 step %scan3A_6  : i32 {
      %mul3A_17 = arith.constant 128 : i32
      %mul3A_18 = arith.muli %scan3A_16, %mul3A_17 : i32
      %dma_start3A = arith.constant 0 : i32
      %dma_start3A_19 = tpu.memref_slice %arg6[%mul3A_18, %dma_start3A] : memref<5120x16xf32, #tpu.memory_space<vmem>> -> memref<128x16xf32, #tpu.memory_space<vmem>>
      %dma_start3A_20 = arith.constant 0 : i32
      %dma_start3A_21 = tpu.memref_slice %arg5[%scan3A_16, %dma_start3A_20] : memref<40x128xi32, #tpu.memory_space<vmem>> -> memref<1x128xi32, #tpu.memory_space<vmem>>
      %dma_start3A_22 = tpu.memref_squeeze %dma_start3A_21 : memref<1x128xi32, #tpu.memory_space<vmem>> -> memref<128xi32, #tpu.memory_space<vmem>>
      %dma_start3A_23 = arith.constant 0 : i32
      %dma_start3A_24 = arith.constant 0 : i32
      %dma_start3A_25 = tpu.memref_slice %arg2[%dma_start3A_23, %dma_start3A_24] : memref<10000x16xf32, #tpu.memory_space<hbm>> -> memref<10000x16xf32, #tpu.memory_space<hbm>>
      tpu.enqueue_indirect_dma source(%dma_start3A_25 : memref<10000x16xf32, #tpu.memory_space<hbm>>) target(%dma_start3A_19 : memref<128x16xf32, #tpu.memory_space<vmem>>) offsets(%dma_start3A_22 : memref<128xi32, #tpu.memory_space<vmem>>) semaphore(%arg7 : memref<!tpu.dma_semaphore, #tpu.memory_space<semaphore_mem>>)
    }
    %scan3A_7 = arith.constant 40 : i32
    %scan3A_8 = arith.constant 0 : i32
    %scan3A_9 = arith.constant 0 : i32
    %scan3A_10 = arith.constant 40 : i32
    %scan3A_11 = arith.addi %scan3A_9, %scan3A_10 : i32
    %scan3A_12 = arith.constant 1 : i32
    scf.for %scan3A_16 = %scan3A_9 to %scan3A_11 step %scan3A_12  : i32 {
      %mul3A_17 = arith.constant 128 : i32
      %mul3A_18 = arith.muli %scan3A_16, %mul3A_17 : i32
      %dma_wait3A = arith.constant 0 : i32
      %dma_wait3A_19 = tpu.memref_slice %arg6[%mul3A_18, %dma_wait3A] : memref<5120x16xf32, #tpu.memory_space<vmem>> -> memref<128x16xf32, #tpu.memory_space<vmem>>
      %dma_wait3A_20 = arith.constant 0 : i32
      %dma_wait3A_21 = tpu.memref_slice %arg5[%scan3A_16, %dma_wait3A_20] : memref<40x128xi32, #tpu.memory_space<vmem>> -> memref<1x128xi32, #tpu.memory_space<vmem>>
      %dma_wait3A_22 = tpu.memref_squeeze %dma_wait3A_21 : memref<1x128xi32, #tpu.memory_space<vmem>> -> memref<128xi32, #tpu.memory_space<vmem>>
      %dma_wait3A_23 = arith.constant 0 : i32
      %dma_wait3A_24 = arith.constant 0 : i32
      %dma_wait3A_25 = tpu.memref_slice %arg2[%dma_wait3A_23, %dma_wait3A_24] : memref<10000x16xf32, #tpu.memory_space<hbm>> -> memref<10000x16xf32, #tpu.memory_space<hbm>>
      tpu.wait_indirect_dma semaphore(%arg7 : memref<!tpu.dma_semaphore, #tpu.memory_space<semaphore_mem>>) src(%dma_wait3A_25 : memref<10000x16xf32, #tpu.memory_space<hbm>>) dst(%dma_wait3A_19 : memref<128x16xf32, #tpu.memory_space<vmem>>)
    }
    %scan3A_13 = arith.constant 40 : i32
    %mul3A_14 = arith.constant 5120 : i32
    %mul3A_15 = arith.muli %add3A, %mul3A_14 : i32
    "tpu.region"() ({
      %run_scoped3A = tpu.sem_alloc : memref<!tpu.dma_semaphore, #tpu.memory_space<semaphore_mem>>
      %dma_start3A = arith.constant 0 : i32
      %dma_start3A_16 = tpu.memref_slice %arg4[%mul3A_15, %dma_start3A] : memref<163840x16xf32, #tpu.memory_space<hbm>> -> memref<5120x16xf32, #tpu.memory_space<hbm>>
      %dma_start3A_17 = arith.constant 0 : i32
      %dma_start3A_18 = tpu.memref_slice %arg4[%mul3A_15, %dma_start3A_17] : memref<163840x16xf32, #tpu.memory_space<hbm>> -> memref<5120x16xf32, #tpu.memory_space<hbm>>
      tpu.enqueue_dma source(%arg6 : memref<5120x16xf32, #tpu.memory_space<vmem>>) target(%dma_start3A_18 : memref<5120x16xf32, #tpu.memory_space<hbm>>) target_semaphore(%run_scoped3A : memref<!tpu.dma_semaphore, #tpu.memory_space<semaphore_mem>>)
      %dma_wait3A = arith.constant 0 : i32
      %dma_wait3A_19 = tpu.memref_slice %arg4[%mul3A_15, %dma_wait3A] : memref<163840x16xf32, #tpu.memory_space<hbm>> -> memref<5120x16xf32, #tpu.memory_space<hbm>>
      %dma_wait3A_20 = arith.constant 0 : i32
      %dma_wait3A_21 = tpu.memref_slice %arg4[%mul3A_15, %dma_wait3A_20] : memref<163840x16xf32, #tpu.memory_space<hbm>> -> memref<5120x16xf32, #tpu.memory_space<hbm>>
      tpu.wait_dma2 semaphore(%run_scoped3A : memref<!tpu.dma_semaphore, #tpu.memory_space<semaphore_mem>>) src(%arg6 : memref<5120x16xf32, #tpu.memory_space<vmem>>) dst(%dma_wait3A_21 : memref<5120x16xf32, #tpu.memory_space<hbm>>)
      tpu.yield
    }) : () -> ()
    return
  }
}

#map = affine_map<(d0, d1) -> (0, 0)>
module attributes {stable_mosaic.version = 14 : i64} {
  func.func @_mega0_body(%arg0: i32, %arg1: i32, %arg2: memref<163840x16xf32, #tpu.memory_space<hbm>>, %arg3: memref<1280x128xi32, #tpu.memory_space<hbm>>, %arg4: memref<1280x128xi32, #tpu.memory_space<hbm>>, %arg5: memref<10240x16xf32, #tpu.memory_space<hbm>>, %arg6: memref<163840x16xf32, #tpu.memory_space<hbm>>, %arg7: memref<10240x16xf32, #tpu.memory_space<hbm>>, %arg8: memref<10240x16xf32, #tpu.memory_space<hbm>>, %arg9: memref<40x128xi32, #tpu.memory_space<vmem>>, %arg10: memref<5120x16xf32, #tpu.memory_space<vmem>>, %arg11: memref<128x16xf32, #tpu.memory_space<vmem>>, %arg12: memref<320x16xf32, #tpu.memory_space<vmem>>, %arg13: memref<320x16xf32, #tpu.memory_space<vmem>>, %arg14: memref<320x16xf32, #tpu.memory_space<vmem>>, %arg15: memref<320x16xf32, #tpu.memory_space<vmem>>, %arg16: memref<10240x16xf32, #tpu.memory_space<vmem_shared>>, %arg17: memref<10240x16xf32, #tpu.memory_space<vmem_shared>>, %arg18: memref<!tpu.dma_semaphore, #tpu.memory_space<semaphore_mem>>) attributes {dimension_semantics = [#tpu.dimension_semantics<core_parallel>, #tpu.dimension_semantics<subcore_parallel>], iteration_bounds = array<i64: 2, 16>, scalar_prefetch = 0 : i64, scratch_operands = 10 : i64, tpu.core_type = #tpu.core_type<sc_vector_subcore>, window_params = [{transform_indices = #map}, {transform_indices = #map}, {transform_indices = #map}, {transform_indices = #map}, {transform_indices = #map}, {transform_indices = #map}, {transform_indices = #map}]} {
    %mul3A = arith.constant 16 : i32
    %mul3A_0 = arith.muli %arg0, %mul3A : i32
    %add3A = arith.addi %mul3A_0, %arg1 : i32
    %lt3A = arith.constant 8 : i32
    %lt3A_1 = arith.cmpi slt, %arg1, %lt3A : i32
    %eq3A = arith.constant 0 : i32
    %eq3A_2 = arith.cmpi eq, %arg0, %eq3A : i32
    %eq3A_3 = arith.xori %lt3A_1, %eq3A_2 : i1
    %eq3A_4 = arith.constant true
    %eq3A_5 = arith.xori %eq3A_3, %eq3A_4 : i1
    %scan3A = arith.constant 0 : i32
    %scan3A_6 = arith.constant 0 : i32
    %scan3A_7 = arith.constant 320 : i32
    %scan3A_8 = arith.addi %scan3A_6, %scan3A_7 : i32
    %scan3A_9 = arith.constant 1 : i32
    scf.for %scan3A_123 = %scan3A_6 to %scan3A_8 step %scan3A_9  : i32 {
      %broadcast_in_dim3A = arith.constant 0.000000e+00 : f32
      %broadcast_in_dim3A_124 = vector.broadcast %broadcast_in_dim3A : f32 to vector<16xf32>
      %swap3A = arith.index_cast %scan3A_123 : i32 to index
      %swap3A_125 = arith.constant 0 : index
      %swap3A_126 = tpu.vector_load %arg15[%swap3A, %swap3A_125] {strides = array<i32>} : memref<320x16xf32, #tpu.memory_space<vmem>>, vector<1x16xf32>,
      %swap3A_127 = vector.shape_cast %swap3A_126 : vector<1x16xf32> to vector<16xf32>
      %swap3A_128 = vector.shape_cast %broadcast_in_dim3A_124 : vector<16xf32> to vector<1x16xf32>
      tpu.vector_store %arg15[%swap3A, %swap3A_125], %swap3A_128 {strides = array<i32>} : memref<320x16xf32, #tpu.memory_space<vmem>>, vector<1x16xf32>,
    }
    %scan3A_10 = arith.constant 320 : i32
    %scan3A_11 = arith.constant 0 : i32
    %scan3A_12 = arith.constant 0 : i32
    %scan3A_13 = arith.constant 128 : i32
    %scan3A_14 = arith.addi %scan3A_12, %scan3A_13 : i32
    %scan3A_15 = arith.constant 1 : i32
    scf.for %scan3A_123 = %scan3A_12 to %scan3A_14 step %scan3A_15  : i32 {
      %broadcast_in_dim3A = arith.constant 1.000000e+00 : f32
      %broadcast_in_dim3A_124 = vector.broadcast %broadcast_in_dim3A : f32 to vector<16xf32>
      %swap3A = arith.index_cast %scan3A_123 : i32 to index
      %swap3A_125 = arith.constant 0 : index
      %swap3A_126 = tpu.vector_load %arg11[%swap3A, %swap3A_125] {strides = array<i32>} : memref<128x16xf32, #tpu.memory_space<vmem>>, vector<1x16xf32>,
      %swap3A_127 = vector.shape_cast %swap3A_126 : vector<1x16xf32> to vector<16xf32>
      %swap3A_128 = vector.shape_cast %broadcast_in_dim3A_124 : vector<16xf32> to vector<1x16xf32>
      tpu.vector_store %arg11[%swap3A, %swap3A_125], %swap3A_128 {strides = array<i32>} : memref<128x16xf32, #tpu.memory_space<vmem>>, vector<1x16xf32>,
    }
    %scan3A_16 = arith.constant 128 : i32
    %mul3A_17 = arith.constant 640 : i32
    %mul3A_18 = arith.muli %arg1, %mul3A_17 : i32
    %add3A_19 = arith.constant 0 : i32
    %add3A_20 = arith.addi %mul3A_18, %add3A_19 : i32
    "tpu.region"() ({
      %run_scoped3A = tpu.sem_alloc : memref<!tpu.dma_semaphore, #tpu.memory_space<semaphore_mem>>
      %dma_start3A = arith.constant 0 : i32
      %dma_start3A_123 = tpu.memref_slice %arg16[%add3A_20, %dma_start3A] : memref<10240x16xf32, #tpu.memory_space<vmem_shared>> -> memref<320x16xf32, #tpu.memory_space<vmem_shared>>
      %dma_start3A_124 = arith.constant 0 : i32
      %dma_start3A_125 = tpu.memref_slice %arg16[%add3A_20, %dma_start3A_124] : memref<10240x16xf32, #tpu.memory_space<vmem_shared>> -> memref<320x16xf32, #tpu.memory_space<vmem_shared>>
      tpu.enqueue_dma source(%arg15 : memref<320x16xf32, #tpu.memory_space<vmem>>) target(%dma_start3A_125 : memref<320x16xf32, #tpu.memory_space<vmem_shared>>) target_semaphore(%run_scoped3A : memref<!tpu.dma_semaphore, #tpu.memory_space<semaphore_mem>>)
      %dma_wait3A = arith.constant 0 : i32
      %dma_wait3A_126 = tpu.memref_slice %arg16[%add3A_20, %dma_wait3A] : memref<10240x16xf32, #tpu.memory_space<vmem_shared>> -> memref<320x16xf32, #tpu.memory_space<vmem_shared>>
      %dma_wait3A_127 = arith.constant 0 : i32
      %dma_wait3A_128 = tpu.memref_slice %arg16[%add3A_20, %dma_wait3A_127] : memref<10240x16xf32, #tpu.memory_space<vmem_shared>> -> memref<320x16xf32, #tpu.memory_space<vmem_shared>>
      tpu.wait_dma2 semaphore(%run_scoped3A : memref<!tpu.dma_semaphore, #tpu.memory_space<semaphore_mem>>) src(%arg15 : memref<320x16xf32, #tpu.memory_space<vmem>>) dst(%dma_wait3A_128 : memref<320x16xf32, #tpu.memory_space<vmem_shared>>)
      tpu.yield
    }) : () -> ()
    %mul3A_21 = arith.constant 640 : i32
    %mul3A_22 = arith.muli %arg1, %mul3A_21 : i32
    %add3A_23 = arith.constant 0 : i32
    %add3A_24 = arith.addi %mul3A_22, %add3A_23 : i32
    "tpu.region"() ({
      %run_scoped3A = tpu.sem_alloc : memref<!tpu.dma_semaphore, #tpu.memory_space<semaphore_mem>>
      %dma_start3A = arith.constant 0 : i32
      %dma_start3A_123 = tpu.memref_slice %arg17[%add3A_24, %dma_start3A] : memref<10240x16xf32, #tpu.memory_space<vmem_shared>> -> memref<320x16xf32, #tpu.memory_space<vmem_shared>>
      %dma_start3A_124 = arith.constant 0 : i32
      %dma_start3A_125 = tpu.memref_slice %arg17[%add3A_24, %dma_start3A_124] : memref<10240x16xf32, #tpu.memory_space<vmem_shared>> -> memref<320x16xf32, #tpu.memory_space<vmem_shared>>
      tpu.enqueue_dma source(%arg15 : memref<320x16xf32, #tpu.memory_space<vmem>>) target(%dma_start3A_125 : memref<320x16xf32, #tpu.memory_space<vmem_shared>>) target_semaphore(%run_scoped3A : memref<!tpu.dma_semaphore, #tpu.memory_space<semaphore_mem>>)
      %dma_wait3A = arith.constant 0 : i32
      %dma_wait3A_126 = tpu.memref_slice %arg17[%add3A_24, %dma_wait3A] : memref<10240x16xf32, #tpu.memory_space<vmem_shared>> -> memref<320x16xf32, #tpu.memory_space<vmem_shared>>
      %dma_wait3A_127 = arith.constant 0 : i32
      %dma_wait3A_128 = tpu.memref_slice %arg17[%add3A_24, %dma_wait3A_127] : memref<10240x16xf32, #tpu.memory_space<vmem_shared>> -> memref<320x16xf32, #tpu.memory_space<vmem_shared>>
      tpu.wait_dma2 semaphore(%run_scoped3A : memref<!tpu.dma_semaphore, #tpu.memory_space<semaphore_mem>>) src(%arg15 : memref<320x16xf32, #tpu.memory_space<vmem>>) dst(%dma_wait3A_128 : memref<320x16xf32, #tpu.memory_space<vmem_shared>>)
      tpu.yield
    }) : () -> ()
    %mul3A_25 = arith.constant 640 : i32
    %mul3A_26 = arith.muli %arg1, %mul3A_25 : i32
    %add3A_27 = arith.constant 320 : i32
    %add3A_28 = arith.addi %mul3A_26, %add3A_27 : i32
    "tpu.region"() ({
      %run_scoped3A = tpu.sem_alloc : memref<!tpu.dma_semaphore, #tpu.memory_space<semaphore_mem>>
      %dma_start3A = arith.constant 0 : i32
      %dma_start3A_123 = tpu.memref_slice %arg16[%add3A_28, %dma_start3A] : memref<10240x16xf32, #tpu.memory_space<vmem_shared>> -> memref<320x16xf32, #tpu.memory_space<vmem_shared>>
      %dma_start3A_124 = arith.constant 0 : i32
      %dma_start3A_125 = tpu.memref_slice %arg16[%add3A_28, %dma_start3A_124] : memref<10240x16xf32, #tpu.memory_space<vmem_shared>> -> memref<320x16xf32, #tpu.memory_space<vmem_shared>>
      tpu.enqueue_dma source(%arg15 : memref<320x16xf32, #tpu.memory_space<vmem>>) target(%dma_start3A_125 : memref<320x16xf32, #tpu.memory_space<vmem_shared>>) target_semaphore(%run_scoped3A : memref<!tpu.dma_semaphore, #tpu.memory_space<semaphore_mem>>)
      %dma_wait3A = arith.constant 0 : i32
      %dma_wait3A_126 = tpu.memref_slice %arg16[%add3A_28, %dma_wait3A] : memref<10240x16xf32, #tpu.memory_space<vmem_shared>> -> memref<320x16xf32, #tpu.memory_space<vmem_shared>>
      %dma_wait3A_127 = arith.constant 0 : i32
      %dma_wait3A_128 = tpu.memref_slice %arg16[%add3A_28, %dma_wait3A_127] : memref<10240x16xf32, #tpu.memory_space<vmem_shared>> -> memref<320x16xf32, #tpu.memory_space<vmem_shared>>
      tpu.wait_dma2 semaphore(%run_scoped3A : memref<!tpu.dma_semaphore, #tpu.memory_space<semaphore_mem>>) src(%arg15 : memref<320x16xf32, #tpu.memory_space<vmem>>) dst(%dma_wait3A_128 : memref<320x16xf32, #tpu.memory_space<vmem_shared>>)
      tpu.yield
    }) : () -> ()
    %mul3A_29 = arith.constant 640 : i32
    %mul3A_30 = arith.muli %arg1, %mul3A_29 : i32
    %add3A_31 = arith.constant 320 : i32
    %add3A_32 = arith.addi %mul3A_30, %add3A_31 : i32
    "tpu.region"() ({
      %run_scoped3A = tpu.sem_alloc : memref<!tpu.dma_semaphore, #tpu.memory_space<semaphore_mem>>
      %dma_start3A = arith.constant 0 : i32
      %dma_start3A_123 = tpu.memref_slice %arg17[%add3A_32, %dma_start3A] : memref<10240x16xf32, #tpu.memory_space<vmem_shared>> -> memref<320x16xf32, #tpu.memory_space<vmem_shared>>
      %dma_start3A_124 = arith.constant 0 : i32
      %dma_start3A_125 = tpu.memref_slice %arg17[%add3A_32, %dma_start3A_124] : memref<10240x16xf32, #tpu.memory_space<vmem_shared>> -> memref<320x16xf32, #tpu.memory_space<vmem_shared>>
      tpu.enqueue_dma source(%arg15 : memref<320x16xf32, #tpu.memory_space<vmem>>) target(%dma_start3A_125 : memref<320x16xf32, #tpu.memory_space<vmem_shared>>) target_semaphore(%run_scoped3A : memref<!tpu.dma_semaphore, #tpu.memory_space<semaphore_mem>>)
      %dma_wait3A = arith.constant 0 : i32
      %dma_wait3A_126 = tpu.memref_slice %arg17[%add3A_32, %dma_wait3A] : memref<10240x16xf32, #tpu.memory_space<vmem_shared>> -> memref<320x16xf32, #tpu.memory_space<vmem_shared>>
      %dma_wait3A_127 = arith.constant 0 : i32
      %dma_wait3A_128 = tpu.memref_slice %arg17[%add3A_32, %dma_wait3A_127] : memref<10240x16xf32, #tpu.memory_space<vmem_shared>> -> memref<320x16xf32, #tpu.memory_space<vmem_shared>>
      tpu.wait_dma2 semaphore(%run_scoped3A : memref<!tpu.dma_semaphore, #tpu.memory_space<semaphore_mem>>) src(%arg15 : memref<320x16xf32, #tpu.memory_space<vmem>>) dst(%dma_wait3A_128 : memref<320x16xf32, #tpu.memory_space<vmem_shared>>)
      tpu.yield
    }) : () -> ()
    %barrier3A = arith.constant 0 : index
    tpu.barrier barrier_id(%barrier3A)
    %mul3A_33 = arith.constant 2 : i32
    %mul3A_34 = arith.muli %arg1, %mul3A_33 : i32
    %add3A_35 = arith.constant 0 : i32
    %add3A_36 = arith.addi %mul3A_34, %add3A_35 : i32
    %mul3A_37 = arith.constant 5120 : i32
    %mul3A_38 = arith.muli %add3A_36, %mul3A_37 : i32
    %mul3A_39 = arith.constant 2 : i32
    %mul3A_40 = arith.muli %arg1, %mul3A_39 : i32
    %add3A_41 = arith.constant 0 : i32
    %add3A_42 = arith.addi %mul3A_40, %add3A_41 : i32
    %mul3A_43 = arith.constant 40 : i32
    %mul3A_44 = arith.muli %add3A_42, %mul3A_43 : i32
    "tpu.region"() ({
      %run_scoped3A = tpu.sem_alloc : memref<!tpu.dma_semaphore, #tpu.memory_space<semaphore_mem>>
      %dma_start3A = arith.constant 0 : i32
      %dma_start3A_123 = tpu.memref_slice %arg3[%mul3A_44, %dma_start3A] : memref<1280x128xi32, #tpu.memory_space<hbm>> -> memref<40x128xi32, #tpu.memory_space<hbm>>
      %dma_start3A_124 = arith.constant 0 : i32
      %dma_start3A_125 = tpu.memref_slice %arg3[%mul3A_44, %dma_start3A_124] : memref<1280x128xi32, #tpu.memory_space<hbm>> -> memref<40x128xi32, #tpu.memory_space<hbm>>
      tpu.enqueue_dma source(%dma_start3A_125 : memref<40x128xi32, #tpu.memory_space<hbm>>) target(%arg9 : memref<40x128xi32, #tpu.memory_space<vmem>>) target_semaphore(%run_scoped3A : memref<!tpu.dma_semaphore, #tpu.memory_space<semaphore_mem>>)
      %dma_wait3A = arith.constant 0 : i32
      %dma_wait3A_126 = tpu.memref_slice %arg3[%mul3A_44, %dma_wait3A] : memref<1280x128xi32, #tpu.memory_space<hbm>> -> memref<40x128xi32, #tpu.memory_space<hbm>>
      %dma_wait3A_127 = arith.constant 0 : i32
      %dma_wait3A_128 = tpu.memref_slice %arg3[%mul3A_44, %dma_wait3A_127] : memref<1280x128xi32, #tpu.memory_space<hbm>> -> memref<40x128xi32, #tpu.memory_space<hbm>>
      tpu.wait_dma2 semaphore(%run_scoped3A : memref<!tpu.dma_semaphore, #tpu.memory_space<semaphore_mem>>) src(%dma_wait3A_128 : memref<40x128xi32, #tpu.memory_space<hbm>>) dst(%arg9 : memref<40x128xi32, #tpu.memory_space<vmem>>)
      tpu.yield
    }) : () -> ()
    "tpu.region"() ({
      %run_scoped3A = tpu.sem_alloc : memref<!tpu.dma_semaphore, #tpu.memory_space<semaphore_mem>>
      %dma_start3A = arith.constant 0 : i32
      %dma_start3A_123 = tpu.memref_slice %arg2[%mul3A_38, %dma_start3A] : memref<163840x16xf32, #tpu.memory_space<hbm>> -> memref<5120x16xf32, #tpu.memory_space<hbm>>
      %dma_start3A_124 = arith.constant 0 : i32
      %dma_start3A_125 = tpu.memref_slice %arg2[%mul3A_38, %dma_start3A_124] : memref<163840x16xf32, #tpu.memory_space<hbm>> -> memref<5120x16xf32, #tpu.memory_space<hbm>>
      tpu.enqueue_dma source(%dma_start3A_125 : memref<5120x16xf32, #tpu.memory_space<hbm>>) target(%arg10 : memref<5120x16xf32, #tpu.memory_space<vmem>>) target_semaphore(%run_scoped3A : memref<!tpu.dma_semaphore, #tpu.memory_space<semaphore_mem>>)
      %dma_wait3A = arith.constant 0 : i32
      %dma_wait3A_126 = tpu.memref_slice %arg2[%mul3A_38, %dma_wait3A] : memref<163840x16xf32, #tpu.memory_space<hbm>> -> memref<5120x16xf32, #tpu.memory_space<hbm>>
      %dma_wait3A_127 = arith.constant 0 : i32
      %dma_wait3A_128 = tpu.memref_slice %arg2[%mul3A_38, %dma_wait3A_127] : memref<163840x16xf32, #tpu.memory_space<hbm>> -> memref<5120x16xf32, #tpu.memory_space<hbm>>
      tpu.wait_dma2 semaphore(%run_scoped3A : memref<!tpu.dma_semaphore, #tpu.memory_space<semaphore_mem>>) src(%dma_wait3A_128 : memref<5120x16xf32, #tpu.memory_space<hbm>>) dst(%arg10 : memref<5120x16xf32, #tpu.memory_space<vmem>>)
      tpu.yield
    }) : () -> ()
    %scan3A_45 = arith.constant 0 : i32
    %scan3A_46 = arith.constant 0 : i32
    %scan3A_47 = arith.constant 40 : i32
    %scan3A_48 = arith.addi %scan3A_46, %scan3A_47 : i32
    %scan3A_49 = arith.constant 1 : i32
    scf.for %scan3A_123 = %scan3A_46 to %scan3A_48 step %scan3A_49  : i32 {
      %mul3A_124 = arith.constant 128 : i32
      %mul3A_125 = arith.muli %scan3A_123, %mul3A_124 : i32
      %dma_start3A = arith.constant 0 : i32
      %dma_start3A_126 = tpu.memref_slice %arg10[%mul3A_125, %dma_start3A] : memref<5120x16xf32, #tpu.memory_space<vmem>> -> memref<128x16xf32, #tpu.memory_space<vmem>>
      %dma_start3A_127 = arith.constant 0 : i32
      %dma_start3A_128 = tpu.memref_slice %arg9[%scan3A_123, %dma_start3A_127] : memref<40x128xi32, #tpu.memory_space<vmem>> -> memref<1x128xi32, #tpu.memory_space<vmem>>
      %dma_start3A_129 = tpu.memref_squeeze %dma_start3A_128 : memref<1x128xi32, #tpu.memory_space<vmem>> -> memref<128xi32, #tpu.memory_space<vmem>>
      %dma_start3A_130 = arith.constant 0 : i32
      %dma_start3A_131 = arith.constant 0 : i32
      %dma_start3A_132 = tpu.memref_slice %arg16[%dma_start3A_130, %dma_start3A_131] : memref<10240x16xf32, #tpu.memory_space<vmem_shared>> -> memref<10240x16xf32, #tpu.memory_space<vmem_shared>>
      tpu.enqueue_indirect_dma source(%dma_start3A_126 : memref<128x16xf32, #tpu.memory_space<vmem>>) target(%dma_start3A_132 : memref<10240x16xf32, #tpu.memory_space<vmem_shared>>) offsets(%dma_start3A_129 : memref<128xi32, #tpu.memory_space<vmem>>) semaphore(%arg18 : memref<!tpu.dma_semaphore, #tpu.memory_space<semaphore_mem>>) {add = true}
      %dma_start3A_133 = arith.constant 0 : i32
      %dma_start3A_134 = tpu.memref_slice %arg9[%scan3A_123, %dma_start3A_133] : memref<40x128xi32, #tpu.memory_space<vmem>> -> memref<1x128xi32, #tpu.memory_space<vmem>>
      %dma_start3A_135 = tpu.memref_squeeze %dma_start3A_134 : memref<1x128xi32, #tpu.memory_space<vmem>> -> memref<128xi32, #tpu.memory_space<vmem>>
      %dma_start3A_136 = arith.constant 0 : i32
      %dma_start3A_137 = arith.constant 0 : i32
      %dma_start3A_138 = tpu.memref_slice %arg17[%dma_start3A_136, %dma_start3A_137] : memref<10240x16xf32, #tpu.memory_space<vmem_shared>> -> memref<10240x16xf32, #tpu.memory_space<vmem_shared>>
      tpu.enqueue_indirect_dma source(%arg11 : memref<128x16xf32, #tpu.memory_space<vmem>>) target(%dma_start3A_138 : memref<10240x16xf32, #tpu.memory_space<vmem_shared>>) offsets(%dma_start3A_135 : memref<128xi32, #tpu.memory_space<vmem>>) semaphore(%arg18 : memref<!tpu.dma_semaphore, #tpu.memory_space<semaphore_mem>>) {add = true}
    }
    %scan3A_50 = arith.constant 40 : i32
    %scan3A_51 = arith.constant 0 : i32
    %scan3A_52 = arith.constant 0 : i32
    %scan3A_53 = arith.constant 40 : i32
    %scan3A_54 = arith.addi %scan3A_52, %scan3A_53 : i32
    %scan3A_55 = arith.constant 1 : i32
    scf.for %scan3A_123 = %scan3A_52 to %scan3A_54 step %scan3A_55  : i32 {
      %mul3A_124 = arith.constant 128 : i32
      %mul3A_125 = arith.muli %scan3A_123, %mul3A_124 : i32
      %dma_wait3A = arith.constant 0 : i32
      %dma_wait3A_126 = tpu.memref_slice %arg10[%mul3A_125, %dma_wait3A] : memref<5120x16xf32, #tpu.memory_space<vmem>> -> memref<128x16xf32, #tpu.memory_space<vmem>>
      %dma_wait3A_127 = arith.constant 0 : i32
      %dma_wait3A_128 = tpu.memref_slice %arg9[%scan3A_123, %dma_wait3A_127] : memref<40x128xi32, #tpu.memory_space<vmem>> -> memref<1x128xi32, #tpu.memory_space<vmem>>
      %dma_wait3A_129 = tpu.memref_squeeze %dma_wait3A_128 : memref<1x128xi32, #tpu.memory_space<vmem>> -> memref<128xi32, #tpu.memory_space<vmem>>
      %dma_wait3A_130 = arith.constant 0 : i32
      %dma_wait3A_131 = arith.constant 0 : i32
      %dma_wait3A_132 = tpu.memref_slice %arg16[%dma_wait3A_130, %dma_wait3A_131] : memref<10240x16xf32, #tpu.memory_space<vmem_shared>> -> memref<10240x16xf32, #tpu.memory_space<vmem_shared>>
      tpu.wait_indirect_dma semaphore(%arg18 : memref<!tpu.dma_semaphore, #tpu.memory_space<semaphore_mem>>) src(%dma_wait3A_126 : memref<128x16xf32, #tpu.memory_space<vmem>>) dst(%dma_wait3A_132 : memref<10240x16xf32, #tpu.memory_space<vmem_shared>>)
      %dma_wait3A_133 = arith.constant 0 : i32
      %dma_wait3A_134 = tpu.memref_slice %arg9[%scan3A_123, %dma_wait3A_133] : memref<40x128xi32, #tpu.memory_space<vmem>> -> memref<1x128xi32, #tpu.memory_space<vmem>>
      %dma_wait3A_135 = tpu.memref_squeeze %dma_wait3A_134 : memref<1x128xi32, #tpu.memory_space<vmem>> -> memref<128xi32, #tpu.memory_space<vmem>>
      %dma_wait3A_136 = arith.constant 0 : i32
      %dma_wait3A_137 = arith.constant 0 : i32
      %dma_wait3A_138 = tpu.memref_slice %arg17[%dma_wait3A_136, %dma_wait3A_137] : memref<10240x16xf32, #tpu.memory_space<vmem_shared>> -> memref<10240x16xf32, #tpu.memory_space<vmem_shared>>
      tpu.wait_indirect_dma semaphore(%arg18 : memref<!tpu.dma_semaphore, #tpu.memory_space<semaphore_mem>>) src(%arg11 : memref<128x16xf32, #tpu.memory_space<vmem>>) dst(%dma_wait3A_138 : memref<10240x16xf32, #tpu.memory_space<vmem_shared>>)
    }
    %scan3A_56 = arith.constant 40 : i32
    %mul3A_57 = arith.constant 2 : i32
    %mul3A_58 = arith.muli %arg1, %mul3A_57 : i32
    %add3A_59 = arith.constant 1 : i32
    %add3A_60 = arith.addi %mul3A_58, %add3A_59 : i32
    %mul3A_61 = arith.constant 5120 : i32
    %mul3A_62 = arith.muli %add3A_60, %mul3A_61 : i32
    %mul3A_63 = arith.constant 2 : i32
    %mul3A_64 = arith.muli %arg1, %mul3A_63 : i32
    %add3A_65 = arith.constant 1 : i32
    %add3A_66 = arith.addi %mul3A_64, %add3A_65 : i32
    %mul3A_67 = arith.constant 40 : i32
    %mul3A_68 = arith.muli %add3A_66, %mul3A_67 : i32
    "tpu.region"() ({
      %run_scoped3A = tpu.sem_alloc : memref<!tpu.dma_semaphore, #tpu.memory_space<semaphore_mem>>
      %dma_start3A = arith.constant 0 : i32
      %dma_start3A_123 = tpu.memref_slice %arg3[%mul3A_68, %dma_start3A] : memref<1280x128xi32, #tpu.memory_space<hbm>> -> memref<40x128xi32, #tpu.memory_space<hbm>>
      %dma_start3A_124 = arith.constant 0 : i32
      %dma_start3A_125 = tpu.memref_slice %arg3[%mul3A_68, %dma_start3A_124] : memref<1280x128xi32, #tpu.memory_space<hbm>> -> memref<40x128xi32, #tpu.memory_space<hbm>>
      tpu.enqueue_dma source(%dma_start3A_125 : memref<40x128xi32, #tpu.memory_space<hbm>>) target(%arg9 : memref<40x128xi32, #tpu.memory_space<vmem>>) target_semaphore(%run_scoped3A : memref<!tpu.dma_semaphore, #tpu.memory_space<semaphore_mem>>)
      %dma_wait3A = arith.constant 0 : i32
      %dma_wait3A_126 = tpu.memref_slice %arg3[%mul3A_68, %dma_wait3A] : memref<1280x128xi32, #tpu.memory_space<hbm>> -> memref<40x128xi32, #tpu.memory_space<hbm>>
      %dma_wait3A_127 = arith.constant 0 : i32
      %dma_wait3A_128 = tpu.memref_slice %arg3[%mul3A_68, %dma_wait3A_127] : memref<1280x128xi32, #tpu.memory_space<hbm>> -> memref<40x128xi32, #tpu.memory_space<hbm>>
      tpu.wait_dma2 semaphore(%run_scoped3A : memref<!tpu.dma_semaphore, #tpu.memory_space<semaphore_mem>>) src(%dma_wait3A_128 : memref<40x128xi32, #tpu.memory_space<hbm>>) dst(%arg9 : memref<40x128xi32, #tpu.memory_space<vmem>>)
      tpu.yield
    }) : () -> ()
    "tpu.region"() ({
      %run_scoped3A = tpu.sem_alloc : memref<!tpu.dma_semaphore, #tpu.memory_space<semaphore_mem>>
      %dma_start3A = arith.constant 0 : i32
      %dma_start3A_123 = tpu.memref_slice %arg2[%mul3A_62, %dma_start3A] : memref<163840x16xf32, #tpu.memory_space<hbm>> -> memref<5120x16xf32, #tpu.memory_space<hbm>>
      %dma_start3A_124 = arith.constant 0 : i32
      %dma_start3A_125 = tpu.memref_slice %arg2[%mul3A_62, %dma_start3A_124] : memref<163840x16xf32, #tpu.memory_space<hbm>> -> memref<5120x16xf32, #tpu.memory_space<hbm>>
      tpu.enqueue_dma source(%dma_start3A_125 : memref<5120x16xf32, #tpu.memory_space<hbm>>) target(%arg10 : memref<5120x16xf32, #tpu.memory_space<vmem>>) target_semaphore(%run_scoped3A : memref<!tpu.dma_semaphore, #tpu.memory_space<semaphore_mem>>)
      %dma_wait3A = arith.constant 0 : i32
      %dma_wait3A_126 = tpu.memref_slice %arg2[%mul3A_62, %dma_wait3A] : memref<163840x16xf32, #tpu.memory_space<hbm>> -> memref<5120x16xf32, #tpu.memory_space<hbm>>
      %dma_wait3A_127 = arith.constant 0 : i32
      %dma_wait3A_128 = tpu.memref_slice %arg2[%mul3A_62, %dma_wait3A_127] : memref<163840x16xf32, #tpu.memory_space<hbm>> -> memref<5120x16xf32, #tpu.memory_space<hbm>>
      tpu.wait_dma2 semaphore(%run_scoped3A : memref<!tpu.dma_semaphore, #tpu.memory_space<semaphore_mem>>) src(%dma_wait3A_128 : memref<5120x16xf32, #tpu.memory_space<hbm>>) dst(%arg10 : memref<5120x16xf32, #tpu.memory_space<vmem>>)
      tpu.yield
    }) : () -> ()
    %scan3A_69 = arith.constant 0 : i32
    %scan3A_70 = arith.constant 0 : i32
    %scan3A_71 = arith.constant 40 : i32
    %scan3A_72 = arith.addi %scan3A_70, %scan3A_71 : i32
    %scan3A_73 = arith.constant 1 : i32
    scf.for %scan3A_123 = %scan3A_70 to %scan3A_72 step %scan3A_73  : i32 {
      %mul3A_124 = arith.constant 128 : i32
      %mul3A_125 = arith.muli %scan3A_123, %mul3A_124 : i32
      %dma_start3A = arith.constant 0 : i32
      %dma_start3A_126 = tpu.memref_slice %arg10[%mul3A_125, %dma_start3A] : memref<5120x16xf32, #tpu.memory_space<vmem>> -> memref<128x16xf32, #tpu.memory_space<vmem>>
      %dma_start3A_127 = arith.constant 0 : i32
      %dma_start3A_128 = tpu.memref_slice %arg9[%scan3A_123, %dma_start3A_127] : memref<40x128xi32, #tpu.memory_space<vmem>> -> memref<1x128xi32, #tpu.memory_space<vmem>>
      %dma_start3A_129 = tpu.memref_squeeze %dma_start3A_128 : memref<1x128xi32, #tpu.memory_space<vmem>> -> memref<128xi32, #tpu.memory_space<vmem>>
      %dma_start3A_130 = arith.constant 0 : i32
      %dma_start3A_131 = arith.constant 0 : i32
      %dma_start3A_132 = tpu.memref_slice %arg16[%dma_start3A_130, %dma_start3A_131] : memref<10240x16xf32, #tpu.memory_space<vmem_shared>> -> memref<10240x16xf32, #tpu.memory_space<vmem_shared>>
      tpu.enqueue_indirect_dma source(%dma_start3A_126 : memref<128x16xf32, #tpu.memory_space<vmem>>) target(%dma_start3A_132 : memref<10240x16xf32, #tpu.memory_space<vmem_shared>>) offsets(%dma_start3A_129 : memref<128xi32, #tpu.memory_space<vmem>>) semaphore(%arg18 : memref<!tpu.dma_semaphore, #tpu.memory_space<semaphore_mem>>) {add = true}
      %dma_start3A_133 = arith.constant 0 : i32
      %dma_start3A_134 = tpu.memref_slice %arg9[%scan3A_123, %dma_start3A_133] : memref<40x128xi32, #tpu.memory_space<vmem>> -> memref<1x128xi32, #tpu.memory_space<vmem>>
      %dma_start3A_135 = tpu.memref_squeeze %dma_start3A_134 : memref<1x128xi32, #tpu.memory_space<vmem>> -> memref<128xi32, #tpu.memory_space<vmem>>
      %dma_start3A_136 = arith.constant 0 : i32
      %dma_start3A_137 = arith.constant 0 : i32
      %dma_start3A_138 = tpu.memref_slice %arg17[%dma_start3A_136, %dma_start3A_137] : memref<10240x16xf32, #tpu.memory_space<vmem_shared>> -> memref<10240x16xf32, #tpu.memory_space<vmem_shared>>
      tpu.enqueue_indirect_dma source(%arg11 : memref<128x16xf32, #tpu.memory_space<vmem>>) target(%dma_start3A_138 : memref<10240x16xf32, #tpu.memory_space<vmem_shared>>) offsets(%dma_start3A_135 : memref<128xi32, #tpu.memory_space<vmem>>) semaphore(%arg18 : memref<!tpu.dma_semaphore, #tpu.memory_space<semaphore_mem>>) {add = true}
    }
    %scan3A_74 = arith.constant 40 : i32
    %scan3A_75 = arith.constant 0 : i32
    %scan3A_76 = arith.constant 0 : i32
    %scan3A_77 = arith.constant 40 : i32
    %scan3A_78 = arith.addi %scan3A_76, %scan3A_77 : i32
    %scan3A_79 = arith.constant 1 : i32
    scf.for %scan3A_123 = %scan3A_76 to %scan3A_78 step %scan3A_79  : i32 {
      %mul3A_124 = arith.constant 128 : i32
      %mul3A_125 = arith.muli %scan3A_123, %mul3A_124 : i32
      %dma_wait3A = arith.constant 0 : i32
      %dma_wait3A_126 = tpu.memref_slice %arg10[%mul3A_125, %dma_wait3A] : memref<5120x16xf32, #tpu.memory_space<vmem>> -> memref<128x16xf32, #tpu.memory_space<vmem>>
      %dma_wait3A_127 = arith.constant 0 : i32
      %dma_wait3A_128 = tpu.memref_slice %arg9[%scan3A_123, %dma_wait3A_127] : memref<40x128xi32, #tpu.memory_space<vmem>> -> memref<1x128xi32, #tpu.memory_space<vmem>>
      %dma_wait3A_129 = tpu.memref_squeeze %dma_wait3A_128 : memref<1x128xi32, #tpu.memory_space<vmem>> -> memref<128xi32, #tpu.memory_space<vmem>>
      %dma_wait3A_130 = arith.constant 0 : i32
      %dma_wait3A_131 = arith.constant 0 : i32
      %dma_wait3A_132 = tpu.memref_slice %arg16[%dma_wait3A_130, %dma_wait3A_131] : memref<10240x16xf32, #tpu.memory_space<vmem_shared>> -> memref<10240x16xf32, #tpu.memory_space<vmem_shared>>
      tpu.wait_indirect_dma semaphore(%arg18 : memref<!tpu.dma_semaphore, #tpu.memory_space<semaphore_mem>>) src(%dma_wait3A_126 : memref<128x16xf32, #tpu.memory_space<vmem>>) dst(%dma_wait3A_132 : memref<10240x16xf32, #tpu.memory_space<vmem_shared>>)
      %dma_wait3A_133 = arith.constant 0 : i32
      %dma_wait3A_134 = tpu.memref_slice %arg9[%scan3A_123, %dma_wait3A_133] : memref<40x128xi32, #tpu.memory_space<vmem>> -> memref<1x128xi32, #tpu.memory_space<vmem>>
      %dma_wait3A_135 = tpu.memref_squeeze %dma_wait3A_134 : memref<1x128xi32, #tpu.memory_space<vmem>> -> memref<128xi32, #tpu.memory_space<vmem>>
      %dma_wait3A_136 = arith.constant 0 : i32
      %dma_wait3A_137 = arith.constant 0 : i32
      %dma_wait3A_138 = tpu.memref_slice %arg17[%dma_wait3A_136, %dma_wait3A_137] : memref<10240x16xf32, #tpu.memory_space<vmem_shared>> -> memref<10240x16xf32, #tpu.memory_space<vmem_shared>>
      tpu.wait_indirect_dma semaphore(%arg18 : memref<!tpu.dma_semaphore, #tpu.memory_space<semaphore_mem>>) src(%arg11 : memref<128x16xf32, #tpu.memory_space<vmem>>) dst(%dma_wait3A_138 : memref<10240x16xf32, #tpu.memory_space<vmem_shared>>)
    }
    %scan3A_80 = arith.constant 40 : i32
    %barrier3A_81 = arith.constant 0 : index
    tpu.barrier barrier_id(%barrier3A_81)
    %mul3A_82 = arith.constant 640 : i32
    %mul3A_83 = arith.muli %arg1, %mul3A_82 : i32
    %add3A_84 = arith.constant 0 : i32
    %add3A_85 = arith.addi %mul3A_83, %add3A_84 : i32
    "tpu.region"() ({
      %run_scoped3A = tpu.sem_alloc : memref<!tpu.dma_semaphore, #tpu.memory_space<semaphore_mem>>
      %dma_start3A = arith.constant 0 : i32
      %dma_start3A_123 = tpu.memref_slice %arg16[%add3A_85, %dma_start3A] : memref<10240x16xf32, #tpu.memory_space<vmem_shared>> -> memref<320x16xf32, #tpu.memory_space<vmem_shared>>
      %dma_start3A_124 = arith.constant 0 : i32
      %dma_start3A_125 = tpu.memref_slice %arg16[%add3A_85, %dma_start3A_124] : memref<10240x16xf32, #tpu.memory_space<vmem_shared>> -> memref<320x16xf32, #tpu.memory_space<vmem_shared>>
      tpu.enqueue_dma source(%dma_start3A_125 : memref<320x16xf32, #tpu.memory_space<vmem_shared>>) target(%arg12 : memref<320x16xf32, #tpu.memory_space<vmem>>) target_semaphore(%run_scoped3A : memref<!tpu.dma_semaphore, #tpu.memory_space<semaphore_mem>>)
      %dma_wait3A = arith.constant 0 : i32
      %dma_wait3A_126 = tpu.memref_slice %arg16[%add3A_85, %dma_wait3A] : memref<10240x16xf32, #tpu.memory_space<vmem_shared>> -> memref<320x16xf32, #tpu.memory_space<vmem_shared>>
      %dma_wait3A_127 = arith.constant 0 : i32
      %dma_wait3A_128 = tpu.memref_slice %arg16[%add3A_85, %dma_wait3A_127] : memref<10240x16xf32, #tpu.memory_space<vmem_shared>> -> memref<320x16xf32, #tpu.memory_space<vmem_shared>>
      tpu.wait_dma2 semaphore(%run_scoped3A : memref<!tpu.dma_semaphore, #tpu.memory_space<semaphore_mem>>) src(%dma_wait3A_128 : memref<320x16xf32, #tpu.memory_space<vmem_shared>>) dst(%arg12 : memref<320x16xf32, #tpu.memory_space<vmem>>)
      tpu.yield
    }) : () -> ()
    "tpu.region"() ({
      %run_scoped3A = tpu.sem_alloc : memref<!tpu.dma_semaphore, #tpu.memory_space<semaphore_mem>>
      %dma_start3A = arith.constant 0 : i32
      %dma_start3A_123 = tpu.memref_slice %arg17[%add3A_85, %dma_start3A] : memref<10240x16xf32, #tpu.memory_space<vmem_shared>> -> memref<320x16xf32, #tpu.memory_space<vmem_shared>>
      %dma_start3A_124 = arith.constant 0 : i32
      %dma_start3A_125 = tpu.memref_slice %arg17[%add3A_85, %dma_start3A_124] : memref<10240x16xf32, #tpu.memory_space<vmem_shared>> -> memref<320x16xf32, #tpu.memory_space<vmem_shared>>
      tpu.enqueue_dma source(%dma_start3A_125 : memref<320x16xf32, #tpu.memory_space<vmem_shared>>) target(%arg13 : memref<320x16xf32, #tpu.memory_space<vmem>>) target_semaphore(%run_scoped3A : memref<!tpu.dma_semaphore, #tpu.memory_space<semaphore_mem>>)
      %dma_wait3A = arith.constant 0 : i32
      %dma_wait3A_126 = tpu.memref_slice %arg17[%add3A_85, %dma_wait3A] : memref<10240x16xf32, #tpu.memory_space<vmem_shared>> -> memref<320x16xf32, #tpu.memory_space<vmem_shared>>
      %dma_wait3A_127 = arith.constant 0 : i32
      %dma_wait3A_128 = tpu.memref_slice %arg17[%add3A_85, %dma_wait3A_127] : memref<10240x16xf32, #tpu.memory_space<vmem_shared>> -> memref<320x16xf32, #tpu.memory_space<vmem_shared>>
      tpu.wait_dma2 semaphore(%run_scoped3A : memref<!tpu.dma_semaphore, #tpu.memory_space<semaphore_mem>>) src(%dma_wait3A_128 : memref<320x16xf32, #tpu.memory_space<vmem_shared>>) dst(%arg13 : memref<320x16xf32, #tpu.memory_space<vmem>>)
      tpu.yield
    }) : () -> ()
    "tpu.region"() ({
      %run_scoped3A = tpu.sem_alloc : memref<!tpu.dma_semaphore, #tpu.memory_space<semaphore_mem>>
      %dma_start3A = arith.constant 0 : i32
      %dma_start3A_123 = tpu.memref_slice %arg5[%add3A_85, %dma_start3A] : memref<10240x16xf32, #tpu.memory_space<hbm>> -> memref<320x16xf32, #tpu.memory_space<hbm>>
      %dma_start3A_124 = arith.constant 0 : i32
      %dma_start3A_125 = tpu.memref_slice %arg5[%add3A_85, %dma_start3A_124] : memref<10240x16xf32, #tpu.memory_space<hbm>> -> memref<320x16xf32, #tpu.memory_space<hbm>>
      tpu.enqueue_dma source(%dma_start3A_125 : memref<320x16xf32, #tpu.memory_space<hbm>>) target(%arg14 : memref<320x16xf32, #tpu.memory_space<vmem>>) target_semaphore(%run_scoped3A : memref<!tpu.dma_semaphore, #tpu.memory_space<semaphore_mem>>)
      %dma_wait3A = arith.constant 0 : i32
      %dma_wait3A_126 = tpu.memref_slice %arg5[%add3A_85, %dma_wait3A] : memref<10240x16xf32, #tpu.memory_space<hbm>> -> memref<320x16xf32, #tpu.memory_space<hbm>>
      %dma_wait3A_127 = arith.constant 0 : i32
      %dma_wait3A_128 = tpu.memref_slice %arg5[%add3A_85, %dma_wait3A_127] : memref<10240x16xf32, #tpu.memory_space<hbm>> -> memref<320x16xf32, #tpu.memory_space<hbm>>
      tpu.wait_dma2 semaphore(%run_scoped3A : memref<!tpu.dma_semaphore, #tpu.memory_space<semaphore_mem>>) src(%dma_wait3A_128 : memref<320x16xf32, #tpu.memory_space<hbm>>) dst(%arg14 : memref<320x16xf32, #tpu.memory_space<vmem>>)
      tpu.yield
    }) : () -> ()
    %scan3A_86 = arith.constant 0 : i32
    %scan3A_87 = arith.constant 0 : i32
    %scan3A_88 = arith.constant 320 : i32
    %scan3A_89 = arith.addi %scan3A_87, %scan3A_88 : i32
    %scan3A_90 = arith.constant 1 : i32
    scf.for %scan3A_123 = %scan3A_87 to %scan3A_89 step %scan3A_90  : i32 {
      %get3A = arith.index_cast %scan3A_123 : i32 to index
      %get3A_124 = arith.constant 0 : index
      %get3A_125 = tpu.vector_load %arg12[%get3A, %get3A_124] {strides = array<i32>} : memref<320x16xf32, #tpu.memory_space<vmem>>, vector<1x16xf32>,
      %get3A_126 = vector.shape_cast %get3A_125 : vector<1x16xf32> to vector<16xf32>
      %get3A_127 = arith.index_cast %scan3A_123 : i32 to index
      %get3A_128 = arith.constant 0 : index
      %get3A_129 = tpu.vector_load %arg13[%get3A_127, %get3A_128] {strides = array<i32>} : memref<320x16xf32, #tpu.memory_space<vmem>>, vector<1x16xf32>,
      %get3A_130 = vector.shape_cast %get3A_129 : vector<1x16xf32> to vector<16xf32>
      %max3A = arith.constant 1.000000e+00 : f32
      %max3A_131 = vector.broadcast %max3A : f32 to vector<16xf32>
      %max3A_132 = arith.maximumf %get3A_130, %max3A_131 : vector<16xf32>
      %div3A = arith.divf %get3A_126, %max3A_132 : vector<16xf32>
      %get3A_133 = arith.index_cast %scan3A_123 : i32 to index
      %get3A_134 = arith.constant 0 : index
      %get3A_135 = tpu.vector_load %arg14[%get3A_133, %get3A_134] {strides = array<i32>} : memref<320x16xf32, #tpu.memory_space<vmem>>, vector<1x16xf32>,
      %get3A_136 = vector.shape_cast %get3A_135 : vector<1x16xf32> to vector<16xf32>
      %add3A_137 = arith.addf %div3A, %get3A_136 : vector<16xf32>
      %gt3A = arith.constant 0.000000e+00 : f32
      %gt3A_138 = vector.broadcast %gt3A : f32 to vector<16xf32>
      %gt3A_139 = arith.cmpf ogt, %add3A_137, %gt3A_138 : vector<16xf32>
      %min3A = arith.constant 0.000000e+00 : f32
      %min3A_140 = vector.broadcast %min3A : f32 to vector<16xf32>
      %min3A_141 = arith.minimumf %add3A_137, %min3A_140 : vector<16xf32>
      %exp3A = math.exp %min3A_141 : vector<16xf32>
      %sub3A = arith.constant 1.000000e+00 : f32
      %sub3A_142 = vector.broadcast %sub3A : f32 to vector<16xf32>
      %sub3A_143 = arith.subf %exp3A, %sub3A_142 : vector<16xf32>
      %select_n3A = arith.select %gt3A_139, %add3A_137, %sub3A_143 : vector<16xi1>, vector<16xf32>
      %swap3A = arith.index_cast %scan3A_123 : i32 to index
      %swap3A_144 = arith.constant 0 : index
      %swap3A_145 = tpu.vector_load %arg15[%swap3A, %swap3A_144] {strides = array<i32>} : memref<320x16xf32, #tpu.memory_space<vmem>>, vector<1x16xf32>,
      %swap3A_146 = vector.shape_cast %swap3A_145 : vector<1x16xf32> to vector<16xf32>
      %swap3A_147 = vector.shape_cast %select_n3A : vector<16xf32> to vector<1x16xf32>
      tpu.vector_store %arg15[%swap3A, %swap3A_144], %swap3A_147 {strides = array<i32>} : memref<320x16xf32, #tpu.memory_space<vmem>>, vector<1x16xf32>,
    }
    %scan3A_91 = arith.constant 320 : i32
    "tpu.region"() ({
      %run_scoped3A = tpu.sem_alloc : memref<!tpu.dma_semaphore, #tpu.memory_space<semaphore_mem>>
      %dma_start3A = arith.constant 0 : i32
      %dma_start3A_123 = tpu.memref_slice %arg16[%add3A_85, %dma_start3A] : memref<10240x16xf32, #tpu.memory_space<vmem_shared>> -> memref<320x16xf32, #tpu.memory_space<vmem_shared>>
      %dma_start3A_124 = arith.constant 0 : i32
      %dma_start3A_125 = tpu.memref_slice %arg16[%add3A_85, %dma_start3A_124] : memref<10240x16xf32, #tpu.memory_space<vmem_shared>> -> memref<320x16xf32, #tpu.memory_space<vmem_shared>>
      tpu.enqueue_dma source(%arg15 : memref<320x16xf32, #tpu.memory_space<vmem>>) target(%dma_start3A_125 : memref<320x16xf32, #tpu.memory_space<vmem_shared>>) target_semaphore(%run_scoped3A : memref<!tpu.dma_semaphore, #tpu.memory_space<semaphore_mem>>)
      %dma_wait3A = arith.constant 0 : i32
      %dma_wait3A_126 = tpu.memref_slice %arg16[%add3A_85, %dma_wait3A] : memref<10240x16xf32, #tpu.memory_space<vmem_shared>> -> memref<320x16xf32, #tpu.memory_space<vmem_shared>>
      %dma_wait3A_127 = arith.constant 0 : i32
      %dma_wait3A_128 = tpu.memref_slice %arg16[%add3A_85, %dma_wait3A_127] : memref<10240x16xf32, #tpu.memory_space<vmem_shared>> -> memref<320x16xf32, #tpu.memory_space<vmem_shared>>
      tpu.wait_dma2 semaphore(%run_scoped3A : memref<!tpu.dma_semaphore, #tpu.memory_space<semaphore_mem>>) src(%arg15 : memref<320x16xf32, #tpu.memory_space<vmem>>) dst(%dma_wait3A_128 : memref<320x16xf32, #tpu.memory_space<vmem_shared>>)
      tpu.yield
    }) : () -> ()
    %convert_element_type3A = arith.extui %eq3A_5 : i1 to i32
    %cond3A = arith.constant 0 : i32
    %cond3A_92 = arith.cmpi ne, %convert_element_type3A, %cond3A : i32
    scf.if %cond3A_92 {
      "tpu.region"() ({
        %run_scoped3A = tpu.sem_alloc : memref<!tpu.dma_semaphore, #tpu.memory_space<semaphore_mem>>
        %dma_start3A = arith.constant 0 : i32
        %dma_start3A_123 = tpu.memref_slice %arg7[%add3A_85, %dma_start3A] : memref<10240x16xf32, #tpu.memory_space<hbm>> -> memref<320x16xf32, #tpu.memory_space<hbm>>
        %dma_start3A_124 = arith.constant 0 : i32
        %dma_start3A_125 = tpu.memref_slice %arg7[%add3A_85, %dma_start3A_124] : memref<10240x16xf32, #tpu.memory_space<hbm>> -> memref<320x16xf32, #tpu.memory_space<hbm>>
        tpu.enqueue_dma source(%arg15 : memref<320x16xf32, #tpu.memory_space<vmem>>) target(%dma_start3A_125 : memref<320x16xf32, #tpu.memory_space<hbm>>) target_semaphore(%run_scoped3A : memref<!tpu.dma_semaphore, #tpu.memory_space<semaphore_mem>>)
        %dma_wait3A = arith.constant 0 : i32
        %dma_wait3A_126 = tpu.memref_slice %arg7[%add3A_85, %dma_wait3A] : memref<10240x16xf32, #tpu.memory_space<hbm>> -> memref<320x16xf32, #tpu.memory_space<hbm>>
        %dma_wait3A_127 = arith.constant 0 : i32
        %dma_wait3A_128 = tpu.memref_slice %arg7[%add3A_85, %dma_wait3A_127] : memref<10240x16xf32, #tpu.memory_space<hbm>> -> memref<320x16xf32, #tpu.memory_space<hbm>>
        tpu.wait_dma2 semaphore(%run_scoped3A : memref<!tpu.dma_semaphore, #tpu.memory_space<semaphore_mem>>) src(%arg15 : memref<320x16xf32, #tpu.memory_space<vmem>>) dst(%dma_wait3A_128 : memref<320x16xf32, #tpu.memory_space<hbm>>)
        tpu.yield
      }) : () -> ()
      "tpu.region"() ({
        %run_scoped3A = tpu.sem_alloc : memref<!tpu.dma_semaphore, #tpu.memory_space<semaphore_mem>>
        %dma_start3A = arith.constant 0 : i32
        %dma_start3A_123 = tpu.memref_slice %arg8[%add3A_85, %dma_start3A] : memref<10240x16xf32, #tpu.memory_space<hbm>> -> memref<320x16xf32, #tpu.memory_space<hbm>>
        %dma_start3A_124 = arith.constant 0 : i32
        %dma_start3A_125 = tpu.memref_slice %arg8[%add3A_85, %dma_start3A_124] : memref<10240x16xf32, #tpu.memory_space<hbm>> -> memref<320x16xf32, #tpu.memory_space<hbm>>
        tpu.enqueue_dma source(%arg13 : memref<320x16xf32, #tpu.memory_space<vmem>>) target(%dma_start3A_125 : memref<320x16xf32, #tpu.memory_space<hbm>>) target_semaphore(%run_scoped3A : memref<!tpu.dma_semaphore, #tpu.memory_space<semaphore_mem>>)
        %dma_wait3A = arith.constant 0 : i32
        %dma_wait3A_126 = tpu.memref_slice %arg8[%add3A_85, %dma_wait3A] : memref<10240x16xf32, #tpu.memory_space<hbm>> -> memref<320x16xf32, #tpu.memory_space<hbm>>
        %dma_wait3A_127 = arith.constant 0 : i32
        %dma_wait3A_128 = tpu.memref_slice %arg8[%add3A_85, %dma_wait3A_127] : memref<10240x16xf32, #tpu.memory_space<hbm>> -> memref<320x16xf32, #tpu.memory_space<hbm>>
        tpu.wait_dma2 semaphore(%run_scoped3A : memref<!tpu.dma_semaphore, #tpu.memory_space<semaphore_mem>>) src(%arg13 : memref<320x16xf32, #tpu.memory_space<vmem>>) dst(%dma_wait3A_128 : memref<320x16xf32, #tpu.memory_space<hbm>>)
        tpu.yield
      }) : () -> ()
    } else {
    }
    %mul3A_93 = arith.constant 640 : i32
    %mul3A_94 = arith.muli %arg1, %mul3A_93 : i32
    %add3A_95 = arith.constant 320 : i32
    %add3A_96 = arith.addi %mul3A_94, %add3A_95 : i32
    "tpu.region"() ({
      %run_scoped3A = tpu.sem_alloc : memref<!tpu.dma_semaphore, #tpu.memory_space<semaphore_mem>>
      %dma_start3A = arith.constant 0 : i32
      %dma_start3A_123 = tpu.memref_slice %arg16[%add3A_96, %dma_start3A] : memref<10240x16xf32, #tpu.memory_space<vmem_shared>> -> memref<320x16xf32, #tpu.memory_space<vmem_shared>>
      %dma_start3A_124 = arith.constant 0 : i32
      %dma_start3A_125 = tpu.memref_slice %arg16[%add3A_96, %dma_start3A_124] : memref<10240x16xf32, #tpu.memory_space<vmem_shared>> -> memref<320x16xf32, #tpu.memory_space<vmem_shared>>
      tpu.enqueue_dma source(%dma_start3A_125 : memref<320x16xf32, #tpu.memory_space<vmem_shared>>) target(%arg12 : memref<320x16xf32, #tpu.memory_space<vmem>>) target_semaphore(%run_scoped3A : memref<!tpu.dma_semaphore, #tpu.memory_space<semaphore_mem>>)
      %dma_wait3A = arith.constant 0 : i32
      %dma_wait3A_126 = tpu.memref_slice %arg16[%add3A_96, %dma_wait3A] : memref<10240x16xf32, #tpu.memory_space<vmem_shared>> -> memref<320x16xf32, #tpu.memory_space<vmem_shared>>
      %dma_wait3A_127 = arith.constant 0 : i32
      %dma_wait3A_128 = tpu.memref_slice %arg16[%add3A_96, %dma_wait3A_127] : memref<10240x16xf32, #tpu.memory_space<vmem_shared>> -> memref<320x16xf32, #tpu.memory_space<vmem_shared>>
      tpu.wait_dma2 semaphore(%run_scoped3A : memref<!tpu.dma_semaphore, #tpu.memory_space<semaphore_mem>>) src(%dma_wait3A_128 : memref<320x16xf32, #tpu.memory_space<vmem_shared>>) dst(%arg12 : memref<320x16xf32, #tpu.memory_space<vmem>>)
      tpu.yield
    }) : () -> ()
    "tpu.region"() ({
      %run_scoped3A = tpu.sem_alloc : memref<!tpu.dma_semaphore, #tpu.memory_space<semaphore_mem>>
      %dma_start3A = arith.constant 0 : i32
      %dma_start3A_123 = tpu.memref_slice %arg17[%add3A_96, %dma_start3A] : memref<10240x16xf32, #tpu.memory_space<vmem_shared>> -> memref<320x16xf32, #tpu.memory_space<vmem_shared>>
      %dma_start3A_124 = arith.constant 0 : i32
      %dma_start3A_125 = tpu.memref_slice %arg17[%add3A_96, %dma_start3A_124] : memref<10240x16xf32, #tpu.memory_space<vmem_shared>> -> memref<320x16xf32, #tpu.memory_space<vmem_shared>>
      tpu.enqueue_dma source(%dma_start3A_125 : memref<320x16xf32, #tpu.memory_space<vmem_shared>>) target(%arg13 : memref<320x16xf32, #tpu.memory_space<vmem>>) target_semaphore(%run_scoped3A : memref<!tpu.dma_semaphore, #tpu.memory_space<semaphore_mem>>)
      %dma_wait3A = arith.constant 0 : i32
      %dma_wait3A_126 = tpu.memref_slice %arg17[%add3A_96, %dma_wait3A] : memref<10240x16xf32, #tpu.memory_space<vmem_shared>> -> memref<320x16xf32, #tpu.memory_space<vmem_shared>>
      %dma_wait3A_127 = arith.constant 0 : i32
      %dma_wait3A_128 = tpu.memref_slice %arg17[%add3A_96, %dma_wait3A_127] : memref<10240x16xf32, #tpu.memory_space<vmem_shared>> -> memref<320x16xf32, #tpu.memory_space<vmem_shared>>
      tpu.wait_dma2 semaphore(%run_scoped3A : memref<!tpu.dma_semaphore, #tpu.memory_space<semaphore_mem>>) src(%dma_wait3A_128 : memref<320x16xf32, #tpu.memory_space<vmem_shared>>) dst(%arg13 : memref<320x16xf32, #tpu.memory_space<vmem>>)
      tpu.yield
    }) : () -> ()
    "tpu.region"() ({
      %run_scoped3A = tpu.sem_alloc : memref<!tpu.dma_semaphore, #tpu.memory_space<semaphore_mem>>
      %dma_start3A = arith.constant 0 : i32
      %dma_start3A_123 = tpu.memref_slice %arg5[%add3A_96, %dma_start3A] : memref<10240x16xf32, #tpu.memory_space<hbm>> -> memref<320x16xf32, #tpu.memory_space<hbm>>
      %dma_start3A_124 = arith.constant 0 : i32
      %dma_start3A_125 = tpu.memref_slice %arg5[%add3A_96, %dma_start3A_124] : memref<10240x16xf32, #tpu.memory_space<hbm>> -> memref<320x16xf32, #tpu.memory_space<hbm>>
      tpu.enqueue_dma source(%dma_start3A_125 : memref<320x16xf32, #tpu.memory_space<hbm>>) target(%arg14 : memref<320x16xf32, #tpu.memory_space<vmem>>) target_semaphore(%run_scoped3A : memref<!tpu.dma_semaphore, #tpu.memory_space<semaphore_mem>>)
      %dma_wait3A = arith.constant 0 : i32
      %dma_wait3A_126 = tpu.memref_slice %arg5[%add3A_96, %dma_wait3A] : memref<10240x16xf32, #tpu.memory_space<hbm>> -> memref<320x16xf32, #tpu.memory_space<hbm>>
      %dma_wait3A_127 = arith.constant 0 : i32
      %dma_wait3A_128 = tpu.memref_slice %arg5[%add3A_96, %dma_wait3A_127] : memref<10240x16xf32, #tpu.memory_space<hbm>> -> memref<320x16xf32, #tpu.memory_space<hbm>>
      tpu.wait_dma2 semaphore(%run_scoped3A : memref<!tpu.dma_semaphore, #tpu.memory_space<semaphore_mem>>) src(%dma_wait3A_128 : memref<320x16xf32, #tpu.memory_space<hbm>>) dst(%arg14 : memref<320x16xf32, #tpu.memory_space<vmem>>)
      tpu.yield
    }) : () -> ()
    %scan3A_97 = arith.constant 0 : i32
    %scan3A_98 = arith.constant 0 : i32
    %scan3A_99 = arith.constant 320 : i32
    %scan3A_100 = arith.addi %scan3A_98, %scan3A_99 : i32
    %scan3A_101 = arith.constant 1 : i32
    scf.for %scan3A_123 = %scan3A_98 to %scan3A_100 step %scan3A_101  : i32 {
      %get3A = arith.index_cast %scan3A_123 : i32 to index
      %get3A_124 = arith.constant 0 : index
      %get3A_125 = tpu.vector_load %arg12[%get3A, %get3A_124] {strides = array<i32>} : memref<320x16xf32, #tpu.memory_space<vmem>>, vector<1x16xf32>,
      %get3A_126 = vector.shape_cast %get3A_125 : vector<1x16xf32> to vector<16xf32>
      %get3A_127 = arith.index_cast %scan3A_123 : i32 to index
      %get3A_128 = arith.constant 0 : index
      %get3A_129 = tpu.vector_load %arg13[%get3A_127, %get3A_128] {strides = array<i32>} : memref<320x16xf32, #tpu.memory_space<vmem>>, vector<1x16xf32>,
      %get3A_130 = vector.shape_cast %get3A_129 : vector<1x16xf32> to vector<16xf32>
      %max3A = arith.constant 1.000000e+00 : f32
      %max3A_131 = vector.broadcast %max3A : f32 to vector<16xf32>
      %max3A_132 = arith.maximumf %get3A_130, %max3A_131 : vector<16xf32>
      %div3A = arith.divf %get3A_126, %max3A_132 : vector<16xf32>
      %get3A_133 = arith.index_cast %scan3A_123 : i32 to index
      %get3A_134 = arith.constant 0 : index
      %get3A_135 = tpu.vector_load %arg14[%get3A_133, %get3A_134] {strides = array<i32>} : memref<320x16xf32, #tpu.memory_space<vmem>>, vector<1x16xf32>,
      %get3A_136 = vector.shape_cast %get3A_135 : vector<1x16xf32> to vector<16xf32>
      %add3A_137 = arith.addf %div3A, %get3A_136 : vector<16xf32>
      %gt3A = arith.constant 0.000000e+00 : f32
      %gt3A_138 = vector.broadcast %gt3A : f32 to vector<16xf32>
      %gt3A_139 = arith.cmpf ogt, %add3A_137, %gt3A_138 : vector<16xf32>
      %min3A = arith.constant 0.000000e+00 : f32
      %min3A_140 = vector.broadcast %min3A : f32 to vector<16xf32>
      %min3A_141 = arith.minimumf %add3A_137, %min3A_140 : vector<16xf32>
      %exp3A = math.exp %min3A_141 : vector<16xf32>
      %sub3A = arith.constant 1.000000e+00 : f32
      %sub3A_142 = vector.broadcast %sub3A : f32 to vector<16xf32>
      %sub3A_143 = arith.subf %exp3A, %sub3A_142 : vector<16xf32>
      %select_n3A = arith.select %gt3A_139, %add3A_137, %sub3A_143 : vector<16xi1>, vector<16xf32>
      %swap3A = arith.index_cast %scan3A_123 : i32 to index
      %swap3A_144 = arith.constant 0 : index
      %swap3A_145 = tpu.vector_load %arg15[%swap3A, %swap3A_144] {strides = array<i32>} : memref<320x16xf32, #tpu.memory_space<vmem>>, vector<1x16xf32>,
      %swap3A_146 = vector.shape_cast %swap3A_145 : vector<1x16xf32> to vector<16xf32>
      %swap3A_147 = vector.shape_cast %select_n3A : vector<16xf32> to vector<1x16xf32>
      tpu.vector_store %arg15[%swap3A, %swap3A_144], %swap3A_147 {strides = array<i32>} : memref<320x16xf32, #tpu.memory_space<vmem>>, vector<1x16xf32>,
    }
    %scan3A_102 = arith.constant 320 : i32
    "tpu.region"() ({
      %run_scoped3A = tpu.sem_alloc : memref<!tpu.dma_semaphore, #tpu.memory_space<semaphore_mem>>
      %dma_start3A = arith.constant 0 : i32
      %dma_start3A_123 = tpu.memref_slice %arg16[%add3A_96, %dma_start3A] : memref<10240x16xf32, #tpu.memory_space<vmem_shared>> -> memref<320x16xf32, #tpu.memory_space<vmem_shared>>
      %dma_start3A_124 = arith.constant 0 : i32
      %dma_start3A_125 = tpu.memref_slice %arg16[%add3A_96, %dma_start3A_124] : memref<10240x16xf32, #tpu.memory_space<vmem_shared>> -> memref<320x16xf32, #tpu.memory_space<vmem_shared>>
      tpu.enqueue_dma source(%arg15 : memref<320x16xf32, #tpu.memory_space<vmem>>) target(%dma_start3A_125 : memref<320x16xf32, #tpu.memory_space<vmem_shared>>) target_semaphore(%run_scoped3A : memref<!tpu.dma_semaphore, #tpu.memory_space<semaphore_mem>>)
      %dma_wait3A = arith.constant 0 : i32
      %dma_wait3A_126 = tpu.memref_slice %arg16[%add3A_96, %dma_wait3A] : memref<10240x16xf32, #tpu.memory_space<vmem_shared>> -> memref<320x16xf32, #tpu.memory_space<vmem_shared>>
      %dma_wait3A_127 = arith.constant 0 : i32
      %dma_wait3A_128 = tpu.memref_slice %arg16[%add3A_96, %dma_wait3A_127] : memref<10240x16xf32, #tpu.memory_space<vmem_shared>> -> memref<320x16xf32, #tpu.memory_space<vmem_shared>>
      tpu.wait_dma2 semaphore(%run_scoped3A : memref<!tpu.dma_semaphore, #tpu.memory_space<semaphore_mem>>) src(%arg15 : memref<320x16xf32, #tpu.memory_space<vmem>>) dst(%dma_wait3A_128 : memref<320x16xf32, #tpu.memory_space<vmem_shared>>)
      tpu.yield
    }) : () -> ()
    %convert_element_type3A_103 = arith.extui %eq3A_5 : i1 to i32
    %cond3A_104 = arith.constant 0 : i32
    %cond3A_105 = arith.cmpi ne, %convert_element_type3A_103, %cond3A_104 : i32
    scf.if %cond3A_105 {
      "tpu.region"() ({
        %run_scoped3A = tpu.sem_alloc : memref<!tpu.dma_semaphore, #tpu.memory_space<semaphore_mem>>
        %dma_start3A = arith.constant 0 : i32
        %dma_start3A_123 = tpu.memref_slice %arg7[%add3A_96, %dma_start3A] : memref<10240x16xf32, #tpu.memory_space<hbm>> -> memref<320x16xf32, #tpu.memory_space<hbm>>
        %dma_start3A_124 = arith.constant 0 : i32
        %dma_start3A_125 = tpu.memref_slice %arg7[%add3A_96, %dma_start3A_124] : memref<10240x16xf32, #tpu.memory_space<hbm>> -> memref<320x16xf32, #tpu.memory_space<hbm>>
        tpu.enqueue_dma source(%arg15 : memref<320x16xf32, #tpu.memory_space<vmem>>) target(%dma_start3A_125 : memref<320x16xf32, #tpu.memory_space<hbm>>) target_semaphore(%run_scoped3A : memref<!tpu.dma_semaphore, #tpu.memory_space<semaphore_mem>>)
        %dma_wait3A = arith.constant 0 : i32
        %dma_wait3A_126 = tpu.memref_slice %arg7[%add3A_96, %dma_wait3A] : memref<10240x16xf32, #tpu.memory_space<hbm>> -> memref<320x16xf32, #tpu.memory_space<hbm>>
        %dma_wait3A_127 = arith.constant 0 : i32
        %dma_wait3A_128 = tpu.memref_slice %arg7[%add3A_96, %dma_wait3A_127] : memref<10240x16xf32, #tpu.memory_space<hbm>> -> memref<320x16xf32, #tpu.memory_space<hbm>>
        tpu.wait_dma2 semaphore(%run_scoped3A : memref<!tpu.dma_semaphore, #tpu.memory_space<semaphore_mem>>) src(%arg15 : memref<320x16xf32, #tpu.memory_space<vmem>>) dst(%dma_wait3A_128 : memref<320x16xf32, #tpu.memory_space<hbm>>)
        tpu.yield
      }) : () -> ()
      "tpu.region"() ({
        %run_scoped3A = tpu.sem_alloc : memref<!tpu.dma_semaphore, #tpu.memory_space<semaphore_mem>>
        %dma_start3A = arith.constant 0 : i32
        %dma_start3A_123 = tpu.memref_slice %arg8[%add3A_96, %dma_start3A] : memref<10240x16xf32, #tpu.memory_space<hbm>> -> memref<320x16xf32, #tpu.memory_space<hbm>>
        %dma_start3A_124 = arith.constant 0 : i32
        %dma_start3A_125 = tpu.memref_slice %arg8[%add3A_96, %dma_start3A_124] : memref<10240x16xf32, #tpu.memory_space<hbm>> -> memref<320x16xf32, #tpu.memory_space<hbm>>
        tpu.enqueue_dma source(%arg13 : memref<320x16xf32, #tpu.memory_space<vmem>>) target(%dma_start3A_125 : memref<320x16xf32, #tpu.memory_space<hbm>>) target_semaphore(%run_scoped3A : memref<!tpu.dma_semaphore, #tpu.memory_space<semaphore_mem>>)
        %dma_wait3A = arith.constant 0 : i32
        %dma_wait3A_126 = tpu.memref_slice %arg8[%add3A_96, %dma_wait3A] : memref<10240x16xf32, #tpu.memory_space<hbm>> -> memref<320x16xf32, #tpu.memory_space<hbm>>
        %dma_wait3A_127 = arith.constant 0 : i32
        %dma_wait3A_128 = tpu.memref_slice %arg8[%add3A_96, %dma_wait3A_127] : memref<10240x16xf32, #tpu.memory_space<hbm>> -> memref<320x16xf32, #tpu.memory_space<hbm>>
        tpu.wait_dma2 semaphore(%run_scoped3A : memref<!tpu.dma_semaphore, #tpu.memory_space<semaphore_mem>>) src(%arg13 : memref<320x16xf32, #tpu.memory_space<vmem>>) dst(%dma_wait3A_128 : memref<320x16xf32, #tpu.memory_space<hbm>>)
        tpu.yield
      }) : () -> ()
    } else {
    }
    %barrier3A_106 = arith.constant 0 : index
    tpu.barrier barrier_id(%barrier3A_106)
    %mul3A_107 = arith.constant 40 : i32
    %mul3A_108 = arith.muli %add3A, %mul3A_107 : i32
    "tpu.region"() ({
      %run_scoped3A = tpu.sem_alloc : memref<!tpu.dma_semaphore, #tpu.memory_space<semaphore_mem>>
      %dma_start3A = arith.constant 0 : i32
      %dma_start3A_123 = tpu.memref_slice %arg4[%mul3A_108, %dma_start3A] : memref<1280x128xi32, #tpu.memory_space<hbm>> -> memref<40x128xi32, #tpu.memory_space<hbm>>
      %dma_start3A_124 = arith.constant 0 : i32
      %dma_start3A_125 = tpu.memref_slice %arg4[%mul3A_108, %dma_start3A_124] : memref<1280x128xi32, #tpu.memory_space<hbm>> -> memref<40x128xi32, #tpu.memory_space<hbm>>
      tpu.enqueue_dma source(%dma_start3A_125 : memref<40x128xi32, #tpu.memory_space<hbm>>) target(%arg9 : memref<40x128xi32, #tpu.memory_space<vmem>>) target_semaphore(%run_scoped3A : memref<!tpu.dma_semaphore, #tpu.memory_space<semaphore_mem>>)
      %dma_wait3A = arith.constant 0 : i32
      %dma_wait3A_126 = tpu.memref_slice %arg4[%mul3A_108, %dma_wait3A] : memref<1280x128xi32, #tpu.memory_space<hbm>> -> memref<40x128xi32, #tpu.memory_space<hbm>>
      %dma_wait3A_127 = arith.constant 0 : i32
      %dma_wait3A_128 = tpu.memref_slice %arg4[%mul3A_108, %dma_wait3A_127] : memref<1280x128xi32, #tpu.memory_space<hbm>> -> memref<40x128xi32, #tpu.memory_space<hbm>>
      tpu.wait_dma2 semaphore(%run_scoped3A : memref<!tpu.dma_semaphore, #tpu.memory_space<semaphore_mem>>) src(%dma_wait3A_128 : memref<40x128xi32, #tpu.memory_space<hbm>>) dst(%arg9 : memref<40x128xi32, #tpu.memory_space<vmem>>)
      tpu.yield
    }) : () -> ()
    %scan3A_109 = arith.constant 0 : i32
    %scan3A_110 = arith.constant 0 : i32
    %scan3A_111 = arith.constant 40 : i32
    %scan3A_112 = arith.addi %scan3A_110, %scan3A_111 : i32
    %scan3A_113 = arith.constant 1 : i32
    scf.for %scan3A_123 = %scan3A_110 to %scan3A_112 step %scan3A_113  : i32 {
      %mul3A_124 = arith.constant 128 : i32
      %mul3A_125 = arith.muli %scan3A_123, %mul3A_124 : i32
      %dma_start3A = arith.constant 0 : i32
      %dma_start3A_126 = tpu.memref_slice %arg10[%mul3A_125, %dma_start3A] : memref<5120x16xf32, #tpu.memory_space<vmem>> -> memref<128x16xf32, #tpu.memory_space<vmem>>
      %dma_start3A_127 = arith.constant 0 : i32
      %dma_start3A_128 = tpu.memref_slice %arg9[%scan3A_123, %dma_start3A_127] : memref<40x128xi32, #tpu.memory_space<vmem>> -> memref<1x128xi32, #tpu.memory_space<vmem>>
      %dma_start3A_129 = tpu.memref_squeeze %dma_start3A_128 : memref<1x128xi32, #tpu.memory_space<vmem>> -> memref<128xi32, #tpu.memory_space<vmem>>
      %dma_start3A_130 = arith.constant 0 : i32
      %dma_start3A_131 = arith.constant 0 : i32
      %dma_start3A_132 = tpu.memref_slice %arg16[%dma_start3A_130, %dma_start3A_131] : memref<10240x16xf32, #tpu.memory_space<vmem_shared>> -> memref<10240x16xf32, #tpu.memory_space<vmem_shared>>
      tpu.enqueue_indirect_dma source(%dma_start3A_132 : memref<10240x16xf32, #tpu.memory_space<vmem_shared>>) target(%dma_start3A_126 : memref<128x16xf32, #tpu.memory_space<vmem>>) offsets(%dma_start3A_129 : memref<128xi32, #tpu.memory_space<vmem>>) semaphore(%arg18 : memref<!tpu.dma_semaphore, #tpu.memory_space<semaphore_mem>>)
    }
    %scan3A_114 = arith.constant 40 : i32
    %scan3A_115 = arith.constant 0 : i32
    %scan3A_116 = arith.constant 0 : i32
    %scan3A_117 = arith.constant 40 : i32
    %scan3A_118 = arith.addi %scan3A_116, %scan3A_117 : i32
    %scan3A_119 = arith.constant 1 : i32
    scf.for %scan3A_123 = %scan3A_116 to %scan3A_118 step %scan3A_119  : i32 {
      %mul3A_124 = arith.constant 128 : i32
      %mul3A_125 = arith.muli %scan3A_123, %mul3A_124 : i32
      %dma_wait3A = arith.constant 0 : i32
      %dma_wait3A_126 = tpu.memref_slice %arg10[%mul3A_125, %dma_wait3A] : memref<5120x16xf32, #tpu.memory_space<vmem>> -> memref<128x16xf32, #tpu.memory_space<vmem>>
      %dma_wait3A_127 = arith.constant 0 : i32
      %dma_wait3A_128 = tpu.memref_slice %arg9[%scan3A_123, %dma_wait3A_127] : memref<40x128xi32, #tpu.memory_space<vmem>> -> memref<1x128xi32, #tpu.memory_space<vmem>>
      %dma_wait3A_129 = tpu.memref_squeeze %dma_wait3A_128 : memref<1x128xi32, #tpu.memory_space<vmem>> -> memref<128xi32, #tpu.memory_space<vmem>>
      %dma_wait3A_130 = arith.constant 0 : i32
      %dma_wait3A_131 = arith.constant 0 : i32
      %dma_wait3A_132 = tpu.memref_slice %arg16[%dma_wait3A_130, %dma_wait3A_131] : memref<10240x16xf32, #tpu.memory_space<vmem_shared>> -> memref<10240x16xf32, #tpu.memory_space<vmem_shared>>
      tpu.wait_indirect_dma semaphore(%arg18 : memref<!tpu.dma_semaphore, #tpu.memory_space<semaphore_mem>>) src(%dma_wait3A_132 : memref<10240x16xf32, #tpu.memory_space<vmem_shared>>) dst(%dma_wait3A_126 : memref<128x16xf32, #tpu.memory_space<vmem>>)
    }
    %scan3A_120 = arith.constant 40 : i32
    %mul3A_121 = arith.constant 5120 : i32
    %mul3A_122 = arith.muli %add3A, %mul3A_121 : i32
    "tpu.region"() ({
      %run_scoped3A = tpu.sem_alloc : memref<!tpu.dma_semaphore, #tpu.memory_space<semaphore_mem>>
      %dma_start3A = arith.constant 0 : i32
      %dma_start3A_123 = tpu.memref_slice %arg6[%mul3A_122, %dma_start3A] : memref<163840x16xf32, #tpu.memory_space<hbm>> -> memref<5120x16xf32, #tpu.memory_space<hbm>>
      %dma_start3A_124 = arith.constant 0 : i32
      %dma_start3A_125 = tpu.memref_slice %arg6[%mul3A_122, %dma_start3A_124] : memref<163840x16xf32, #tpu.memory_space<hbm>> -> memref<5120x16xf32, #tpu.memory_space<hbm>>
      tpu.enqueue_dma source(%arg10 : memref<5120x16xf32, #tpu.memory_space<vmem>>) target(%dma_start3A_125 : memref<5120x16xf32, #tpu.memory_space<hbm>>) target_semaphore(%run_scoped3A : memref<!tpu.dma_semaphore, #tpu.memory_space<semaphore_mem>>)
      %dma_wait3A = arith.constant 0 : i32
      %dma_wait3A_126 = tpu.memref_slice %arg6[%mul3A_122, %dma_wait3A] : memref<163840x16xf32, #tpu.memory_space<hbm>> -> memref<5120x16xf32, #tpu.memory_space<hbm>>
      %dma_wait3A_127 = arith.constant 0 : i32
      %dma_wait3A_128 = tpu.memref_slice %arg6[%mul3A_122, %dma_wait3A_127] : memref<163840x16xf32, #tpu.memory_space<hbm>> -> memref<5120x16xf32, #tpu.memory_space<hbm>>
      tpu.wait_dma2 semaphore(%run_scoped3A : memref<!tpu.dma_semaphore, #tpu.memory_space<semaphore_mem>>) src(%arg10 : memref<5120x16xf32, #tpu.memory_space<vmem>>) dst(%dma_wait3A_128 : memref<5120x16xf32, #tpu.memory_space<hbm>>)
      tpu.yield
    }) : () -> ()
    return
  }
}

#map = affine_map<(d0, d1) -> (0, 0)>
module attributes {stable_mosaic.version = 14 : i64} {
  func.func @_mega1_body(%arg0: i32, %arg1: i32, %arg2: memref<163840x16xf32, #tpu.memory_space<hbm>>, %arg3: memref<1280x128xi32, #tpu.memory_space<hbm>>, %arg4: memref<10240x16xf32, #tpu.memory_space<hbm>>, %arg5: memref<10240x16xf32, #tpu.memory_space<hbm>>, %arg6: memref<10240x16xf32, #tpu.memory_space<hbm>>, %arg7: memref<40x128xi32, #tpu.memory_space<vmem>>, %arg8: memref<5120x16xf32, #tpu.memory_space<vmem>>, %arg9: memref<320x16xf32, #tpu.memory_space<vmem>>, %arg10: memref<320x16xf32, #tpu.memory_space<vmem>>, %arg11: memref<320x16xf32, #tpu.memory_space<vmem>>, %arg12: memref<320x16xf32, #tpu.memory_space<vmem>>, %arg13: memref<10240x16xf32, #tpu.memory_space<vmem_shared>>, %arg14: memref<!tpu.dma_semaphore, #tpu.memory_space<semaphore_mem>>) attributes {dimension_semantics = [#tpu.dimension_semantics<core_parallel>, #tpu.dimension_semantics<subcore_parallel>], iteration_bounds = array<i64: 2, 16>, scalar_prefetch = 0 : i64, scratch_operands = 8 : i64, tpu.core_type = #tpu.core_type<sc_vector_subcore>, window_params = [{transform_indices = #map}, {transform_indices = #map}, {transform_indices = #map}, {transform_indices = #map}, {transform_indices = #map}]} {
    %lt3A = arith.constant 8 : i32
    %lt3A_0 = arith.cmpi slt, %arg1, %lt3A : i32
    %eq3A = arith.constant 0 : i32
    %eq3A_1 = arith.cmpi eq, %arg0, %eq3A : i32
    %eq3A_2 = arith.xori %lt3A_0, %eq3A_1 : i1
    %eq3A_3 = arith.constant true
    %eq3A_4 = arith.xori %eq3A_2, %eq3A_3 : i1
    %scan3A = arith.constant 0 : i32
    %scan3A_5 = arith.constant 0 : i32
    %scan3A_6 = arith.constant 320 : i32
    %scan3A_7 = arith.addi %scan3A_5, %scan3A_6 : i32
    %scan3A_8 = arith.constant 1 : i32
    scf.for %scan3A_89 = %scan3A_5 to %scan3A_7 step %scan3A_8  : i32 {
      %broadcast_in_dim3A = arith.constant 0.000000e+00 : f32
      %broadcast_in_dim3A_90 = vector.broadcast %broadcast_in_dim3A : f32 to vector<16xf32>
      %swap3A = arith.index_cast %scan3A_89 : i32 to index
      %swap3A_91 = arith.constant 0 : index
      %swap3A_92 = tpu.vector_load %arg12[%swap3A, %swap3A_91] {strides = array<i32>} : memref<320x16xf32, #tpu.memory_space<vmem>>, vector<1x16xf32>,
      %swap3A_93 = vector.shape_cast %swap3A_92 : vector<1x16xf32> to vector<16xf32>
      %swap3A_94 = vector.shape_cast %broadcast_in_dim3A_90 : vector<16xf32> to vector<1x16xf32>
      tpu.vector_store %arg12[%swap3A, %swap3A_91], %swap3A_94 {strides = array<i32>} : memref<320x16xf32, #tpu.memory_space<vmem>>, vector<1x16xf32>,
    }
    %scan3A_9 = arith.constant 320 : i32
    %mul3A = arith.constant 640 : i32
    %mul3A_10 = arith.muli %arg1, %mul3A : i32
    %add3A = arith.constant 0 : i32
    %add3A_11 = arith.addi %mul3A_10, %add3A : i32
    "tpu.region"() ({
      %run_scoped3A = tpu.sem_alloc : memref<!tpu.dma_semaphore, #tpu.memory_space<semaphore_mem>>
      %dma_start3A = arith.constant 0 : i32
      %dma_start3A_89 = tpu.memref_slice %arg13[%add3A_11, %dma_start3A] : memref<10240x16xf32, #tpu.memory_space<vmem_shared>> -> memref<320x16xf32, #tpu.memory_space<vmem_shared>>
      %dma_start3A_90 = arith.constant 0 : i32
      %dma_start3A_91 = tpu.memref_slice %arg13[%add3A_11, %dma_start3A_90] : memref<10240x16xf32, #tpu.memory_space<vmem_shared>> -> memref<320x16xf32, #tpu.memory_space<vmem_shared>>
      tpu.enqueue_dma source(%arg12 : memref<320x16xf32, #tpu.memory_space<vmem>>) target(%dma_start3A_91 : memref<320x16xf32, #tpu.memory_space<vmem_shared>>) target_semaphore(%run_scoped3A : memref<!tpu.dma_semaphore, #tpu.memory_space<semaphore_mem>>)
      %dma_wait3A = arith.constant 0 : i32
      %dma_wait3A_92 = tpu.memref_slice %arg13[%add3A_11, %dma_wait3A] : memref<10240x16xf32, #tpu.memory_space<vmem_shared>> -> memref<320x16xf32, #tpu.memory_space<vmem_shared>>
      %dma_wait3A_93 = arith.constant 0 : i32
      %dma_wait3A_94 = tpu.memref_slice %arg13[%add3A_11, %dma_wait3A_93] : memref<10240x16xf32, #tpu.memory_space<vmem_shared>> -> memref<320x16xf32, #tpu.memory_space<vmem_shared>>
      tpu.wait_dma2 semaphore(%run_scoped3A : memref<!tpu.dma_semaphore, #tpu.memory_space<semaphore_mem>>) src(%arg12 : memref<320x16xf32, #tpu.memory_space<vmem>>) dst(%dma_wait3A_94 : memref<320x16xf32, #tpu.memory_space<vmem_shared>>)
      tpu.yield
    }) : () -> ()
    %mul3A_12 = arith.constant 640 : i32
    %mul3A_13 = arith.muli %arg1, %mul3A_12 : i32
    %add3A_14 = arith.constant 320 : i32
    %add3A_15 = arith.addi %mul3A_13, %add3A_14 : i32
    "tpu.region"() ({
      %run_scoped3A = tpu.sem_alloc : memref<!tpu.dma_semaphore, #tpu.memory_space<semaphore_mem>>
      %dma_start3A = arith.constant 0 : i32
      %dma_start3A_89 = tpu.memref_slice %arg13[%add3A_15, %dma_start3A] : memref<10240x16xf32, #tpu.memory_space<vmem_shared>> -> memref<320x16xf32, #tpu.memory_space<vmem_shared>>
      %dma_start3A_90 = arith.constant 0 : i32
      %dma_start3A_91 = tpu.memref_slice %arg13[%add3A_15, %dma_start3A_90] : memref<10240x16xf32, #tpu.memory_space<vmem_shared>> -> memref<320x16xf32, #tpu.memory_space<vmem_shared>>
      tpu.enqueue_dma source(%arg12 : memref<320x16xf32, #tpu.memory_space<vmem>>) target(%dma_start3A_91 : memref<320x16xf32, #tpu.memory_space<vmem_shared>>) target_semaphore(%run_scoped3A : memref<!tpu.dma_semaphore, #tpu.memory_space<semaphore_mem>>)
      %dma_wait3A = arith.constant 0 : i32
      %dma_wait3A_92 = tpu.memref_slice %arg13[%add3A_15, %dma_wait3A] : memref<10240x16xf32, #tpu.memory_space<vmem_shared>> -> memref<320x16xf32, #tpu.memory_space<vmem_shared>>
      %dma_wait3A_93 = arith.constant 0 : i32
      %dma_wait3A_94 = tpu.memref_slice %arg13[%add3A_15, %dma_wait3A_93] : memref<10240x16xf32, #tpu.memory_space<vmem_shared>> -> memref<320x16xf32, #tpu.memory_space<vmem_shared>>
      tpu.wait_dma2 semaphore(%run_scoped3A : memref<!tpu.dma_semaphore, #tpu.memory_space<semaphore_mem>>) src(%arg12 : memref<320x16xf32, #tpu.memory_space<vmem>>) dst(%dma_wait3A_94 : memref<320x16xf32, #tpu.memory_space<vmem_shared>>)
      tpu.yield
    }) : () -> ()
    %barrier3A = arith.constant 0 : index
    tpu.barrier barrier_id(%barrier3A)
    %mul3A_16 = arith.constant 2 : i32
    %mul3A_17 = arith.muli %arg1, %mul3A_16 : i32
    %add3A_18 = arith.constant 0 : i32
    %add3A_19 = arith.addi %mul3A_17, %add3A_18 : i32
    %mul3A_20 = arith.constant 5120 : i32
    %mul3A_21 = arith.muli %add3A_19, %mul3A_20 : i32
    %mul3A_22 = arith.constant 2 : i32
    %mul3A_23 = arith.muli %arg1, %mul3A_22 : i32
    %add3A_24 = arith.constant 0 : i32
    %add3A_25 = arith.addi %mul3A_23, %add3A_24 : i32
    %mul3A_26 = arith.constant 40 : i32
    %mul3A_27 = arith.muli %add3A_25, %mul3A_26 : i32
    "tpu.region"() ({
      %run_scoped3A = tpu.sem_alloc : memref<!tpu.dma_semaphore, #tpu.memory_space<semaphore_mem>>
      %dma_start3A = arith.constant 0 : i32
      %dma_start3A_89 = tpu.memref_slice %arg3[%mul3A_27, %dma_start3A] : memref<1280x128xi32, #tpu.memory_space<hbm>> -> memref<40x128xi32, #tpu.memory_space<hbm>>
      %dma_start3A_90 = arith.constant 0 : i32
      %dma_start3A_91 = tpu.memref_slice %arg3[%mul3A_27, %dma_start3A_90] : memref<1280x128xi32, #tpu.memory_space<hbm>> -> memref<40x128xi32, #tpu.memory_space<hbm>>
      tpu.enqueue_dma source(%dma_start3A_91 : memref<40x128xi32, #tpu.memory_space<hbm>>) target(%arg7 : memref<40x128xi32, #tpu.memory_space<vmem>>) target_semaphore(%run_scoped3A : memref<!tpu.dma_semaphore, #tpu.memory_space<semaphore_mem>>)
      %dma_wait3A = arith.constant 0 : i32
      %dma_wait3A_92 = tpu.memref_slice %arg3[%mul3A_27, %dma_wait3A] : memref<1280x128xi32, #tpu.memory_space<hbm>> -> memref<40x128xi32, #tpu.memory_space<hbm>>
      %dma_wait3A_93 = arith.constant 0 : i32
      %dma_wait3A_94 = tpu.memref_slice %arg3[%mul3A_27, %dma_wait3A_93] : memref<1280x128xi32, #tpu.memory_space<hbm>> -> memref<40x128xi32, #tpu.memory_space<hbm>>
      tpu.wait_dma2 semaphore(%run_scoped3A : memref<!tpu.dma_semaphore, #tpu.memory_space<semaphore_mem>>) src(%dma_wait3A_94 : memref<40x128xi32, #tpu.memory_space<hbm>>) dst(%arg7 : memref<40x128xi32, #tpu.memory_space<vmem>>)
      tpu.yield
    }) : () -> ()
    "tpu.region"() ({
      %run_scoped3A = tpu.sem_alloc : memref<!tpu.dma_semaphore, #tpu.memory_space<semaphore_mem>>
      %dma_start3A = arith.constant 0 : i32
      %dma_start3A_89 = tpu.memref_slice %arg2[%mul3A_21, %dma_start3A] : memref<163840x16xf32, #tpu.memory_space<hbm>> -> memref<5120x16xf32, #tpu.memory_space<hbm>>
      %dma_start3A_90 = arith.constant 0 : i32
      %dma_start3A_91 = tpu.memref_slice %arg2[%mul3A_21, %dma_start3A_90] : memref<163840x16xf32, #tpu.memory_space<hbm>> -> memref<5120x16xf32, #tpu.memory_space<hbm>>
      tpu.enqueue_dma source(%dma_start3A_91 : memref<5120x16xf32, #tpu.memory_space<hbm>>) target(%arg8 : memref<5120x16xf32, #tpu.memory_space<vmem>>) target_semaphore(%run_scoped3A : memref<!tpu.dma_semaphore, #tpu.memory_space<semaphore_mem>>)
      %dma_wait3A = arith.constant 0 : i32
      %dma_wait3A_92 = tpu.memref_slice %arg2[%mul3A_21, %dma_wait3A] : memref<163840x16xf32, #tpu.memory_space<hbm>> -> memref<5120x16xf32, #tpu.memory_space<hbm>>
      %dma_wait3A_93 = arith.constant 0 : i32
      %dma_wait3A_94 = tpu.memref_slice %arg2[%mul3A_21, %dma_wait3A_93] : memref<163840x16xf32, #tpu.memory_space<hbm>> -> memref<5120x16xf32, #tpu.memory_space<hbm>>
      tpu.wait_dma2 semaphore(%run_scoped3A : memref<!tpu.dma_semaphore, #tpu.memory_space<semaphore_mem>>) src(%dma_wait3A_94 : memref<5120x16xf32, #tpu.memory_space<hbm>>) dst(%arg8 : memref<5120x16xf32, #tpu.memory_space<vmem>>)
      tpu.yield
    }) : () -> ()
    %scan3A_28 = arith.constant 0 : i32
    %scan3A_29 = arith.constant 0 : i32
    %scan3A_30 = arith.constant 40 : i32
    %scan3A_31 = arith.addi %scan3A_29, %scan3A_30 : i32
    %scan3A_32 = arith.constant 1 : i32
    scf.for %scan3A_89 = %scan3A_29 to %scan3A_31 step %scan3A_32  : i32 {
      %mul3A_90 = arith.constant 128 : i32
      %mul3A_91 = arith.muli %scan3A_89, %mul3A_90 : i32
      %dma_start3A = arith.constant 0 : i32
      %dma_start3A_92 = tpu.memref_slice %arg8[%mul3A_91, %dma_start3A] : memref<5120x16xf32, #tpu.memory_space<vmem>> -> memref<128x16xf32, #tpu.memory_space<vmem>>
      %dma_start3A_93 = arith.constant 0 : i32
      %dma_start3A_94 = tpu.memref_slice %arg7[%scan3A_89, %dma_start3A_93] : memref<40x128xi32, #tpu.memory_space<vmem>> -> memref<1x128xi32, #tpu.memory_space<vmem>>
      %dma_start3A_95 = tpu.memref_squeeze %dma_start3A_94 : memref<1x128xi32, #tpu.memory_space<vmem>> -> memref<128xi32, #tpu.memory_space<vmem>>
      %dma_start3A_96 = arith.constant 0 : i32
      %dma_start3A_97 = arith.constant 0 : i32
      %dma_start3A_98 = tpu.memref_slice %arg13[%dma_start3A_96, %dma_start3A_97] : memref<10240x16xf32, #tpu.memory_space<vmem_shared>> -> memref<10240x16xf32, #tpu.memory_space<vmem_shared>>
      tpu.enqueue_indirect_dma source(%dma_start3A_92 : memref<128x16xf32, #tpu.memory_space<vmem>>) target(%dma_start3A_98 : memref<10240x16xf32, #tpu.memory_space<vmem_shared>>) offsets(%dma_start3A_95 : memref<128xi32, #tpu.memory_space<vmem>>) semaphore(%arg14 : memref<!tpu.dma_semaphore, #tpu.memory_space<semaphore_mem>>) {add = true}
    }
    %scan3A_33 = arith.constant 40 : i32
    %scan3A_34 = arith.constant 0 : i32
    %scan3A_35 = arith.constant 0 : i32
    %scan3A_36 = arith.constant 40 : i32
    %scan3A_37 = arith.addi %scan3A_35, %scan3A_36 : i32
    %scan3A_38 = arith.constant 1 : i32
    scf.for %scan3A_89 = %scan3A_35 to %scan3A_37 step %scan3A_38  : i32 {
      %mul3A_90 = arith.constant 128 : i32
      %mul3A_91 = arith.muli %scan3A_89, %mul3A_90 : i32
      %dma_wait3A = arith.constant 0 : i32
      %dma_wait3A_92 = tpu.memref_slice %arg8[%mul3A_91, %dma_wait3A] : memref<5120x16xf32, #tpu.memory_space<vmem>> -> memref<128x16xf32, #tpu.memory_space<vmem>>
      %dma_wait3A_93 = arith.constant 0 : i32
      %dma_wait3A_94 = tpu.memref_slice %arg7[%scan3A_89, %dma_wait3A_93] : memref<40x128xi32, #tpu.memory_space<vmem>> -> memref<1x128xi32, #tpu.memory_space<vmem>>
      %dma_wait3A_95 = tpu.memref_squeeze %dma_wait3A_94 : memref<1x128xi32, #tpu.memory_space<vmem>> -> memref<128xi32, #tpu.memory_space<vmem>>
      %dma_wait3A_96 = arith.constant 0 : i32
      %dma_wait3A_97 = arith.constant 0 : i32
      %dma_wait3A_98 = tpu.memref_slice %arg13[%dma_wait3A_96, %dma_wait3A_97] : memref<10240x16xf32, #tpu.memory_space<vmem_shared>> -> memref<10240x16xf32, #tpu.memory_space<vmem_shared>>
      tpu.wait_indirect_dma semaphore(%arg14 : memref<!tpu.dma_semaphore, #tpu.memory_space<semaphore_mem>>) src(%dma_wait3A_92 : memref<128x16xf32, #tpu.memory_space<vmem>>) dst(%dma_wait3A_98 : memref<10240x16xf32, #tpu.memory_space<vmem_shared>>)
    }
    %scan3A_39 = arith.constant 40 : i32
    %mul3A_40 = arith.constant 2 : i32
    %mul3A_41 = arith.muli %arg1, %mul3A_40 : i32
    %add3A_42 = arith.constant 1 : i32
    %add3A_43 = arith.addi %mul3A_41, %add3A_42 : i32
    %mul3A_44 = arith.constant 5120 : i32
    %mul3A_45 = arith.muli %add3A_43, %mul3A_44 : i32
    %mul3A_46 = arith.constant 2 : i32
    %mul3A_47 = arith.muli %arg1, %mul3A_46 : i32
    %add3A_48 = arith.constant 1 : i32
    %add3A_49 = arith.addi %mul3A_47, %add3A_48 : i32
    %mul3A_50 = arith.constant 40 : i32
    %mul3A_51 = arith.muli %add3A_49, %mul3A_50 : i32
    "tpu.region"() ({
      %run_scoped3A = tpu.sem_alloc : memref<!tpu.dma_semaphore, #tpu.memory_space<semaphore_mem>>
      %dma_start3A = arith.constant 0 : i32
      %dma_start3A_89 = tpu.memref_slice %arg3[%mul3A_51, %dma_start3A] : memref<1280x128xi32, #tpu.memory_space<hbm>> -> memref<40x128xi32, #tpu.memory_space<hbm>>
      %dma_start3A_90 = arith.constant 0 : i32
      %dma_start3A_91 = tpu.memref_slice %arg3[%mul3A_51, %dma_start3A_90] : memref<1280x128xi32, #tpu.memory_space<hbm>> -> memref<40x128xi32, #tpu.memory_space<hbm>>
      tpu.enqueue_dma source(%dma_start3A_91 : memref<40x128xi32, #tpu.memory_space<hbm>>) target(%arg7 : memref<40x128xi32, #tpu.memory_space<vmem>>) target_semaphore(%run_scoped3A : memref<!tpu.dma_semaphore, #tpu.memory_space<semaphore_mem>>)
      %dma_wait3A = arith.constant 0 : i32
      %dma_wait3A_92 = tpu.memref_slice %arg3[%mul3A_51, %dma_wait3A] : memref<1280x128xi32, #tpu.memory_space<hbm>> -> memref<40x128xi32, #tpu.memory_space<hbm>>
      %dma_wait3A_93 = arith.constant 0 : i32
      %dma_wait3A_94 = tpu.memref_slice %arg3[%mul3A_51, %dma_wait3A_93] : memref<1280x128xi32, #tpu.memory_space<hbm>> -> memref<40x128xi32, #tpu.memory_space<hbm>>
      tpu.wait_dma2 semaphore(%run_scoped3A : memref<!tpu.dma_semaphore, #tpu.memory_space<semaphore_mem>>) src(%dma_wait3A_94 : memref<40x128xi32, #tpu.memory_space<hbm>>) dst(%arg7 : memref<40x128xi32, #tpu.memory_space<vmem>>)
      tpu.yield
    }) : () -> ()
    "tpu.region"() ({
      %run_scoped3A = tpu.sem_alloc : memref<!tpu.dma_semaphore, #tpu.memory_space<semaphore_mem>>
      %dma_start3A = arith.constant 0 : i32
      %dma_start3A_89 = tpu.memref_slice %arg2[%mul3A_45, %dma_start3A] : memref<163840x16xf32, #tpu.memory_space<hbm>> -> memref<5120x16xf32, #tpu.memory_space<hbm>>
      %dma_start3A_90 = arith.constant 0 : i32
      %dma_start3A_91 = tpu.memref_slice %arg2[%mul3A_45, %dma_start3A_90] : memref<163840x16xf32, #tpu.memory_space<hbm>> -> memref<5120x16xf32, #tpu.memory_space<hbm>>
      tpu.enqueue_dma source(%dma_start3A_91 : memref<5120x16xf32, #tpu.memory_space<hbm>>) target(%arg8 : memref<5120x16xf32, #tpu.memory_space<vmem>>) target_semaphore(%run_scoped3A : memref<!tpu.dma_semaphore, #tpu.memory_space<semaphore_mem>>)
      %dma_wait3A = arith.constant 0 : i32
      %dma_wait3A_92 = tpu.memref_slice %arg2[%mul3A_45, %dma_wait3A] : memref<163840x16xf32, #tpu.memory_space<hbm>> -> memref<5120x16xf32, #tpu.memory_space<hbm>>
      %dma_wait3A_93 = arith.constant 0 : i32
      %dma_wait3A_94 = tpu.memref_slice %arg2[%mul3A_45, %dma_wait3A_93] : memref<163840x16xf32, #tpu.memory_space<hbm>> -> memref<5120x16xf32, #tpu.memory_space<hbm>>
      tpu.wait_dma2 semaphore(%run_scoped3A : memref<!tpu.dma_semaphore, #tpu.memory_space<semaphore_mem>>) src(%dma_wait3A_94 : memref<5120x16xf32, #tpu.memory_space<hbm>>) dst(%arg8 : memref<5120x16xf32, #tpu.memory_space<vmem>>)
      tpu.yield
    }) : () -> ()
    %scan3A_52 = arith.constant 0 : i32
    %scan3A_53 = arith.constant 0 : i32
    %scan3A_54 = arith.constant 40 : i32
    %scan3A_55 = arith.addi %scan3A_53, %scan3A_54 : i32
    %scan3A_56 = arith.constant 1 : i32
    scf.for %scan3A_89 = %scan3A_53 to %scan3A_55 step %scan3A_56  : i32 {
      %mul3A_90 = arith.constant 128 : i32
      %mul3A_91 = arith.muli %scan3A_89, %mul3A_90 : i32
      %dma_start3A = arith.constant 0 : i32
      %dma_start3A_92 = tpu.memref_slice %arg8[%mul3A_91, %dma_start3A] : memref<5120x16xf32, #tpu.memory_space<vmem>> -> memref<128x16xf32, #tpu.memory_space<vmem>>
      %dma_start3A_93 = arith.constant 0 : i32
      %dma_start3A_94 = tpu.memref_slice %arg7[%scan3A_89, %dma_start3A_93] : memref<40x128xi32, #tpu.memory_space<vmem>> -> memref<1x128xi32, #tpu.memory_space<vmem>>
      %dma_start3A_95 = tpu.memref_squeeze %dma_start3A_94 : memref<1x128xi32, #tpu.memory_space<vmem>> -> memref<128xi32, #tpu.memory_space<vmem>>
      %dma_start3A_96 = arith.constant 0 : i32
      %dma_start3A_97 = arith.constant 0 : i32
      %dma_start3A_98 = tpu.memref_slice %arg13[%dma_start3A_96, %dma_start3A_97] : memref<10240x16xf32, #tpu.memory_space<vmem_shared>> -> memref<10240x16xf32, #tpu.memory_space<vmem_shared>>
      tpu.enqueue_indirect_dma source(%dma_start3A_92 : memref<128x16xf32, #tpu.memory_space<vmem>>) target(%dma_start3A_98 : memref<10240x16xf32, #tpu.memory_space<vmem_shared>>) offsets(%dma_start3A_95 : memref<128xi32, #tpu.memory_space<vmem>>) semaphore(%arg14 : memref<!tpu.dma_semaphore, #tpu.memory_space<semaphore_mem>>) {add = true}
    }
    %scan3A_57 = arith.constant 40 : i32
    %scan3A_58 = arith.constant 0 : i32
    %scan3A_59 = arith.constant 0 : i32
    %scan3A_60 = arith.constant 40 : i32
    %scan3A_61 = arith.addi %scan3A_59, %scan3A_60 : i32
    %scan3A_62 = arith.constant 1 : i32
    scf.for %scan3A_89 = %scan3A_59 to %scan3A_61 step %scan3A_62  : i32 {
      %mul3A_90 = arith.constant 128 : i32
      %mul3A_91 = arith.muli %scan3A_89, %mul3A_90 : i32
      %dma_wait3A = arith.constant 0 : i32
      %dma_wait3A_92 = tpu.memref_slice %arg8[%mul3A_91, %dma_wait3A] : memref<5120x16xf32, #tpu.memory_space<vmem>> -> memref<128x16xf32, #tpu.memory_space<vmem>>
      %dma_wait3A_93 = arith.constant 0 : i32
      %dma_wait3A_94 = tpu.memref_slice %arg7[%scan3A_89, %dma_wait3A_93] : memref<40x128xi32, #tpu.memory_space<vmem>> -> memref<1x128xi32, #tpu.memory_space<vmem>>
      %dma_wait3A_95 = tpu.memref_squeeze %dma_wait3A_94 : memref<1x128xi32, #tpu.memory_space<vmem>> -> memref<128xi32, #tpu.memory_space<vmem>>
      %dma_wait3A_96 = arith.constant 0 : i32
      %dma_wait3A_97 = arith.constant 0 : i32
      %dma_wait3A_98 = tpu.memref_slice %arg13[%dma_wait3A_96, %dma_wait3A_97] : memref<10240x16xf32, #tpu.memory_space<vmem_shared>> -> memref<10240x16xf32, #tpu.memory_space<vmem_shared>>
      tpu.wait_indirect_dma semaphore(%arg14 : memref<!tpu.dma_semaphore, #tpu.memory_space<semaphore_mem>>) src(%dma_wait3A_92 : memref<128x16xf32, #tpu.memory_space<vmem>>) dst(%dma_wait3A_98 : memref<10240x16xf32, #tpu.memory_space<vmem_shared>>)
    }
    %scan3A_63 = arith.constant 40 : i32
    %barrier3A_64 = arith.constant 0 : index
    tpu.barrier barrier_id(%barrier3A_64)
    %mul3A_65 = arith.constant 640 : i32
    %mul3A_66 = arith.muli %arg1, %mul3A_65 : i32
    %add3A_67 = arith.constant 0 : i32
    %add3A_68 = arith.addi %mul3A_66, %add3A_67 : i32
    "tpu.region"() ({
      %run_scoped3A = tpu.sem_alloc : memref<!tpu.dma_semaphore, #tpu.memory_space<semaphore_mem>>
      %dma_start3A = arith.constant 0 : i32
      %dma_start3A_89 = tpu.memref_slice %arg13[%add3A_68, %dma_start3A] : memref<10240x16xf32, #tpu.memory_space<vmem_shared>> -> memref<320x16xf32, #tpu.memory_space<vmem_shared>>
      %dma_start3A_90 = arith.constant 0 : i32
      %dma_start3A_91 = tpu.memref_slice %arg13[%add3A_68, %dma_start3A_90] : memref<10240x16xf32, #tpu.memory_space<vmem_shared>> -> memref<320x16xf32, #tpu.memory_space<vmem_shared>>
      tpu.enqueue_dma source(%dma_start3A_91 : memref<320x16xf32, #tpu.memory_space<vmem_shared>>) target(%arg9 : memref<320x16xf32, #tpu.memory_space<vmem>>) target_semaphore(%run_scoped3A : memref<!tpu.dma_semaphore, #tpu.memory_space<semaphore_mem>>)
      %dma_wait3A = arith.constant 0 : i32
      %dma_wait3A_92 = tpu.memref_slice %arg13[%add3A_68, %dma_wait3A] : memref<10240x16xf32, #tpu.memory_space<vmem_shared>> -> memref<320x16xf32, #tpu.memory_space<vmem_shared>>
      %dma_wait3A_93 = arith.constant 0 : i32
      %dma_wait3A_94 = tpu.memref_slice %arg13[%add3A_68, %dma_wait3A_93] : memref<10240x16xf32, #tpu.memory_space<vmem_shared>> -> memref<320x16xf32, #tpu.memory_space<vmem_shared>>
      tpu.wait_dma2 semaphore(%run_scoped3A : memref<!tpu.dma_semaphore, #tpu.memory_space<semaphore_mem>>) src(%dma_wait3A_94 : memref<320x16xf32, #tpu.memory_space<vmem_shared>>) dst(%arg9 : memref<320x16xf32, #tpu.memory_space<vmem>>)
      tpu.yield
    }) : () -> ()
    "tpu.region"() ({
      %run_scoped3A = tpu.sem_alloc : memref<!tpu.dma_semaphore, #tpu.memory_space<semaphore_mem>>
      %dma_start3A = arith.constant 0 : i32
      %dma_start3A_89 = tpu.memref_slice %arg5[%add3A_68, %dma_start3A] : memref<10240x16xf32, #tpu.memory_space<hbm>> -> memref<320x16xf32, #tpu.memory_space<hbm>>
      %dma_start3A_90 = arith.constant 0 : i32
      %dma_start3A_91 = tpu.memref_slice %arg5[%add3A_68, %dma_start3A_90] : memref<10240x16xf32, #tpu.memory_space<hbm>> -> memref<320x16xf32, #tpu.memory_space<hbm>>
      tpu.enqueue_dma source(%dma_start3A_91 : memref<320x16xf32, #tpu.memory_space<hbm>>) target(%arg10 : memref<320x16xf32, #tpu.memory_space<vmem>>) target_semaphore(%run_scoped3A : memref<!tpu.dma_semaphore, #tpu.memory_space<semaphore_mem>>)
      %dma_wait3A = arith.constant 0 : i32
      %dma_wait3A_92 = tpu.memref_slice %arg5[%add3A_68, %dma_wait3A] : memref<10240x16xf32, #tpu.memory_space<hbm>> -> memref<320x16xf32, #tpu.memory_space<hbm>>
      %dma_wait3A_93 = arith.constant 0 : i32
      %dma_wait3A_94 = tpu.memref_slice %arg5[%add3A_68, %dma_wait3A_93] : memref<10240x16xf32, #tpu.memory_space<hbm>> -> memref<320x16xf32, #tpu.memory_space<hbm>>
      tpu.wait_dma2 semaphore(%run_scoped3A : memref<!tpu.dma_semaphore, #tpu.memory_space<semaphore_mem>>) src(%dma_wait3A_94 : memref<320x16xf32, #tpu.memory_space<hbm>>) dst(%arg10 : memref<320x16xf32, #tpu.memory_space<vmem>>)
      tpu.yield
    }) : () -> ()
    "tpu.region"() ({
      %run_scoped3A = tpu.sem_alloc : memref<!tpu.dma_semaphore, #tpu.memory_space<semaphore_mem>>
      %dma_start3A = arith.constant 0 : i32
      %dma_start3A_89 = tpu.memref_slice %arg4[%add3A_68, %dma_start3A] : memref<10240x16xf32, #tpu.memory_space<hbm>> -> memref<320x16xf32, #tpu.memory_space<hbm>>
      %dma_start3A_90 = arith.constant 0 : i32
      %dma_start3A_91 = tpu.memref_slice %arg4[%add3A_68, %dma_start3A_90] : memref<10240x16xf32, #tpu.memory_space<hbm>> -> memref<320x16xf32, #tpu.memory_space<hbm>>
      tpu.enqueue_dma source(%dma_start3A_91 : memref<320x16xf32, #tpu.memory_space<hbm>>) target(%arg11 : memref<320x16xf32, #tpu.memory_space<vmem>>) target_semaphore(%run_scoped3A : memref<!tpu.dma_semaphore, #tpu.memory_space<semaphore_mem>>)
      %dma_wait3A = arith.constant 0 : i32
      %dma_wait3A_92 = tpu.memref_slice %arg4[%add3A_68, %dma_wait3A] : memref<10240x16xf32, #tpu.memory_space<hbm>> -> memref<320x16xf32, #tpu.memory_space<hbm>>
      %dma_wait3A_93 = arith.constant 0 : i32
      %dma_wait3A_94 = tpu.memref_slice %arg4[%add3A_68, %dma_wait3A_93] : memref<10240x16xf32, #tpu.memory_space<hbm>> -> memref<320x16xf32, #tpu.memory_space<hbm>>
      tpu.wait_dma2 semaphore(%run_scoped3A : memref<!tpu.dma_semaphore, #tpu.memory_space<semaphore_mem>>) src(%dma_wait3A_94 : memref<320x16xf32, #tpu.memory_space<hbm>>) dst(%arg11 : memref<320x16xf32, #tpu.memory_space<vmem>>)
      tpu.yield
    }) : () -> ()
    %scan3A_69 = arith.constant 0 : i32
    %scan3A_70 = arith.constant 0 : i32
    %scan3A_71 = arith.constant 320 : i32
    %scan3A_72 = arith.addi %scan3A_70, %scan3A_71 : i32
    %scan3A_73 = arith.constant 1 : i32
    scf.for %scan3A_89 = %scan3A_70 to %scan3A_72 step %scan3A_73  : i32 {
      %get3A = arith.index_cast %scan3A_89 : i32 to index
      %get3A_90 = arith.constant 0 : index
      %get3A_91 = tpu.vector_load %arg9[%get3A, %get3A_90] {strides = array<i32>} : memref<320x16xf32, #tpu.memory_space<vmem>>, vector<1x16xf32>,
      %get3A_92 = vector.shape_cast %get3A_91 : vector<1x16xf32> to vector<16xf32>
      %get3A_93 = arith.index_cast %scan3A_89 : i32 to index
      %get3A_94 = arith.constant 0 : index
      %get3A_95 = tpu.vector_load %arg10[%get3A_93, %get3A_94] {strides = array<i32>} : memref<320x16xf32, #tpu.memory_space<vmem>>, vector<1x16xf32>,
      %get3A_96 = vector.shape_cast %get3A_95 : vector<1x16xf32> to vector<16xf32>
      %max3A = arith.constant 1.000000e+00 : f32
      %max3A_97 = vector.broadcast %max3A : f32 to vector<16xf32>
      %max3A_98 = arith.maximumf %get3A_96, %max3A_97 : vector<16xf32>
      %div3A = arith.divf %get3A_92, %max3A_98 : vector<16xf32>
      %get3A_99 = arith.index_cast %scan3A_89 : i32 to index
      %get3A_100 = arith.constant 0 : index
      %get3A_101 = tpu.vector_load %arg11[%get3A_99, %get3A_100] {strides = array<i32>} : memref<320x16xf32, #tpu.memory_space<vmem>>, vector<1x16xf32>,
      %get3A_102 = vector.shape_cast %get3A_101 : vector<1x16xf32> to vector<16xf32>
      %add3A_103 = arith.addf %div3A, %get3A_102 : vector<16xf32>
      %gt3A = arith.constant 0.000000e+00 : f32
      %gt3A_104 = vector.broadcast %gt3A : f32 to vector<16xf32>
      %gt3A_105 = arith.cmpf ogt, %add3A_103, %gt3A_104 : vector<16xf32>
      %min3A = arith.constant 0.000000e+00 : f32
      %min3A_106 = vector.broadcast %min3A : f32 to vector<16xf32>
      %min3A_107 = arith.minimumf %add3A_103, %min3A_106 : vector<16xf32>
      %exp3A = math.exp %min3A_107 : vector<16xf32>
      %sub3A = arith.constant 1.000000e+00 : f32
      %sub3A_108 = vector.broadcast %sub3A : f32 to vector<16xf32>
      %sub3A_109 = arith.subf %exp3A, %sub3A_108 : vector<16xf32>
      %select_n3A = arith.select %gt3A_105, %add3A_103, %sub3A_109 : vector<16xi1>, vector<16xf32>
      %swap3A = arith.index_cast %scan3A_89 : i32 to index
      %swap3A_110 = arith.constant 0 : index
      %swap3A_111 = tpu.vector_load %arg12[%swap3A, %swap3A_110] {strides = array<i32>} : memref<320x16xf32, #tpu.memory_space<vmem>>, vector<1x16xf32>,
      %swap3A_112 = vector.shape_cast %swap3A_111 : vector<1x16xf32> to vector<16xf32>
      %swap3A_113 = vector.shape_cast %select_n3A : vector<16xf32> to vector<1x16xf32>
      tpu.vector_store %arg12[%swap3A, %swap3A_110], %swap3A_113 {strides = array<i32>} : memref<320x16xf32, #tpu.memory_space<vmem>>, vector<1x16xf32>,
    }
    %scan3A_74 = arith.constant 320 : i32
    %convert_element_type3A = arith.extui %eq3A_4 : i1 to i32
    %cond3A = arith.constant 0 : i32
    %cond3A_75 = arith.cmpi ne, %convert_element_type3A, %cond3A : i32
    scf.if %cond3A_75 {
      "tpu.region"() ({
        %run_scoped3A = tpu.sem_alloc : memref<!tpu.dma_semaphore, #tpu.memory_space<semaphore_mem>>
        %dma_start3A = arith.constant 0 : i32
        %dma_start3A_89 = tpu.memref_slice %arg6[%add3A_68, %dma_start3A] : memref<10240x16xf32, #tpu.memory_space<hbm>> -> memref<320x16xf32, #tpu.memory_space<hbm>>
        %dma_start3A_90 = arith.constant 0 : i32
        %dma_start3A_91 = tpu.memref_slice %arg6[%add3A_68, %dma_start3A_90] : memref<10240x16xf32, #tpu.memory_space<hbm>> -> memref<320x16xf32, #tpu.memory_space<hbm>>
        tpu.enqueue_dma source(%arg12 : memref<320x16xf32, #tpu.memory_space<vmem>>) target(%dma_start3A_91 : memref<320x16xf32, #tpu.memory_space<hbm>>) target_semaphore(%run_scoped3A : memref<!tpu.dma_semaphore, #tpu.memory_space<semaphore_mem>>)
        %dma_wait3A = arith.constant 0 : i32
        %dma_wait3A_92 = tpu.memref_slice %arg6[%add3A_68, %dma_wait3A] : memref<10240x16xf32, #tpu.memory_space<hbm>> -> memref<320x16xf32, #tpu.memory_space<hbm>>
        %dma_wait3A_93 = arith.constant 0 : i32
        %dma_wait3A_94 = tpu.memref_slice %arg6[%add3A_68, %dma_wait3A_93] : memref<10240x16xf32, #tpu.memory_space<hbm>> -> memref<320x16xf32, #tpu.memory_space<hbm>>
        tpu.wait_dma2 semaphore(%run_scoped3A : memref<!tpu.dma_semaphore, #tpu.memory_space<semaphore_mem>>) src(%arg12 : memref<320x16xf32, #tpu.memory_space<vmem>>) dst(%dma_wait3A_94 : memref<320x16xf32, #tpu.memory_space<hbm>>)
        tpu.yield
      }) : () -> ()
    } else {
    }
    %mul3A_76 = arith.constant 640 : i32
    %mul3A_77 = arith.muli %arg1, %mul3A_76 : i32
    %add3A_78 = arith.constant 320 : i32
    %add3A_79 = arith.addi %mul3A_77, %add3A_78 : i32
    "tpu.region"() ({
      %run_scoped3A = tpu.sem_alloc : memref<!tpu.dma_semaphore, #tpu.memory_space<semaphore_mem>>
      %dma_start3A = arith.constant 0 : i32
      %dma_start3A_89 = tpu.memref_slice %arg13[%add3A_79, %dma_start3A] : memref<10240x16xf32, #tpu.memory_space<vmem_shared>> -> memref<320x16xf32, #tpu.memory_space<vmem_shared>>
      %dma_start3A_90 = arith.constant 0 : i32
      %dma_start3A_91 = tpu.memref_slice %arg13[%add3A_79, %dma_start3A_90] : memref<10240x16xf32, #tpu.memory_space<vmem_shared>> -> memref<320x16xf32, #tpu.memory_space<vmem_shared>>
      tpu.enqueue_dma source(%dma_start3A_91 : memref<320x16xf32, #tpu.memory_space<vmem_shared>>) target(%arg9 : memref<320x16xf32, #tpu.memory_space<vmem>>) target_semaphore(%run_scoped3A : memref<!tpu.dma_semaphore, #tpu.memory_space<semaphore_mem>>)
      %dma_wait3A = arith.constant 0 : i32
      %dma_wait3A_92 = tpu.memref_slice %arg13[%add3A_79, %dma_wait3A] : memref<10240x16xf32, #tpu.memory_space<vmem_shared>> -> memref<320x16xf32, #tpu.memory_space<vmem_shared>>
      %dma_wait3A_93 = arith.constant 0 : i32
      %dma_wait3A_94 = tpu.memref_slice %arg13[%add3A_79, %dma_wait3A_93] : memref<10240x16xf32, #tpu.memory_space<vmem_shared>> -> memref<320x16xf32, #tpu.memory_space<vmem_shared>>
      tpu.wait_dma2 semaphore(%run_scoped3A : memref<!tpu.dma_semaphore, #tpu.memory_space<semaphore_mem>>) src(%dma_wait3A_94 : memref<320x16xf32, #tpu.memory_space<vmem_shared>>) dst(%arg9 : memref<320x16xf32, #tpu.memory_space<vmem>>)
      tpu.yield
    }) : () -> ()
    "tpu.region"() ({
      %run_scoped3A = tpu.sem_alloc : memref<!tpu.dma_semaphore, #tpu.memory_space<semaphore_mem>>
      %dma_start3A = arith.constant 0 : i32
      %dma_start3A_89 = tpu.memref_slice %arg5[%add3A_79, %dma_start3A] : memref<10240x16xf32, #tpu.memory_space<hbm>> -> memref<320x16xf32, #tpu.memory_space<hbm>>
      %dma_start3A_90 = arith.constant 0 : i32
      %dma_start3A_91 = tpu.memref_slice %arg5[%add3A_79, %dma_start3A_90] : memref<10240x16xf32, #tpu.memory_space<hbm>> -> memref<320x16xf32, #tpu.memory_space<hbm>>
      tpu.enqueue_dma source(%dma_start3A_91 : memref<320x16xf32, #tpu.memory_space<hbm>>) target(%arg10 : memref<320x16xf32, #tpu.memory_space<vmem>>) target_semaphore(%run_scoped3A : memref<!tpu.dma_semaphore, #tpu.memory_space<semaphore_mem>>)
      %dma_wait3A = arith.constant 0 : i32
      %dma_wait3A_92 = tpu.memref_slice %arg5[%add3A_79, %dma_wait3A] : memref<10240x16xf32, #tpu.memory_space<hbm>> -> memref<320x16xf32, #tpu.memory_space<hbm>>
      %dma_wait3A_93 = arith.constant 0 : i32
      %dma_wait3A_94 = tpu.memref_slice %arg5[%add3A_79, %dma_wait3A_93] : memref<10240x16xf32, #tpu.memory_space<hbm>> -> memref<320x16xf32, #tpu.memory_space<hbm>>
      tpu.wait_dma2 semaphore(%run_scoped3A : memref<!tpu.dma_semaphore, #tpu.memory_space<semaphore_mem>>) src(%dma_wait3A_94 : memref<320x16xf32, #tpu.memory_space<hbm>>) dst(%arg10 : memref<320x16xf32, #tpu.memory_space<vmem>>)
      tpu.yield
    }) : () -> ()
    "tpu.region"() ({
      %run_scoped3A = tpu.sem_alloc : memref<!tpu.dma_semaphore, #tpu.memory_space<semaphore_mem>>
      %dma_start3A = arith.constant 0 : i32
      %dma_start3A_89 = tpu.memref_slice %arg4[%add3A_79, %dma_start3A] : memref<10240x16xf32, #tpu.memory_space<hbm>> -> memref<320x16xf32, #tpu.memory_space<hbm>>
      %dma_start3A_90 = arith.constant 0 : i32
      %dma_start3A_91 = tpu.memref_slice %arg4[%add3A_79, %dma_start3A_90] : memref<10240x16xf32, #tpu.memory_space<hbm>> -> memref<320x16xf32, #tpu.memory_space<hbm>>
      tpu.enqueue_dma source(%dma_start3A_91 : memref<320x16xf32, #tpu.memory_space<hbm>>) target(%arg11 : memref<320x16xf32, #tpu.memory_space<vmem>>) target_semaphore(%run_scoped3A : memref<!tpu.dma_semaphore, #tpu.memory_space<semaphore_mem>>)
      %dma_wait3A = arith.constant 0 : i32
      %dma_wait3A_92 = tpu.memref_slice %arg4[%add3A_79, %dma_wait3A] : memref<10240x16xf32, #tpu.memory_space<hbm>> -> memref<320x16xf32, #tpu.memory_space<hbm>>
      %dma_wait3A_93 = arith.constant 0 : i32
      %dma_wait3A_94 = tpu.memref_slice %arg4[%add3A_79, %dma_wait3A_93] : memref<10240x16xf32, #tpu.memory_space<hbm>> -> memref<320x16xf32, #tpu.memory_space<hbm>>
      tpu.wait_dma2 semaphore(%run_scoped3A : memref<!tpu.dma_semaphore, #tpu.memory_space<semaphore_mem>>) src(%dma_wait3A_94 : memref<320x16xf32, #tpu.memory_space<hbm>>) dst(%arg11 : memref<320x16xf32, #tpu.memory_space<vmem>>)
      tpu.yield
    }) : () -> ()
    %scan3A_80 = arith.constant 0 : i32
    %scan3A_81 = arith.constant 0 : i32
    %scan3A_82 = arith.constant 320 : i32
    %scan3A_83 = arith.addi %scan3A_81, %scan3A_82 : i32
    %scan3A_84 = arith.constant 1 : i32
    scf.for %scan3A_89 = %scan3A_81 to %scan3A_83 step %scan3A_84  : i32 {
      %get3A = arith.index_cast %scan3A_89 : i32 to index
      %get3A_90 = arith.constant 0 : index
      %get3A_91 = tpu.vector_load %arg9[%get3A, %get3A_90] {strides = array<i32>} : memref<320x16xf32, #tpu.memory_space<vmem>>, vector<1x16xf32>,
      %get3A_92 = vector.shape_cast %get3A_91 : vector<1x16xf32> to vector<16xf32>
      %get3A_93 = arith.index_cast %scan3A_89 : i32 to index
      %get3A_94 = arith.constant 0 : index
      %get3A_95 = tpu.vector_load %arg10[%get3A_93, %get3A_94] {strides = array<i32>} : memref<320x16xf32, #tpu.memory_space<vmem>>, vector<1x16xf32>,
      %get3A_96 = vector.shape_cast %get3A_95 : vector<1x16xf32> to vector<16xf32>
      %max3A = arith.constant 1.000000e+00 : f32
      %max3A_97 = vector.broadcast %max3A : f32 to vector<16xf32>
      %max3A_98 = arith.maximumf %get3A_96, %max3A_97 : vector<16xf32>
      %div3A = arith.divf %get3A_92, %max3A_98 : vector<16xf32>
      %get3A_99 = arith.index_cast %scan3A_89 : i32 to index
      %get3A_100 = arith.constant 0 : index
      %get3A_101 = tpu.vector_load %arg11[%get3A_99, %get3A_100] {strides = array<i32>} : memref<320x16xf32, #tpu.memory_space<vmem>>, vector<1x16xf32>,
      %get3A_102 = vector.shape_cast %get3A_101 : vector<1x16xf32> to vector<16xf32>
      %add3A_103 = arith.addf %div3A, %get3A_102 : vector<16xf32>
      %gt3A = arith.constant 0.000000e+00 : f32
      %gt3A_104 = vector.broadcast %gt3A : f32 to vector<16xf32>
      %gt3A_105 = arith.cmpf ogt, %add3A_103, %gt3A_104 : vector<16xf32>
      %min3A = arith.constant 0.000000e+00 : f32
      %min3A_106 = vector.broadcast %min3A : f32 to vector<16xf32>
      %min3A_107 = arith.minimumf %add3A_103, %min3A_106 : vector<16xf32>
      %exp3A = math.exp %min3A_107 : vector<16xf32>
      %sub3A = arith.constant 1.000000e+00 : f32
      %sub3A_108 = vector.broadcast %sub3A : f32 to vector<16xf32>
      %sub3A_109 = arith.subf %exp3A, %sub3A_108 : vector<16xf32>
      %select_n3A = arith.select %gt3A_105, %add3A_103, %sub3A_109 : vector<16xi1>, vector<16xf32>
      %swap3A = arith.index_cast %scan3A_89 : i32 to index
      %swap3A_110 = arith.constant 0 : index
      %swap3A_111 = tpu.vector_load %arg12[%swap3A, %swap3A_110] {strides = array<i32>} : memref<320x16xf32, #tpu.memory_space<vmem>>, vector<1x16xf32>,
      %swap3A_112 = vector.shape_cast %swap3A_111 : vector<1x16xf32> to vector<16xf32>
      %swap3A_113 = vector.shape_cast %select_n3A : vector<16xf32> to vector<1x16xf32>
      tpu.vector_store %arg12[%swap3A, %swap3A_110], %swap3A_113 {strides = array<i32>} : memref<320x16xf32, #tpu.memory_space<vmem>>, vector<1x16xf32>,
    }
    %scan3A_85 = arith.constant 320 : i32
    %convert_element_type3A_86 = arith.extui %eq3A_4 : i1 to i32
    %cond3A_87 = arith.constant 0 : i32
    %cond3A_88 = arith.cmpi ne, %convert_element_type3A_86, %cond3A_87 : i32
    scf.if %cond3A_88 {
      "tpu.region"() ({
        %run_scoped3A = tpu.sem_alloc : memref<!tpu.dma_semaphore, #tpu.memory_space<semaphore_mem>>
        %dma_start3A = arith.constant 0 : i32
        %dma_start3A_89 = tpu.memref_slice %arg6[%add3A_79, %dma_start3A] : memref<10240x16xf32, #tpu.memory_space<hbm>> -> memref<320x16xf32, #tpu.memory_space<hbm>>
        %dma_start3A_90 = arith.constant 0 : i32
        %dma_start3A_91 = tpu.memref_slice %arg6[%add3A_79, %dma_start3A_90] : memref<10240x16xf32, #tpu.memory_space<hbm>> -> memref<320x16xf32, #tpu.memory_space<hbm>>
        tpu.enqueue_dma source(%arg12 : memref<320x16xf32, #tpu.memory_space<vmem>>) target(%dma_start3A_91 : memref<320x16xf32, #tpu.memory_space<hbm>>) target_semaphore(%run_scoped3A : memref<!tpu.dma_semaphore, #tpu.memory_space<semaphore_mem>>)
        %dma_wait3A = arith.constant 0 : i32
        %dma_wait3A_92 = tpu.memref_slice %arg6[%add3A_79, %dma_wait3A] : memref<10240x16xf32, #tpu.memory_space<hbm>> -> memref<320x16xf32, #tpu.memory_space<hbm>>
        %dma_wait3A_93 = arith.constant 0 : i32
        %dma_wait3A_94 = tpu.memref_slice %arg6[%add3A_79, %dma_wait3A_93] : memref<10240x16xf32, #tpu.memory_space<hbm>> -> memref<320x16xf32, #tpu.memory_space<hbm>>
        tpu.wait_dma2 semaphore(%run_scoped3A : memref<!tpu.dma_semaphore, #tpu.memory_space<semaphore_mem>>) src(%arg12 : memref<320x16xf32, #tpu.memory_space<vmem>>) dst(%dma_wait3A_94 : memref<320x16xf32, #tpu.memory_space<hbm>>)
        tpu.yield
      }) : () -> ()
    } else {
    }
    return
  }
}

module attributes {stable_mosaic.version = 14 : i64} {
  func.func @_msg_body(%arg0: i32, %arg1: memref<256x64xf32, #tpu.memory_space<vmem>>, %arg2: memref<256x128xf32, #tpu.memory_space<vmem>>, %arg3: memref<16x128xf32, #tpu.memory_space<vmem>>, %arg4: memref<64x256xf32, #tpu.memory_space<vmem>>, %arg5: memref<1x256xf32, #tpu.memory_space<vmem>>, %arg6: memref<256x2048xbf16, #tpu.memory_space<vmem>>, %arg7: memref<128x2048xbf16, #tpu.memory_space<vmem>>, %arg8: memref<2048x128xbf16, #tpu.memory_space<vmem>>, %arg9: memref<128x128xf32, #tpu.memory_space<vmem>>, %arg10: memref<1x128xf32, #tpu.memory_space<vmem>>, %arg11: memref<256x128xf32, #tpu.memory_space<vmem>>, %arg12: memref<16x128xf32, #tpu.memory_space<vmem>>) attributes {dimension_semantics = [#tpu.dimension_semantics<arbitrary>], iteration_bounds = array<i64: 80>, scalar_prefetch = 0 : i64, scratch_operands = 0 : i64, tpu.core_type = #tpu.core_type<tc>, window_params = [{transform_indices = @transform_0, window_bounds = array<i64: 256, 64>}, {transform_indices = @transform_1, window_bounds = array<i64: 256, 128>}, {transform_indices = @transform_2, window_bounds = array<i64: 16, 128>}, {pipeline_mode = #tpu.pipeline_mode<synchronous>, transform_indices = @transform_3, window_bounds = array<i64: 64, 256>}, {pipeline_mode = #tpu.pipeline_mode<synchronous>, transform_indices = @transform_4, window_bounds = array<i64: 1, 256>}, {pipeline_mode = #tpu.pipeline_mode<synchronous>, transform_indices = @transform_5, window_bounds = array<i64: 256, 2048>}, {pipeline_mode = #tpu.pipeline_mode<synchronous>, transform_indices = @transform_6, window_bounds = array<i64: 128, 2048>}, {pipeline_mode = #tpu.pipeline_mode<synchronous>, transform_indices = @transform_7, window_bounds = array<i64: 2048, 128>}, {pipeline_mode = #tpu.pipeline_mode<synchronous>, transform_indices = @transform_8, window_bounds = array<i64: 128, 128>}, {pipeline_mode = #tpu.pipeline_mode<synchronous>, transform_indices = @transform_9, window_bounds = array<i64: 1, 128>}, {transform_indices = @transform_10, window_bounds = array<i64: 256, 128>}, {transform_indices = @transform_11, window_bounds = array<i64: 16, 128>}]} {
    %get3A = arith.constant 0 : index
    %get3A_0 = arith.constant 0 : index
    %get3A_1 = vector.load %arg1[%get3A, %get3A_0] : memref<256x64xf32, #tpu.memory_space<vmem>>, vector<256x64xf32>
    %get3A_2 = arith.constant 0 : index
    %get3A_3 = arith.constant 0 : index
    %get3A_4 = vector.load %arg4[%get3A_2, %get3A_3] : memref<64x256xf32, #tpu.memory_space<vmem>>, vector<64x256xf32>
    %dot_general3A = arith.constant dense<0.000000e+00> : vector<256x256xf32>
    %dot_general3A_5 = tpu.matmul %get3A_1, %get3A_4, %dot_general3A {dimension_numbers = #tpu.dot_dimension_numbers<[1], [0], [0], [1], [0, 0, 1, 1], [], []>, transpose_lhs_hint = false} : vector<256x64xf32>, vector<64x256xf32>, vector<256x256xf32> -> vector<256x256xf32>
    %get3A_6 = arith.constant 0 : index
    %get3A_7 = arith.constant 0 : index
    %get3A_8 = vector.load %arg5[%get3A_6, %get3A_7] : memref<1x256xf32, #tpu.memory_space<vmem>>, vector<1x256xf32>
    %add3A = vector.broadcast %get3A_8 : vector<1x256xf32> to vector<256x256xf32>
    %add3A_9 = arith.addf %dot_general3A_5, %add3A : vector<256x256xf32>
    %max3A = arith.constant 0.000000e+00 : f32
    %max3A_10 = vector.broadcast %max3A : f32 to vector<256x256xf32>
    %max3A_11 = arith.maximumf %add3A_9, %max3A_10 : vector<256x256xf32>
    %convert_element_type3A = arith.truncf %max3A_11 : vector<256x256xf32> to vector<256x256xbf16>
    %get3A_12 = arith.constant 0 : index
    %get3A_13 = arith.constant 0 : index
    %get3A_14 = vector.load %arg6[%get3A_12, %get3A_13] : memref<256x2048xbf16, #tpu.memory_space<vmem>>, vector<256x2048xbf16>
    %dot_general3A_15 = arith.constant dense<0.000000e+00> : vector<256x2048xf32>
    %dot_general3A_16 = tpu.matmul %convert_element_type3A, %get3A_14, %dot_general3A_15 {dimension_numbers = #tpu.dot_dimension_numbers<[1], [0], [0], [1], [0, 0, 1, 1], [], []>, transpose_lhs_hint = false} : vector<256x256xbf16>, vector<256x2048xbf16>, vector<256x2048xf32> -> vector<256x2048xf32>
    %get3A_17 = arith.constant 0 : index
    %get3A_18 = arith.constant 0 : index
    %get3A_19 = vector.load %arg2[%get3A_17, %get3A_18] : memref<256x128xf32, #tpu.memory_space<vmem>>, vector<256x128xf32>
    %convert_element_type3A_20 = arith.truncf %get3A_19 : vector<256x128xf32> to vector<256x128xbf16>
    %get3A_21 = arith.constant 0 : index
    %get3A_22 = arith.constant 0 : index
    %get3A_23 = vector.load %arg7[%get3A_21, %get3A_22] : memref<128x2048xbf16, #tpu.memory_space<vmem>>, vector<128x2048xbf16>
    %dot_general3A_24 = arith.constant dense<0.000000e+00> : vector<256x2048xf32>
    %dot_general3A_25 = tpu.matmul %convert_element_type3A_20, %get3A_23, %dot_general3A_24 {dimension_numbers = #tpu.dot_dimension_numbers<[1], [0], [0], [1], [0, 0, 1, 1], [], []>, transpose_lhs_hint = false} : vector<256x128xbf16>, vector<128x2048xbf16>, vector<256x2048xf32> -> vector<256x2048xf32>
    %mul3A = arith.mulf %dot_general3A_16, %dot_general3A_25 : vector<256x2048xf32>
    %convert_element_type3A_26 = arith.truncf %mul3A : vector<256x2048xf32> to vector<256x2048xbf16>
    %get3A_27 = arith.constant 0 : index
    %get3A_28 = arith.constant 0 : index
    %get3A_29 = vector.load %arg8[%get3A_27, %get3A_28] : memref<2048x128xbf16, #tpu.memory_space<vmem>>, vector<2048x128xbf16>
    %dot_general3A_30 = arith.constant dense<0.000000e+00> : vector<256x128xf32>
    %dot_general3A_31 = tpu.matmul %convert_element_type3A_26, %get3A_29, %dot_general3A_30 {dimension_numbers = #tpu.dot_dimension_numbers<[1], [0], [0], [1], [0, 0, 1, 1], [], []>, transpose_lhs_hint = false} : vector<256x2048xbf16>, vector<2048x128xbf16>, vector<256x128xf32> -> vector<256x128xf32>
    %swap3A = arith.constant 0 : index
    %swap3A_32 = arith.constant 0 : index
    %swap3A_33 = vector.load %arg11[%swap3A, %swap3A_32] : memref<256x128xf32, #tpu.memory_space<vmem>>, vector<256x128xf32>
    tpu.vector_store %arg11[%swap3A, %swap3A_32], %dot_general3A_31 {strides = array<i32>} : memref<256x128xf32, #tpu.memory_space<vmem>>, vector<256x128xf32>,
    %get3A_34 = arith.constant 0 : index
    %get3A_35 = arith.constant 0 : index
    %get3A_36 = vector.load %arg3[%get3A_34, %get3A_35] : memref<16x128xf32, #tpu.memory_space<vmem>>, vector<16x128xf32>
    %get3A_37 = arith.constant 0 : index
    %get3A_38 = arith.constant 0 : index
    %get3A_39 = vector.load %arg9[%get3A_37, %get3A_38] : memref<128x128xf32, #tpu.memory_space<vmem>>, vector<128x128xf32>
    %dot_general3A_40 = arith.constant dense<0.000000e+00> : vector<16x128xf32>
    %dot_general3A_41 = tpu.matmul %get3A_36, %get3A_39, %dot_general3A_40 {dimension_numbers = #tpu.dot_dimension_numbers<[1], [0], [0], [1], [0, 0, 1, 1], [], []>, transpose_lhs_hint = false} : vector<16x128xf32>, vector<128x128xf32>, vector<16x128xf32> -> vector<16x128xf32>
    %get3A_42 = arith.constant 0 : index
    %get3A_43 = arith.constant 0 : index
    %get3A_44 = vector.load %arg10[%get3A_42, %get3A_43] : memref<1x128xf32, #tpu.memory_space<vmem>>, vector<1x128xf32>
    %add3A_45 = vector.broadcast %get3A_44 : vector<1x128xf32> to vector<16x128xf32>
    %add3A_46 = arith.addf %dot_general3A_41, %add3A_45 : vector<16x128xf32>
    %swap3A_47 = arith.constant 0 : index
    %swap3A_48 = arith.constant 0 : index
    %swap3A_49 = vector.load %arg12[%swap3A_47, %swap3A_48] : memref<16x128xf32, #tpu.memory_space<vmem>>, vector<16x128xf32>
    tpu.vector_store %arg12[%swap3A_47, %swap3A_48], %add3A_46 {strides = array<i32>} : memref<16x128xf32, #tpu.memory_space<vmem>>, vector<16x128xf32>,
    return
  }
  func.func @transform_0(%arg0: i32) -> (i32, i32) {
    %c0_i32 = arith.constant 0 : i32
    %c0_i32_0 = arith.constant 0 : i32
    return %arg0, %c0_i32 : i32, i32
  }
  func.func @transform_1(%arg0: i32) -> (i32, i32) {
    %c0_i32 = arith.constant 0 : i32
    %c0_i32_0 = arith.constant 0 : i32
    return %arg0, %c0_i32 : i32, i32
  }
  func.func @transform_2(%arg0: i32) -> (i32, i32) {
    %c0_i32 = arith.constant 0 : i32
    %c0_i32_0 = arith.constant 0 : i32
    return %arg0, %c0_i32 : i32, i32
  }
  func.func @transform_3(%arg0: i32) -> (i32, i32) {
    %c0_i32 = arith.constant 0 : i32
    %c0_i32_0 = arith.constant 0 : i32
    %c0_i32_1 = arith.constant 0 : i32
    return %c0_i32, %c0_i32_0 : i32, i32
  }
  func.func @transform_4(%arg0: i32) -> (i32, i32) {
    %c0_i32 = arith.constant 0 : i32
    %c0_i32_0 = arith.constant 0 : i32
    %c0_i32_1 = arith.constant 0 : i32
    return %c0_i32, %c0_i32_0 : i32, i32
  }
  func.func @transform_5(%arg0: i32) -> (i32, i32) {
    %c0_i32 = arith.constant 0 : i32
    %c0_i32_0 = arith.constant 0 : i32
    %c0_i32_1 = arith.constant 0 : i32
    return %c0_i32, %c0_i32_0 : i32, i32
  }
  func.func @transform_6(%arg0: i32) -> (i32, i32) {
    %c0_i32 = arith.constant 0 : i32
    %c0_i32_0 = arith.constant 0 : i32
    %c0_i32_1 = arith.constant 0 : i32
    return %c0_i32, %c0_i32_0 : i32, i32
  }
  func.func @transform_7(%arg0: i32) -> (i32, i32) {
    %c0_i32 = arith.constant 0 : i32
    %c0_i32_0 = arith.constant 0 : i32
    %c0_i32_1 = arith.constant 0 : i32
    return %c0_i32, %c0_i32_0 : i32, i32
  }
  func.func @transform_8(%arg0: i32) -> (i32, i32) {
    %c0_i32 = arith.constant 0 : i32
    %c0_i32_0 = arith.constant 0 : i32
    %c0_i32_1 = arith.constant 0 : i32
    return %c0_i32, %c0_i32_0 : i32, i32
  }
  func.func @transform_9(%arg0: i32) -> (i32, i32) {
    %c0_i32 = arith.constant 0 : i32
    %c0_i32_0 = arith.constant 0 : i32
    %c0_i32_1 = arith.constant 0 : i32
    return %c0_i32, %c0_i32_0 : i32, i32
  }
  func.func @transform_10(%arg0: i32) -> (i32, i32) {
    %c0_i32 = arith.constant 0 : i32
    %c0_i32_0 = arith.constant 0 : i32
    return %arg0, %c0_i32 : i32, i32
  }
  func.func @transform_11(%arg0: i32) -> (i32, i32) {
    %c0_i32 = arith.constant 0 : i32
    %c0_i32_0 = arith.constant 0 : i32
    return %arg0, %c0_i32 : i32, i32
  }
}

module attributes {stable_mosaic.version = 14 : i64} {
  func.func @_pool_body(%arg0: i32, %arg1: memref<2048x16xf32, #tpu.memory_space<vmem>>, %arg2: memref<1x1x2048xi32, #tpu.memory_space<vmem>>, %arg3: memref<16x10xf32, #tpu.memory_space<vmem>>, %arg4: memref<1x10xf32, #tpu.memory_space<vmem>>, %arg5: memref<16x10xf32, #tpu.memory_space<vmem>>, %arg6: memref<16x16xf32, #tpu.memory_space<vmem>>, %arg7: memref<16x16xf32, #tpu.memory_space<vmem>>) attributes {dimension_semantics = [#tpu.dimension_semantics<arbitrary>], iteration_bounds = array<i64: 5>, scalar_prefetch = 0 : i64, scratch_operands = 2 : i64, tpu.core_type = #tpu.core_type<tc>, window_params = [{transform_indices = @transform_0, window_bounds = array<i64: 2048, 16>}, {transform_indices = @transform_1, window_bounds = array<i64: 1, 1, 2048>}, {pipeline_mode = #tpu.pipeline_mode<synchronous>, transform_indices = @transform_2, window_bounds = array<i64: 16, 10>}, {pipeline_mode = #tpu.pipeline_mode<synchronous>, transform_indices = @transform_3, window_bounds = array<i64: 1, 10>}, {pipeline_mode = #tpu.pipeline_mode<synchronous>, transform_indices = @transform_4, window_bounds = array<i64: 16, 10>}]} {
    %eq3A = arith.constant 0 : i32
    %eq3A_0 = arith.cmpi eq, %arg0, %eq3A : i32
    %convert_element_type3A = arith.extui %eq3A_0 : i1 to i32
    %cond3A = arith.constant 0 : i32
    %cond3A_1 = arith.cmpi ne, %convert_element_type3A, %cond3A : i32
    scf.if %cond3A_1 {
      %broadcast_in_dim3A_50 = arith.constant 0.000000e+00 : f32
      %broadcast_in_dim3A_51 = vector.broadcast %broadcast_in_dim3A_50 : f32 to vector<16x16xf32>
      %swap3A_52 = arith.constant 0 : index
      %swap3A_53 = arith.constant 0 : index
      %swap3A_54 = vector.load %arg6[%swap3A_52, %swap3A_53] : memref<16x16xf32, #tpu.memory_space<vmem>>, vector<16x16xf32>
      tpu.vector_store %arg6[%swap3A_52, %swap3A_53], %broadcast_in_dim3A_51 {strides = array<i32>} : memref<16x16xf32, #tpu.memory_space<vmem>>, vector<16x16xf32>,
      %broadcast_in_dim3A_55 = arith.constant 0.000000e+00 : f32
      %broadcast_in_dim3A_56 = vector.broadcast %broadcast_in_dim3A_55 : f32 to vector<16x16xf32>
      %swap3A_57 = arith.constant 0 : index
      %swap3A_58 = arith.constant 0 : index
      %swap3A_59 = vector.load %arg7[%swap3A_57, %swap3A_58] : memref<16x16xf32, #tpu.memory_space<vmem>>, vector<16x16xf32>
      tpu.vector_store %arg7[%swap3A_57, %swap3A_58], %broadcast_in_dim3A_56 {strides = array<i32>} : memref<16x16xf32, #tpu.memory_space<vmem>>, vector<16x16xf32>,
    } else {
    }
    %iota3A = tpu.iota {dimensions = array<i32: 0>} : vector<16x2048xi32>
    %get3A = arith.constant 0 : index
    %get3A_2 = arith.constant 0 : index
    %get3A_3 = arith.constant 0 : index
    %get3A_4 = vector.load %arg2[%get3A, %get3A_2, %get3A_3] : memref<1x1x2048xi32, #tpu.memory_space<vmem>>, vector<1x1x2048xi32>
    %get3A_5 = vector.shape_cast %get3A_4 : vector<1x1x2048xi32> to vector<1x2048xi32>
    %eq3A_6 = vector.broadcast %get3A_5 : vector<1x2048xi32> to vector<16x2048xi32>
    %eq3A_7 = arith.cmpi eq, %iota3A, %eq3A_6 : vector<16x2048xi32>
    %convert_element_type3A_8 = arith.extui %eq3A_7 : vector<16x2048xi1> to vector<16x2048xi32>
    %convert_element_type3A_9 = arith.sitofp %convert_element_type3A_8 : vector<16x2048xi32> to vector<16x2048xf32>
    %get3A_10 = arith.constant 0 : index
    %get3A_11 = arith.constant 0 : index
    %get3A_12 = vector.load %arg6[%get3A_10, %get3A_11] : memref<16x16xf32, #tpu.memory_space<vmem>>, vector<16x16xf32>
    %get3A_13 = arith.constant 0 : index
    %get3A_14 = arith.constant 0 : index
    %get3A_15 = vector.load %arg1[%get3A_13, %get3A_14] : memref<2048x16xf32, #tpu.memory_space<vmem>>, vector<2048x16xf32>
    %dot_general3A = arith.constant dense<0.000000e+00> : vector<16x16xf32>
    %dot_general3A_16 = tpu.matmul %convert_element_type3A_9, %get3A_15, %dot_general3A {dimension_numbers = #tpu.dot_dimension_numbers<[1], [0], [0], [1], [0, 0, 1, 1], [], []>, transpose_lhs_hint = false} : vector<16x2048xf32>, vector<2048x16xf32>, vector<16x16xf32> -> vector<16x16xf32>
    %add3A = arith.addf %get3A_12, %dot_general3A_16 : vector<16x16xf32>
    %swap3A = arith.constant 0 : index
    %swap3A_17 = arith.constant 0 : index
    %swap3A_18 = vector.load %arg6[%swap3A, %swap3A_17] : memref<16x16xf32, #tpu.memory_space<vmem>>, vector<16x16xf32>
    tpu.vector_store %arg6[%swap3A, %swap3A_17], %add3A {strides = array<i32>} : memref<16x16xf32, #tpu.memory_space<vmem>>, vector<16x16xf32>,
    %get3A_19 = arith.constant 0 : index
    %get3A_20 = arith.constant 0 : index
    %get3A_21 = vector.load %arg7[%get3A_19, %get3A_20] : memref<16x16xf32, #tpu.memory_space<vmem>>, vector<16x16xf32>
    %broadcast_in_dim3A = arith.constant 1.000000e+00 : f32
    %broadcast_in_dim3A_22 = vector.broadcast %broadcast_in_dim3A : f32 to vector<2048x16xf32>
    %dot_general3A_23 = arith.constant dense<0.000000e+00> : vector<16x16xf32>
    %dot_general3A_24 = tpu.matmul %convert_element_type3A_9, %broadcast_in_dim3A_22, %dot_general3A_23 {dimension_numbers = #tpu.dot_dimension_numbers<[1], [0], [0], [1], [0, 0, 1, 1], [], []>, transpose_lhs_hint = false} : vector<16x2048xf32>, vector<2048x16xf32>, vector<16x16xf32> -> vector<16x16xf32>
    %add3A_25 = arith.addf %get3A_21, %dot_general3A_24 : vector<16x16xf32>
    %swap3A_26 = arith.constant 0 : index
    %swap3A_27 = arith.constant 0 : index
    %swap3A_28 = vector.load %arg7[%swap3A_26, %swap3A_27] : memref<16x16xf32, #tpu.memory_space<vmem>>, vector<16x16xf32>
    tpu.vector_store %arg7[%swap3A_26, %swap3A_27], %add3A_25 {strides = array<i32>} : memref<16x16xf32, #tpu.memory_space<vmem>>, vector<16x16xf32>,
    %get3A_29 = arith.constant 0 : index
    %get3A_30 = arith.constant 0 : index
    %get3A_31 = vector.load %arg6[%get3A_29, %get3A_30] : memref<16x16xf32, #tpu.memory_space<vmem>>, vector<16x16xf32>
    %get3A_32 = arith.constant 0 : index
    %get3A_33 = arith.constant 0 : index
    %get3A_34 = vector.load %arg7[%get3A_32, %get3A_33] : memref<16x16xf32, #tpu.memory_space<vmem>>, vector<16x16xf32>
    %max3A = arith.constant 1.000000e+00 : f32
    %max3A_35 = vector.broadcast %max3A : f32 to vector<16x16xf32>
    %max3A_36 = arith.maximumf %get3A_34, %max3A_35 : vector<16x16xf32>
    %div3A = arith.divf %get3A_31, %max3A_36 : vector<16x16xf32>
    %get3A_37 = arith.constant 0 : index
    %get3A_38 = arith.constant 0 : index
    %get3A_39 = vector.load %arg3[%get3A_37, %get3A_38] : memref<16x10xf32, #tpu.memory_space<vmem>>, vector<16x10xf32>
    %dot_general3A_40 = arith.constant dense<0.000000e+00> : vector<16x10xf32>
    %dot_general3A_41 = tpu.matmul %div3A, %get3A_39, %dot_general3A_40 {dimension_numbers = #tpu.dot_dimension_numbers<[1], [0], [0], [1], [0, 0, 1, 1], [], []>, transpose_lhs_hint = false} : vector<16x16xf32>, vector<16x10xf32>, vector<16x10xf32> -> vector<16x10xf32>
    %get3A_42 = arith.constant 0 : index
    %get3A_43 = arith.constant 0 : index
    %get3A_44 = vector.load %arg4[%get3A_42, %get3A_43] : memref<1x10xf32, #tpu.memory_space<vmem>>, vector<1x10xf32>
    %add3A_45 = vector.broadcast %get3A_44 : vector<1x10xf32> to vector<16x10xf32>
    %add3A_46 = arith.addf %dot_general3A_41, %add3A_45 : vector<16x10xf32>
    %swap3A_47 = arith.constant 0 : index
    %swap3A_48 = arith.constant 0 : index
    %swap3A_49 = vector.load %arg5[%swap3A_47, %swap3A_48] : memref<16x10xf32, #tpu.memory_space<vmem>>, vector<16x10xf32>
    tpu.vector_store %arg5[%swap3A_47, %swap3A_48], %add3A_46 {strides = array<i32>} : memref<16x10xf32, #tpu.memory_space<vmem>>, vector<16x10xf32>,
    return
  }
  func.func @transform_0(%arg0: i32) -> (i32, i32) {
    %c0_i32 = arith.constant 0 : i32
    %c0_i32_0 = arith.constant 0 : i32
    return %arg0, %c0_i32 : i32, i32
  }
  func.func @transform_1(%arg0: i32) -> (i32, i32, i32) {
    %c0_i32 = arith.constant 0 : i32
    %c0_i32_0 = arith.constant 0 : i32
    %c0_i32_1 = arith.constant 0 : i32
    return %arg0, %c0_i32, %c0_i32_0 : i32, i32, i32
  }
  func.func @transform_2(%arg0: i32) -> (i32, i32) {
    %c0_i32 = arith.constant 0 : i32
    %c0_i32_0 = arith.constant 0 : i32
    %c0_i32_1 = arith.constant 0 : i32
    return %c0_i32, %c0_i32_0 : i32, i32
  }
  func.func @transform_3(%arg0: i32) -> (i32, i32) {
    %c0_i32 = arith.constant 0 : i32
    %c0_i32_0 = arith.constant 0 : i32
    %c0_i32_1 = arith.constant 0 : i32
    return %c0_i32, %c0_i32_0 : i32, i32
  }
  func.func @transform_4(%arg0: i32) -> (i32, i32) {
    %c0_i32 = arith.constant 0 : i32
    %c0_i32_0 = arith.constant 0 : i32
    %c0_i32_1 = arith.constant 0 : i32
    return %c0_i32, %c0_i32_0 : i32, i32
  }
}

</mosaic_0001>

<sc_bundles>
// kernel: kernel.11.cloned.1.call-start
scs
__scs_entry_jumppad:
0x0: {  	(pc) =	sbr.rel $0x88, $3  }
0x1: {  	(tag) =	ssettag $0x0;
	lr =	simm.s32 $0x1  }
0x2: {  	[smem:$0x3F8B] =	sst lr;
	_ =	strace $0xD0000000  }
0x3: {  	_ = 	snop  }
0x4: {  	_ = 	snop  }
0x5: {  	_ = 	snop  }
0x6: {  	_ = 	snop  }
0x7: {  	_ = 	snop  }
__scs_overlays_trampoline_lowered:
0x8: {  	[smem:$0x3F9A] =	sst s0  }
0x9: {  	[smem:$0x3F9B] =	sst s1  }
0xa: {  	[smem:$0x3F9C] =	sst s2  }
0xb: {  	[smem:$0x3F9D] =	sst s3  }
0xc: {  	[smem:$0x3F9E] =	sst s4  }
0xd: {  	[smem:$0x3F9F] =	sst s5  }
0xe: {  	[smem:$0x3FA0] =	sst s6  }
0xf: {  	[smem:$0x3FA1] =	sst s7  }
0x10: {  	[smem:$0x3FA2] =	sst s8  }
0x11: {  	[smem:$0x3FA3] =	sst s9;
	s0 =	simm.s32 @!p0 $0x0  }
0x12: {  	s1 =	sld [smem:$0x3F89];
	s0 =	simm.s32 @p0 $0x1  }
0x13: {  	[smem:$0x3FA4] =	sst s0;
	s0 =	simm.s32 @!p1 $0x0  }
0x14: {  	s2 =	sld [smem:$0x3F88];
	s0 =	simm.s32 @p1 $0x1  }
0x15: {  	[smem:$0x3FA5] =	sst s0;
	s0 =	simm.s32 @!p2 $0x0  }
0x16: {  	s3 =	sld [smem:$0x3FDB];
	s0 =	simm.s32 @p2 $0x1  }
0x17: {  	s4 =	simm.s32 $0x1BF5;
	[smem:$0x3FA7] =	sst s0  }
0x18: {  	s0 =	sld [smem:$0x3F8A];
	_ =	swait.ge [sflag:s4], $0x0  }
0x19: {  	s7 =	sld [smem:$0x3F8B]  }
0x1a: {  	s8 =	sadd.s32 $0xFFFFE003, lr  }
0x1b: {  	s9 =	sadd.s32 $0xFFFFFEF7, lr;
	s5 =	simm.s32 $0xFFFFFFFF;
	p2 =	slt.u32 s8, $0xFFFFF086  }
0x1c: {  	p1 =	slt.u32 s9, $0xF7A;
	s5 =	simm.s32 @!p2 $0x0  }
0x1d: {  	s5 =	simm.s32 @p1 $0x1;
	p0 =	seq.s32 s7, s2  }
0x1e: {  	s7 =	smul.u32 @!p0 $0xF7A, s2;
	p2 =	seq.s32 @!p0 s5, $0x0  }
0x1f: {  	s9 =	smul.u32 $0xF7A, s1;
	s8 =	simm.s32 @!p0 $0x1BF5;
	p2 =	por !p2, p0  }
0x20: {  	[sflag:s8] =	ssyncset.s32 @!p0 $0xFFFFF086;
	s6 =	sadd.s32 @!p0 s3, s7;
	s7 =	simm.s32 @!p0 $0x108  }
0x21: {  	s3 =	sadd.s32 s3, s9;
	s6 =	sadd.s32 @!p0 $0x88, s6;
	s7 =	simm.s32 @p2 $0x1082  }
0x22: {  	[simem:s7], [sflag:s8] =	dma.local @!p0 [hbm:s6], $0xF7A  }
0x23: {  	s9 =	sor.u32 $0xD0000000, s2;
	s6 =	simm.s32 $0x108;
	_ =	swait.ge @!p0 [sflag:s8], $0x0  }
0x24: {  	s3 =	sadd.s32 $0x88, s3;
	s6 =	simm.s32 @!p1 $0x1082;
	[sflag:s4] =	ssyncset.s32 $0xFFFFF086  }
0x25: {  	[simem:s6], [sflag:s4] =	dma.local [hbm:s3], $0xF7A  }
0x26: {  	[smem:$0x3F8B] =	sst s1;
	(tag) =	ssettag s2;
	_ =	strace s9  }
0x27: {  	s1 =	sld [smem:$0x3F9B]  }
0x28: {  	s2 =	sld [smem:$0x3F9C]  }
0x29: {  	s4 =	sld [smem:$0x3F9E]  }
0x2a: {  	p0 =	seq.s32 s5, $0x0;
	s5 =	sld [smem:$0x3F9F]  }
0x2b: {  	s6 =	sld [smem:$0x3FA0]  }
0x2c: {  	s7 =	sld [smem:$0x3FA1]  }
0x2d: {  	s3 =	simm.s32 $0x108;
	s8 =	sld [smem:$0x3FA2]  }
0x2e: {  	s3 =	simm.s32 @!p0 $0x1082;
	s9 =	sld [smem:$0x3FA3]  }
0x2f: {  	lr =	sadd.s32 s0, s3;
	s0 =	sld [smem:$0x3F9A]  }
0x30: {  	s3 =	sld [smem:$0x3F9D]  }
0x31: {  	[smem:$0x3FA6] =	sst s10  }
0x32: {  	s10 =	sld [smem:$0x3FA4];
	_ =	sdelay $0x3  }
0x33: {  	p0 =	seq.s32 s10, $0x1;
	s10 =	sld [smem:$0x3FA6];
	_ =	sdelay $0x3  }
0x34: {  	[smem:$0x3FA6] =	sst s10  }
0x35: {  	s10 =	sld [smem:$0x3FA5];
	_ =	sdelay $0x3  }
0x36: {  	p1 =	seq.s32 s10, $0x1;
	s10 =	sld [smem:$0x3FA6];
	_ =	sdelay $0x3  }
0x37: {  	[smem:$0x3FA6] =	sst s10  }
0x38: {  	s10 =	sld [smem:$0x3FA7]  }
0x39: {  	_ = 	snop;
	(pc) =	sbr.ind lr, $3  }
0x3a: {  	_ = 	snop  }
0x3b: {  	_ = 	snop  }
0x3c: {  	p2 =	seq.s32 s10, $0x1;
	s10 =	sld [smem:$0x3FA6]  }
0x3d: {  	_ =	shalt  }
0x3e: {  	_ =	shalt  }
0x3f: {  	_ =	shalt  }
0x40: {  	_ =	shalt  }
0x41: {  	_ =	shalt  }
0x42: {  	_ =	shalt  }
0x43: {  	_ =	shalt  }
0x44: {  	_ =	shalt  }
0x45: {  	_ =	shalt  }
0x46: {  	_ =	shalt  }
0x47: {  	_ =	shalt  }
0x48: {  	_ =	shalt  }
0x49: {  	_ =	shalt  }
0x4a: {  	_ =	shalt  }
0x4b: {  	_ =	shalt  }
0x4c: {  	_ =	shalt  }
0x4d: {  	_ =	shalt  }
0x4e: {  	_ =	shalt  }
0x4f: {  	_ =	shalt  }
0x50: {  	_ =	shalt  }
0x51: {  	_ =	shalt  }
0x52: {  	_ =	shalt  }
0x53: {  	_ =	shalt  }
0x54: {  	_ =	shalt  }
0x55: {  	_ =	shalt  }
0x56: {  	_ =	shalt  }
0x57: {  	_ =	shalt  }
0x58: {  	_ =	shalt  }
0x59: {  	_ =	shalt  }
0x5a: {  	_ =	shalt  }
0x5b: {  	_ =	shalt  }
0x5c: {  	_ =	shalt  }
0x5d: {  	_ =	shalt  }
0x5e: {  	_ =	shalt  }
0x5f: {  	_ =	shalt  }
0x60: {  	_ =	shalt  }
0x61: {  	_ =	shalt  }
0x62: {  	_ =	shalt  }
0x63: {  	_ =	shalt  }
0x64: {  	_ =	shalt  }
0x65: {  	_ =	shalt  }
0x66: {  	_ =	shalt  }
0x67: {  	_ =	shalt  }
0x68: {  	_ =	shalt  }
0x69: {  	_ =	shalt  }
0x6a: {  	_ =	shalt  }
0x6b: {  	_ =	shalt  }
0x6c: {  	_ =	shalt  }
0x6d: {  	_ =	shalt  }
0x6e: {  	_ =	shalt  }
0x6f: {  	_ =	shalt  }
0x70: {  	_ =	shalt  }
0x71: {  	_ =	shalt  }
0x72: {  	_ =	shalt  }
0x73: {  	_ =	shalt  }
0x74: {  	_ =	shalt  }
0x75: {  	_ =	shalt  }
0x76: {  	_ =	shalt  }
0x77: {  	_ =	shalt  }
0x78: {  	_ =	shalt  }
0x79: {  	_ =	shalt  }
0x7a: {  	_ =	shalt  }
0x7b: {  	_ =	shalt  }
0x7c: {  	_ =	shalt  }
0x7d: {  	_ =	shalt  }
0x7e: {  	_ =	shalt  }
0x7f: {  	_ =	shalt  }
0x80: {  	_ =	shalt  }
0x81: {  	_ =	shalt  }
0x82: {  	_ =	shalt  }
0x83: {  	_ =	shalt  }
0x84: {  	_ =	shalt  }
0x85: {  	_ =	shalt  }
0x86: {  	_ =	shalt  }
0x87: {  	_ =	shalt  }
.Lfunc_end0:
.L_simem_size_0:
called_computation.1_lowered:
.L_overlay_start_0:
0x88: {  	s2 =	sld [smem:$0x3FD9]  }
0x89: {  	s3 =	sld [smem:$0x3FFE];
	_ =	sdelay $0x1  }
0x8a: {  	s1 =	srdreg.scid  }
0x8b: {  	s0 =	sand.u32 $0x1, s1  }
0x8c: {  	s16 =	sshll.u32 s0, $0xA;
	s2 =	sadd.s32 s3, s2  }
0x8d: {  	s2 =	sadd.s32 s2, s16  }
0x8e: {  	[smem:$0x3FB2] =	sst s2  }
0x8f: {  	_ = 	snop  }
0x90: {  	(tm) =	ssettm $0x1  }
0x91: {  	s17 =	sld [smem:$0x3FFB];
	_ =	sdelay $0x3  }
0x92: {  	_ =	strace s17  }
0x93: {  	s2 =	sld [smem:$0x3FFC];
	_ =	sdelay $0x3  }
0x94: {  	_ =	strace s2  }
0x95: {  	s2 =	sld [smem:$0x3FFD];
	_ =	sdelay $0x3  }
0x96: {  	_ =	strace s2  }
0x97: {  	_ =	strace $0x8FFFFFFF  }
0x98: {  	s18 =	sld [smem:$0x3FDB];
	_ =	sdelay $0x1  }
0x99: {  	s19 =	simm.s32 $_scs_section_size  }
0x9a: {  	s4 =	simm.s32 $_size__tile_overlayer_lowered;
	s5 =	simm.s32 $_tile_overlayer_lowered  }
0x9b: {  	s22 =	simm.s32 $0x1BFF;
	s21 =	sshll.u32 s5, $0x1;
	s2 =	sadd.s32 s19, s18  }
0x9c: {  	s6 =	simm.s32 $0x0;
	s20 =	sshll.u32 s4, $0x1;
	s4 =	sadd.s32 s21, s2  }
0x9d: {  	[timem:s6], [sflag:s22] =	dma.local [hbm:s4], s20  }
0x9e: {  	_ =	swait.ge [sflag:s22], s20  }
0x9f: {  	s3 =	ssub.s32 $0x0, s20;
	[sflag:s22] =	ssyncset.done $0x0  }
0xa0: {  	[sflag:s22] =	ssyncadd.s32 s3;
	_ =	sdelay $0x1  }
0xa1: {  	s23 =	simm.s32 $0x1B8B  }
0xa2: {  	_ =	swait.ge [sflag:s23], $0x1  }
0xa3: {  	[sflag:s23] =	ssyncset.done $0x0  }
0xa4: {  	s25 =	simm.s32 $0x1B8E;
	s24 =	sld [smem:$0x3FFE];
	[sflag:s23] =	ssyncadd.s32 $0xFFFFFFFF  }
0xa5: {  	s26 =	simm.s32 $execute0_lowered;
	[smem:$0x3FD2] =	sst s25  }
0xa6: {  	s4 =	sshll.u32 s26, $0x1;
	_ =	strace $0x80000049;
	[dreg:$0x1] =	wrdreg $0xFFFFFFFF  }
0xa7: {  	s28 =	simm.s32 $_size_execute0_lowered;
	s2 =	sadd.s32 s2, s4;
	[dreg:$0x0] =	wrdreg $0x0  }
0xa8: {  	s4 =	sshll.u32 s28, $0x1;
	[dreg:$0x2] =	wrdreg s2  }
0xa9: {  	[dreg:$0x3] =	wrdreg s4  }
0xaa: {  	[dreg:$0x4] =	wrdreg $0xC0  }
0xab: {  	_ =	task [dreg:s6], $0x5FFFF  }
0xac: {  	[dreg:$0x1] =	wrdreg $0xFFFFFFFF  }
0xad: {  	[dreg:$0x0] =	wrdreg $0x60  }
0xae: {  	[dreg:$0x2] =	wrdreg s24  }
0xaf: {  	[dreg:$0x3] =	wrdreg $0x1AC000  }
0xb0: {  	[dreg:$0x4] =	wrdreg $0x1D4000  }
0xb1: {  	[dreg:$0x5] =	wrdreg $0x9  }
0xb2: {  	_ =	task.clear_ibuf [dreg:s6], $0x6FFFF;
	_ =	strace $0x90000049  }
0xb3: {  	s29 =	simm.s32 $0x9;
	_ =	strace $0x8000004B  }
0xb4: {  	_ =	swait.ge [sflag:s29], $0x1  }
0xb5: {  	[sflag:s29] =	ssyncadd.s32 $0xFFFFFFFF  }
0xb6: {  	_ =	strace $0x9000004B  }
0xb7: {  	_ =	sfence  }
0xb8: {  	s30 =	sld [smem:$0x0];
	_ =	sdelay $0x2  }
0xb9: {  	s31 =	sshll.u32 s1, $0xD;
	s1 =	sshrl.u32 s1, $0x2  }
0xba: {  	s3 =	sand.u32 $0x4000, s31;
	s1 =	sadd.s32 s1, s30  }
0xbb: {  	s0 =	sor.u32 s3, s0;
	s1 =	sshll.u32 s1, $0x11  }
0xbc: {  	s0 =	sor.u32 s1, s0  }
0xbd: {  	s0 =	sadd.s32 $0x8F2B, s0  }
0xbe: {  	[sflag:s0] =	ssyncadd.remote.s32 $0x1  }
0xbf: {  	_ =	sfence.sel $0xFFFF  }
0xc0: {  	[dreg:$0x0] =	wrdreg $0xFFFFFFFF;
	(pc) =	sbr.abs _section_cstart, $3  }
0xc1: {  	[dreg:$0x1] =	wrdreg $0xFFFFFFFF  }
0xc2: {  	_ =	task.clear_ibuf [dreg:s6], $0x2FFFF;
	_ =	strace $0x9FFFFFFF  }
0xc3: {  	(tm) =	ssettm $0x7FFFFFFF  }
tec
execute0_lowered:
.L_overlay_start_1:
0x0: {  	(tag) =	ssettag $0x1  }
0x1: {  	s0 =	srdreg.scid;
	s1 =	rddreg [dreg:$0x0]  }
0x2: {  	s2 =	rddreg [dreg:$0x1];
	s7 =	stileid.u32  }
0x3: {  	s3 =	rddreg [dreg:$0x2];
	s6 =	simm.s32 $0x0;
	s28 =	simm.s32 $0x15C00  }
0x4: {  	s29 =	simm.s32 $0x17000;
	s30 =	simm.s32 $0x18400;
	s0 =	sand.u32 $0x1, s0  }
0x5: {  	[smem:$0x7FF] =	sst s6;
	s9 =	sadd.s32 $0xE200, s1;
	s24 =	smul.u32 $0x2800, s7  }
0x6: {  	s10 =	sadd.s32 $0xAE400, s1;
	s12 =	sadd.s32 $0xB3400, s1;
	s13 =	smul.u32 $0x500, s7  }
0x7: {  	s17 =	sadd.s32 $0xB8400, s1;
	p2 =	slt.u32 s7, $0x8;
	s15 =	smul.u32 $0x5000, s7  }
0x8: {  	s16 =	sshllo.u32 s7, $0x1;
	s4 =	sshll.u32 s0, $0x4;
	_ =	strace $0x8000004A  }
0x9: {  	s22 =	ssub.s32 $0x2, s0;
	p1 =	seq.s32 s0, $0x1;
	s18 =	smul.u32 $0x280, s16  }
0xa: {  	s25 =	smul.u32 $0x2800, s16;
	s4 =	sor.u32 s7, s4;
	s23 =	sshrl.u32 s22, $0x1  }
0xb: {  	p0 =	por !p1, !p1;
	s14 =	sadd.s32 $0x1400, s24;
	s6 =	sadd.s32 s24, s3  }
0xc: {  	s13 =	sadd.s32 s10, s13;
	s15 =	sadd.s32 s9, s15;
	s5 =	smul.u32 $0x280, s4  }
0xd: {  	s0 =	sshrl.u32 s24, $0x3;
	s4 =	smul.u32 $0x2800, s4;
	s21 =	ssub.s32 s22, s23  }
0xe: {  	p0 =	por @!p2 p1, p1;
	s7 =	sadd.s32 s14, s2;
	[dreg:$0x4] =	wrdreg s13  }
0xf: {  	s8 =	sadd.s32 s14, s3;
	[dreg:$0x5] =	wrdreg s15;
	s10 =	sadd.s32 s10, s18  }
0x10: {  	s9 =	sadd.s32 s9, s25;
	s26 =	sadd.s32 s12, s0;
	s31 =	sshrl.u32 s14, $0x3  }
0x11: {  	s14 =	sadd.s32 s17, s0;
	s22 =	simm.s32 $0x19800;
	[dreg:$0x6] =	wrdreg s10  }
0x12: {  	s23 =	simm.s32 $0x2;
	s25 =	simm.s32 $0x15400;
	[dreg:$0x7] =	wrdreg s9  }
0x13: {  	[dreg:$0x8] =	wrdreg s26;
	s16 =	sadd.s32 s12, s31;
	s17 =	sadd.s32 s17, s31  }
0x14: {  	s21 =	smax.u32 s21, $0x1;
	s26 =	simm.s32 $0x1;
	s11 =	sadd.s32 s5, s1  }
0x15: {  	s4 =	sadd.s32 s4, s1;
	s1 =	sadd.s32 $0x10D400, s1;
	s5 =	sadd.s32 s24, s2  }
0x16: {  	s24 =	simm.s32 $0x80;
	s15 =	sadd.s32 s1, s0;
	s18 =	sadd.s32 s1, s31  }
0x17: {  	v0 =	vimm.f32 $0.0e+00;
	v1 =	vimm.f32 $1.000000000e+00;
	s19 =	sadd.s32 $0x9200, s11;
	s20 =	sadd.s32 $0xBD400, s4;
	s1 =	simm.s32 $0x0  }
.LBB2_1:
0x18: {  	s0 =	simm.s32 $0x0  }
.LBB2_2:
0x19: {  	p1 =	sne.s32 s0, $0x4FC0  }
.Ltmp0:
0x1a: {  	_ = 	snop;
	(pc) =	sbr.rel @p1 .LBB2_2-.Ltmp0, $3  }
0x1b: {  	_ =	sdelay $0x1  }
0x1c: {  	s4 =	sshra.s32 s0, $0x2  }
0x1d: {  	s0 =	sadd.s32 $0x40, s0;
	[tilespmem:s4+$0x19800] =	vst v0  }
0x1e: {  	s0 =	simm.s32 $0x40;
	s4 =	simm.s32 $0x0  }
.LBB2_4:
0x1f: {  	p1 =	sne.s32 s0, $0x1FC0;
	[tilespmem:s4+$0x15400] =	vst v1;
	s4 =	smov.u32 s0;
	s0 =	sadd.s32 $0x40, s0  }
.Ltmp1:
0x20: {  	(pc) =	sbr.rel @p1 .LBB2_4-.Ltmp1, $2  }
0x21: {  	_ =	sdelay $0x2  }
0x22: {  	s4 =	sshra.s32 s4, $0x2  }
0x23: {  	[tilespmem:s4+$0x15400] =	vst v1  }
0x24: {  	[spmem:s5] =	stream.linear.scatter [tilespmem:s22], [sflag:$0x2], $0x1400, $0x38;
	[tilespmem:$0x1FC00] =	vst v63  }
0x25: {  	_ =	swait.ge [sflag:s23], $0x1400  }
0x26: {  	[sflag:s23] =	ssyncset.done $0x0  }
0x27: {  	[sflag:s23] =	ssyncadd.s32 $0xFFFFEC00  }
0x28: {  	[spmem:s6] =	stream.linear.scatter [tilespmem:s22], [sflag:$0x2], $0x1400, $0x38;
	[tilespmem:$0x1FC00] =	vst v63  }
0x29: {  	_ =	swait.ge [sflag:s23], $0x1400  }
0x2a: {  	[sflag:s23] =	ssyncset.done $0x0  }
0x2b: {  	[sflag:s23] =	ssyncadd.s32 $0xFFFFEC00  }
0x2c: {  	[spmem:s7] =	stream.linear.scatter [tilespmem:s22], [sflag:$0x2], $0x1400, $0x38;
	[tilespmem:$0x1FC00] =	vst v63  }
0x2d: {  	_ =	swait.ge [sflag:s23], $0x1400  }
0x2e: {  	[sflag:s23] =	ssyncset.done $0x0  }
0x2f: {  	[sflag:s23] =	ssyncadd.s32 $0xFFFFEC00  }
0x30: {  	[spmem:s8] =	stream.linear.scatter [tilespmem:s22], [sflag:$0x2], $0x1400, $0x38;
	[tilespmem:$0x1FC00] =	vst v63  }
0x31: {  	_ =	swait.ge [sflag:s23], $0x1400  }
0x32: {  	[sflag:s23] =	ssyncset.done $0x0  }
0x33: {  	[sflag:s23] =	ssyncadd.s32 $0xFFFFEC00  }
0x34: {  	[bflag:$0x0] =	sbarrier.arrive $0xFFFF  }
0x35: {  	s0 =	simm.s32 $0x0;
	s13 =	rddreg [dreg:$0x4]  }
0x36: {  	[tilespmem:s0], [sflag:$0x2] =	stream.linear.gather [hbm4b:s13+s0], $0x1400, $0x38;
	[tilespmem:$0x1FC00] =	vst v63  }
0x37: {  	_ =	swait.ge [sflag:s23], $0x1400  }
0x38: {  	[sflag:s23] =	ssyncset.done $0x0  }
0x39: {  	s31 =	simm.s32 $0x1400;
	s9 =	rddreg [dreg:$0x5];
	[sflag:s23] =	ssyncadd.s32 $0xFFFFEC00  }
0x3a: {  	[tilespmem:s31], [sflag:$0x2] =	stream.linear.gather [hbm4b:s9+s0], $0x14000, $0x38;
	[tilespmem:$0x1FC00] =	vst v63  }
0x3b: {  	_ =	swait.ge [sflag:s23], $0x14000  }
0x3c: {  	s4 =	simm.s32 $0x1C00;
	[sflag:s23] =	ssyncset.done $0x0  }
0x3d: {  	s9 =	simm.s32 $0x0;
	s0 =	simm.s32 $0x200;
	[sflag:s23] =	ssyncadd.s32 $0xFFFEC000  }
0x3e: {  	[spmem:s2] =	stream.indirect.scatter.add.f32 [tilespmem:s31], [sflag:$0x1], $0x10, s9, s24, $0xb8;
	[tilespmem:$0x1FC00] =	vst v63  }
.LBB2_6:
0x3f: {  	[spmem:s3] =	stream.indirect.scatter.add.f32 [tilespmem:s25], [sflag:$0x1], $0x10, s9, s24, $0xb8;
	[tilespmem:$0x1FC00] =	vst v63  }
0x40: {  	s9 =	smov.u32 s0;
	p1 =	sne.s32 s0, $0x4E00  }
.Ltmp2:
0x41: {  	s0 =	sadd.s32 $0x200, s0;
	(pc) =	sbr.rel @p1 .LBB2_6-.Ltmp2, $4  }
0x42: {  	_ = 	snop  }
0x43: {  	s9 =	sshra.s32 s9, $0x2  }
0x44: {  	[spmem:s2] =	stream.indirect.scatter.add.f32 [tilespmem:s4], [sflag:$0x1], $0x10, s9, s24, $0xb8;
	[tilespmem:$0x1FC00] =	vst v63  }
0x45: {  	s4 =	sadd.s32 $0x800, s4  }
0x46: {  	[spmem:s3] =	stream.indirect.scatter.add.f32 [tilespmem:s25], [sflag:$0x1], $0x10, s9, s24, $0xb8;
	[tilespmem:$0x1FC00] =	vst v63  }
0x47: {  	_ =	swait.ge [sflag:s26], $0x800  }
0x48: {  	[sflag:s26] =	ssyncset.done $0x0  }
0x49: {  	[sflag:s26] =	ssyncadd.s32 $0xFFFFF800  }
0x4a: {  	_ =	swait.ge [sflag:s26], $0x800  }
0x4b: {  	s0 =	simm.s32 $0x27;
	[sflag:s26] =	ssyncset.done $0x0  }
.LBB2_8:
0x4c: {  	p1 =	sne.s32 s0, $0x1;
	s0 =	sadd.s32 $0xFFFFFFFF, s0;
	[sflag:s26] =	ssyncadd.s32 $0xFFFFF800  }
.Ltmp3:
0x4d: {  	_ =	swait.ge [sflag:s26], $0x800;
	(pc) =	sbr.rel @p1 .LBB2_8-.Ltmp3, $4  }
0x4e: {  	[sflag:s26] =	ssyncset.done $0x0  }
0x4f: {  	[sflag:s26] =	ssyncadd.s32 $0xFFFFF800  }
0x50: {  	_ =	swait.ge [sflag:s26], $0x800  }
0x51: {  	[sflag:s26] =	ssyncset.done $0x0  }
0x52: {  	[sflag:s26] =	ssyncadd.s32 $0xFFFFF800;
	s0 =	simm.s32 $0x0;
	s4 =	rddreg [dreg:$0x6]  }
0x53: {  	[tilespmem:s0], [sflag:$0x2] =	stream.linear.gather [hbm4b:s4+s0], $0x1400, $0x38;
	[tilespmem:$0x1FC00] =	vst v63  }
0x54: {  	_ =	swait.ge [sflag:s23], $0x1400  }
0x55: {  	[sflag:s23] =	ssyncset.done $0x0  }
0x56: {  	s31 =	simm.s32 $0x1400;
	s9 =	rddreg [dreg:$0x7];
	[sflag:s23] =	ssyncadd.s32 $0xFFFFEC00  }
0x57: {  	[tilespmem:s31], [sflag:$0x2] =	stream.linear.gather [hbm4b:s9+s0], $0x14000, $0x38;
	[tilespmem:$0x1FC00] =	vst v63  }
0x58: {  	_ =	swait.ge [sflag:s23], $0x14000  }
0x59: {  	s4 =	simm.s32 $0x1C00;
	[sflag:s23] =	ssyncset.done $0x0  }
0x5a: {  	s9 =	simm.s32 $0x0;
	s0 =	simm.s32 $0x200;
	[sflag:s23] =	ssyncadd.s32 $0xFFFEC000  }
0x5b: {  	[spmem:s2] =	stream.indirect.scatter.add.f32 [tilespmem:s31], [sflag:$0x1], $0x10, s9, s24, $0xb8;
	[tilespmem:$0x1FC00] =	vst v63  }
.LBB2_10:
0x5c: {  	[spmem:s3] =	stream.indirect.scatter.add.f32 [tilespmem:s25], [sflag:$0x1], $0x10, s9, s24, $0xb8;
	[tilespmem:$0x1FC00] =	vst v63  }
0x5d: {  	s9 =	smov.u32 s0;
	p1 =	sne.s32 s0, $0x4E00  }
.Ltmp4:
0x5e: {  	s0 =	sadd.s32 $0x200, s0;
	(pc) =	sbr.rel @p1 .LBB2_10-.Ltmp4, $4  }
0x5f: {  	_ = 	snop  }
0x60: {  	s9 =	sshra.s32 s9, $0x2  }
0x61: {  	[spmem:s2] =	stream.indirect.scatter.add.f32 [tilespmem:s4], [sflag:$0x1], $0x10, s9, s24, $0xb8;
	[tilespmem:$0x1FC00] =	vst v63  }
0x62: {  	s4 =	sadd.s32 $0x800, s4  }
0x63: {  	[spmem:s3] =	stream.indirect.scatter.add.f32 [tilespmem:s25], [sflag:$0x1], $0x10, s9, s24, $0xb8;
	[tilespmem:$0x1FC00] =	vst v63  }
0x64: {  	_ =	swait.ge [sflag:s26], $0x800  }
0x65: {  	[sflag:s26] =	ssyncset.done $0x0  }
0x66: {  	[sflag:s26] =	ssyncadd.s32 $0xFFFFF800  }
0x67: {  	_ =	swait.ge [sflag:s26], $0x800  }
0x68: {  	s0 =	simm.s32 $0x27;
	[sflag:s26] =	ssyncset.done $0x0  }
.LBB2_12:
0x69: {  	p1 =	sne.s32 s0, $0x1;
	s0 =	sadd.s32 $0xFFFFFFFF, s0;
	[sflag:s26] =	ssyncadd.s32 $0xFFFFF800  }
.Ltmp5:
0x6a: {  	_ =	swait.ge [sflag:s26], $0x800;
	(pc) =	sbr.rel @p1 .LBB2_12-.Ltmp5, $4  }
0x6b: {  	[sflag:s26] =	ssyncset.done $0x0  }
0x6c: {  	[sflag:s26] =	ssyncadd.s32 $0xFFFFF800  }
0x6d: {  	_ =	swait.ge [sflag:s26], $0x800  }
0x6e: {  	[sflag:s26] =	ssyncset.done $0x0  }
0x6f: {  	[sflag:s26] =	ssyncadd.s32 $0xFFFFF800  }
0x70: {  	[bflag:$0x0] =	sbarrier.arrive $0xFFFF  }
0x71: {  	[tilespmem:s28], [sflag:$0x2] =	stream.linear.gather [spmem:s5], $0x1400, $0x38;
	[tilespmem:$0x1FC00] =	vst v63  }
0x72: {  	_ =	swait.ge [sflag:s23], $0x1400  }
0x73: {  	[sflag:s23] =	ssyncset.done $0x0  }
0x74: {  	[sflag:s23] =	ssyncadd.s32 $0xFFFFEC00  }
0x75: {  	[tilespmem:s29], [sflag:$0x2] =	stream.linear.gather [spmem:s6], $0x1400, $0x38;
	[tilespmem:$0x1FC00] =	vst v63  }
0x76: {  	_ =	swait.ge [sflag:s23], $0x1400  }
0x77: {  	[sflag:s23] =	ssyncset.done $0x0  }
0x78: {  	s0 =	simm.s32 $0x0;
	s4 =	rddreg [dreg:$0x8];
	[sflag:s23] =	ssyncadd.s32 $0xFFFFEC00  }
0x79: {  	[tilespmem:s30], [sflag:$0x2] =	stream.linear.gather [hbm4b:s4+s0], $0x1400, $0x38;
	[tilespmem:$0x1FC00] =	vst v63  }
0x7a: {  	_ =	swait.ge [sflag:s23], $0x1400  }
0x7b: {  	[sflag:s23] =	ssyncset.done $0x0  }
0x7c: {  	s11 =	simm.s32 $0x0;
	[sflag:s23] =	ssyncadd.s32 $0xFFFFEC00  }
0x7d: {  	v2 =	vld [tilespmem:s11+$0x17000];
	_ =	sdelay $0x4  }
0x7e: {  	v2 =	vmax.f32 v2, $1.000000000e+00  }
0x7f: {  	s9 =	simm.s32 $0x10;
	(erf) = vrcp.f32 v2  }
0x80: {  	v2 =	vld [tilespmem:s9+$0x17000];
	_ =	sdelay $0x3  }
0x81: {  	s0 =	simm.s32 $0x20;
	v3 =	vld [tilespmem:s11+$0x15C00]  }
0x82: {  	v4 =	vld [tilespmem:s0+$0x17000];
	v2 =	vmax.f32 v2, $1.000000000e+00  }
0x83: {  	v5 =	vld [tilespmem:s11+$0x18400];
	_ =	sdelay $0x1  }
0x84: {  	(erf) = vrcp.f32 v2;
	v2 =	vpop (erf)  }
0x85: {  	v2 =	vmul.f32 v2, v3  }
0x86: {  	v3 =	vmax.f32 v4, $1.000000000e+00  }
0x87: {  	(erf) = vrcp.f32 v3;
	v3 =	vadd.f32 v2, v5;
	_ =	sdelay $0x1  }
0x88: {  	v5 =	vmin.f32 v3, $0.0e+00  }
0x89: {  	s4 =	simm.s32 $0x30;
	v2 =	vld [tilespmem:s9+$0x15C00];
	v5 =	vmul.f32 $1.442695020e+00, v5  }
0x8a: {  	v4 =	vld [tilespmem:s4+$0x17000]  }
0x8b: {  	v6 =	vld [tilespmem:s9+$0x18400];
	_ =	sdelay $0x1  }
0x8c: {  	(erf) = vpow2.f32 v5;
	v5 =	vpop (erf)  }
0x8d: {  	s31 =	simm.s32 $0x40;
	v7 =	vld [tilespmem:s0+$0x15C00];
	v2 =	vmul.f32 v5, v2  }
0x8e: {  	v8 =	vld [tilespmem:s31+$0x17000];
	v4 =	vmax.f32 v4, $1.000000000e+00  }
0x8f: {  	(erf) = vrcp.f32 v4;
	v5 =	vld [tilespmem:s0+$0x18400];
	v4 =	vadd.f32 v2, v6;
	_ =	sdelay $0x1  }
0x90: {  	v2 =	vpop (erf);
	v6 =	vmin.f32 v4, $0.0e+00  }
0x91: {  	v2 =	vmul.f32 v2, v7;
	v6 =	vmul.f32 $1.442695020e+00, v6;
	_ =	sdelay $0x1  }
0x92: {  	s10 =	simm.s32 $0x50;
	v7 =	vld [tilespmem:s4+$0x15C00];
	v2 =	vadd.f32 v2, v5;
	v5 =	vmax.f32 v8, $1.000000000e+00;
	(erf) = vpow2.f32 v6  }
0x93: {  	v6 =	vld [tilespmem:s10+$0x17000];
	(erf) = vrcp.f32 v5  }
0x94: {  	v5 =	vld [tilespmem:s4+$0x18400]  }
0x95: {  	v9 =	vpop (erf);
	v8 =	vmin.f32 v2, $0.0e+00  }
0x96: {  	v10 =	vpop (erf);
	v9 =	vadd.f32 $-1.000000000e+00, v9;
	v8 =	vmul.f32 $1.442695020e+00, v8  }
0x97: {  	s12 =	simm.s32 $0x180;
	vm0 =	vgt.f32 v3, $0.0e+00;
	v7 =	vmul.f32 v10, v7  }
.LBB2_14:
0x98: {  	s13 =	sshra.s32 s12, $0x2;
	p1 =	sne.s32 s12, $0x4FC0;
	s12 =	sadd.s32 $0x40, s12;
	v10 =	vmax.f32 v6, $1.000000000e+00;
	v11 =	vld [tilespmem:s31+$0x15C00];
	(erf) = vpow2.f32 v8;
	v8 =	vsel vm0, v3, v9;
	v3 =	vmovc v4;
	v4 =	vmovc v2  }
.Ltmp6:
0x99: {  	v6 =	vld [tilespmem:s13+$0x17000];
	(erf) = vrcp.f32 v10;
	v2 =	vadd.f32 v7, v5;
	[tilespmem:s11+$0x19800] =	vst v8;
	s11 =	smov.u32 s9;
	s9 =	smov.u32 s0;
	(pc) =	sbr.rel @p1 .LBB2_14-.Ltmp6, $4  }
0x9a: {  	s0 =	smov.u32 s4;
	s4 =	smov.u32 s31;
	v5 =	vld [tilespmem:s31+$0x18400];
	s31 =	smov.u32 s10  }
0x9b: {  	s10 =	smov.u32 s13;
	v7 =	vmin.f32 v2, $0.0e+00;
	v9 =	vpop (erf)  }
0x9c: {  	v10 =	vpop (erf);
	v8 =	vmul.f32 $1.442695020e+00, v7;
	v9 =	vadd.f32 $-1.000000000e+00, v9  }
0x9d: {  	vm0 =	vgt.f32 v3, $0.0e+00;
	v7 =	vmul.f32 v10, v11  }
0x9e: {  	_ = 	snop  }
0x9f: {  	v6 =	vmax.f32 v6, $1.000000000e+00;
	(erf) = vpow2.f32 v8  }
0xa0: {  	(erf) = vrcp.f32 v6  }
0xa1: {  	v3 =	vsel vm0, v3, v9;
	v8 =	vpop (erf)  }
0xa2: {  	v6 =	vld [tilespmem:s31+$0x15C00];
	[tilespmem:s11+$0x19800] =	vst v3;
	v3 =	vadd.f32 $-1.000000000e+00, v8  }
0xa3: {  	vm0 =	vgt.f32 v4, $0.0e+00  }
0xa4: {  	v3 =	vsel vm0, v4, v3  }
0xa5: {  	v9 =	vld [tilespmem:s10+$0x15C00]  }
0xa6: {  	v8 =	vld [tilespmem:s31+$0x18400];
	[tilespmem:s9+$0x19800] =	vst v3  }
0xa7: {  	v4 =	vld [tilespmem:s10+$0x18400];
	v3 =	vpop (erf)  }
0xa8: {  	v10 =	vpop (erf)  }
0xa9: {  	v3 =	vmul.f32 v3, v6;
	v6 =	vpop (erf)  }
0xaa: {  	v5 =	vadd.f32 v7, v5;
	v6 =	vmul.f32 v6, v9  }
0xab: {  	v3 =	vadd.f32 v3, v8  }
0xac: {  	v7 =	vmin.f32 v5, $0.0e+00;
	v4 =	vadd.f32 v6, v4  }
0xad: {  	v6 =	vmul.f32 $1.442695020e+00, v7;
	v7 =	vmin.f32 v3, $0.0e+00  }
0xae: {  	v7 =	vmul.f32 $1.442695020e+00, v7;
	v8 =	vmin.f32 v4, $0.0e+00  }
0xaf: {  	(erf) = vpow2.f32 v6;
	v6 =	vmul.f32 $1.442695020e+00, v8  }
0xb0: {  	(erf) = vpow2.f32 v7  }
0xb1: {  	(erf) = vpow2.f32 v6;
	_ =	sdelay $0x6  }
0xb2: {  	v6 =	vadd.f32 $-1.000000000e+00, v10;
	v7 =	vpop (erf)  }
0xb3: {  	vm0 =	vgt.f32 v2, $0.0e+00;
	v7 =	vadd.f32 $-1.000000000e+00, v7;
	v8 =	vpop (erf)  }
0xb4: {  	v2 =	vsel vm0, v2, v6;
	vm0 =	vgt.f32 v5, $0.0e+00;
	v6 =	vadd.f32 $-1.000000000e+00, v8;
	v8 =	vpop (erf)  }
0xb5: {  	[tilespmem:s0+$0x19800] =	vst v2;
	v2 =	vsel vm0, v5, v7;
	vm0 =	vgt.f32 v3, $0.0e+00;
	v5 =	vadd.f32 $-1.000000000e+00, v8  }
0xb6: {  	[tilespmem:s4+$0x19800] =	vst v2;
	v2 =	vsel vm0, v3, v6;
	vm0 =	vgt.f32 v4, $0.0e+00  }
0xb7: {  	[tilespmem:s31+$0x19800] =	vst v2;
	v2 =	vsel vm0, v4, v5  }
0xb8: {  	[tilespmem:s10+$0x19800] =	vst v2  }
0xb9: {  	[spmem:s5] =	stream.linear.scatter [tilespmem:s22], [sflag:$0x2], $0x1400, $0x38;
	[tilespmem:$0x1FC00] =	vst v63  }
0xba: {  	_ =	swait.ge [sflag:s23], $0x1400  }
0xbb: {  	[sflag:s23] =	ssyncset.done $0x0  }
0xbc: {  	s0 =	simm.s32 @p0 $0x0;
	s4 =	simm.s32 @p0 $0x19800;
	[sflag:s23] =	ssyncadd.s32 $0xFFFFEC00  }
0xbd: {  	[hbm4b:s14+s0] =	stream.linear.scatter @p0 [tilespmem:s4], [sflag:$0x2], $0x1400, $0x38;
	[tilespmem:$0x1FC00] =	vst v63  }
0xbe: {  	s4 =	simm.s32 @p0 $0x2  }
0xbf: {  	_ =	swait.ge @p0 [sflag:s4], $0x1400  }
0xc0: {  	[sflag:s4] =	ssyncset.done @p0 $0x0  }
0xc1: {  	s9 =	simm.s32 @p0 $0x17000;
	[sflag:s4] =	ssyncadd.s32 @p0 $0xFFFFEC00  }
0xc2: {  	[hbm4b:s15+s0] =	stream.linear.scatter @p0 [tilespmem:s9], [sflag:$0x2], $0x1400, $0x38;
	[tilespmem:$0x1FC00] =	vst v63  }
0xc3: {  	_ =	swait.ge @p0 [sflag:s4], $0x1400  }
0xc4: {  	[sflag:s4] =	ssyncset.done @p0 $0x0  }
0xc5: {  	[sflag:s4] =	ssyncadd.s32 @p0 $0xFFFFEC00  }
0xc6: {  	[tilespmem:s28], [sflag:$0x2] =	stream.linear.gather [spmem:s7], $0x1400, $0x38;
	[tilespmem:$0x1FC00] =	vst v63  }
0xc7: {  	_ =	swait.ge [sflag:s23], $0x1400  }
0xc8: {  	[sflag:s23] =	ssyncset.done $0x0  }
0xc9: {  	[sflag:s23] =	ssyncadd.s32 $0xFFFFEC00  }
0xca: {  	[tilespmem:s29], [sflag:$0x2] =	stream.linear.gather [spmem:s8], $0x1400, $0x38;
	[tilespmem:$0x1FC00] =	vst v63  }
0xcb: {  	_ =	swait.ge [sflag:s23], $0x1400  }
0xcc: {  	[sflag:s23] =	ssyncset.done $0x0  }
0xcd: {  	s13 =	simm.s32 $0x0;
	[sflag:s23] =	ssyncadd.s32 $0xFFFFEC00  }
0xce: {  	[tilespmem:s30], [sflag:$0x2] =	stream.linear.gather [hbm4b:s16+s13], $0x1400, $0x38;
	[tilespmem:$0x1FC00] =	vst v63  }
0xcf: {  	_ =	swait.ge [sflag:s23], $0x1400  }
0xd0: {  	[sflag:s23] =	ssyncset.done $0x0  }
0xd1: {  	s11 =	simm.s32 $0x0;
	[sflag:s23] =	ssyncadd.s32 $0xFFFFEC00  }
0xd2: {  	v2 =	vld [tilespmem:s11+$0x17000];
	_ =	sdelay $0x4  }
0xd3: {  	v2 =	vmax.f32 v2, $1.000000000e+00  }
0xd4: {  	s9 =	simm.s32 $0x10;
	(erf) = vrcp.f32 v2  }
0xd5: {  	v2 =	vld [tilespmem:s9+$0x17000];
	_ =	sdelay $0x3  }
0xd6: {  	s0 =	simm.s32 $0x20;
	v3 =	vld [tilespmem:s11+$0x15C00]  }
0xd7: {  	v4 =	vld [tilespmem:s0+$0x17000];
	v2 =	vmax.f32 v2, $1.000000000e+00  }
0xd8: {  	v5 =	vld [tilespmem:s11+$0x18400];
	_ =	sdelay $0x1  }
0xd9: {  	(erf) = vrcp.f32 v2;
	v2 =	vpop (erf)  }
0xda: {  	v2 =	vmul.f32 v2, v3  }
0xdb: {  	v3 =	vmax.f32 v4, $1.000000000e+00  }
0xdc: {  	(erf) = vrcp.f32 v3;
	v3 =	vadd.f32 v2, v5;
	_ =	sdelay $0x1  }
0xdd: {  	v5 =	vmin.f32 v3, $0.0e+00  }
0xde: {  	s4 =	simm.s32 $0x30;
	v2 =	vld [tilespmem:s9+$0x15C00];
	v5 =	vmul.f32 $1.442695020e+00, v5  }
0xdf: {  	v4 =	vld [tilespmem:s4+$0x17000]  }
0xe0: {  	v6 =	vld [tilespmem:s9+$0x18400];
	_ =	sdelay $0x1  }
0xe1: {  	(erf) = vpow2.f32 v5;
	v5 =	vpop (erf)  }
0xe2: {  	s31 =	simm.s32 $0x40;
	v7 =	vld [tilespmem:s0+$0x15C00];
	v2 =	vmul.f32 v5, v2  }
0xe3: {  	v8 =	vld [tilespmem:s31+$0x17000];
	v4 =	vmax.f32 v4, $1.000000000e+00  }
0xe4: {  	(erf) = vrcp.f32 v4;
	v5 =	vld [tilespmem:s0+$0x18400];
	v4 =	vadd.f32 v2, v6;
	_ =	sdelay $0x1  }
0xe5: {  	v2 =	vpop (erf);
	v6 =	vmin.f32 v4, $0.0e+00  }
0xe6: {  	v2 =	vmul.f32 v2, v7;
	v6 =	vmul.f32 $1.442695020e+00, v6;
	_ =	sdelay $0x1  }
0xe7: {  	s10 =	simm.s32 $0x50;
	v7 =	vld [tilespmem:s4+$0x15C00];
	v2 =	vadd.f32 v2, v5;
	v5 =	vmax.f32 v8, $1.000000000e+00;
	(erf) = vpow2.f32 v6  }
0xe8: {  	v6 =	vld [tilespmem:s10+$0x17000];
	(erf) = vrcp.f32 v5  }
0xe9: {  	v5 =	vld [tilespmem:s4+$0x18400]  }
0xea: {  	v9 =	vpop (erf);
	v8 =	vmin.f32 v2, $0.0e+00  }
0xeb: {  	v9 =	vadd.f32 $-1.000000000e+00, v9;
	v10 =	vpop (erf);
	v8 =	vmul.f32 $1.442695020e+00, v8  }
0xec: {  	s12 =	simm.s32 $0x180;
	vm0 =	vgt.f32 v3, $0.0e+00;
	v7 =	vmul.f32 v10, v7  }
.LBB2_16:
0xed: {  	s13 =	sshra.s32 s12, $0x2;
	p1 =	sne.s32 s12, $0x4FC0;
	s12 =	sadd.s32 $0x40, s12;
	v10 =	vmax.f32 v6, $1.000000000e+00;
	v11 =	vld [tilespmem:s31+$0x15C00];
	(erf) = vpow2.f32 v8;
	v8 =	vsel vm0, v3, v9;
	v3 =	vmovc v4;
	v4 =	vmovc v2  }
.Ltmp7:
0xee: {  	v6 =	vld [tilespmem:s13+$0x17000];
	(erf) = vrcp.f32 v10;
	v2 =	vadd.f32 v7, v5;
	[tilespmem:s11+$0x19800] =	vst v8;
	s11 =	smov.u32 s9;
	s9 =	smov.u32 s0;
	(pc) =	sbr.rel @p1 .LBB2_16-.Ltmp7, $4  }
0xef: {  	s0 =	smov.u32 s4;
	s4 =	smov.u32 s31;
	v5 =	vld [tilespmem:s31+$0x18400];
	s31 =	smov.u32 s10  }
0xf0: {  	s10 =	smov.u32 s13;
	v7 =	vmin.f32 v2, $0.0e+00;
	v9 =	vpop (erf)  }
0xf1: {  	v10 =	vpop (erf);
	v8 =	vmul.f32 $1.442695020e+00, v7;
	v9 =	vadd.f32 $-1.000000000e+00, v9  }
0xf2: {  	vm0 =	vgt.f32 v3, $0.0e+00;
	v7 =	vmul.f32 v10, v11  }
0xf3: {  	_ = 	snop  }
0xf4: {  	v6 =	vmax.f32 v6, $1.000000000e+00;
	(erf) = vpow2.f32 v8  }
0xf5: {  	(erf) = vrcp.f32 v6  }
0xf6: {  	v3 =	vsel vm0, v3, v9;
	v49 =	vpop (erf)  }
0xf7: {  	v48 =	vld [tilespmem:s31+$0x15C00];
	[tilespmem:s11+$0x19800] =	vst v3;
	v3 =	vadd.f32 $-1.000000000e+00, v49  }
0xf8: {  	vm11 =	vgt.f32 v4, $0.0e+00  }
0xf9: {  	v3 =	vsel vm11, v4, v3  }
0xfa: {  	v51 =	vld [tilespmem:s10+$0x15C00]  }
0xfb: {  	v50 =	vld [tilespmem:s31+$0x18400];
	[tilespmem:s9+$0x19800] =	vst v3  }
0xfc: {  	v52 =	vld [tilespmem:s10+$0x18400];
	v3 =	vpop (erf)  }
0xfd: {  	v10 =	vpop (erf)  }
0xfe: {  	v3 =	vmul.f32 v3, v48;
	v53 =	vpop (erf)  }
0xff: {  	v5 =	vadd.f32 v7, v5;
	v6 =	vmul.f32 v53, v51  }
0x100: {  	v3 =	vadd.f32 v3, v50  }
0x101: {  	v7 =	vmin.f32 v5, $0.0e+00;
	v4 =	vadd.f32 v6, v52  }
0x102: {  	v54 =	vmul.f32 $1.442695020e+00, v7;
	v55 =	vmin.f32 v3, $0.0e+00  }
0x103: {  	v7 =	vmul.f32 $1.442695020e+00, v55;
	v56 =	vmin.f32 v4, $0.0e+00  }
0x104: {  	(erf) = vpow2.f32 v54;
	v57 =	vmul.f32 $1.442695020e+00, v56  }
0x105: {  	(erf) = vpow2.f32 v7  }
0x106: {  	(erf) = vpow2.f32 v57;
	_ =	sdelay $0x6  }
0x107: {  	v58 =	vadd.f32 $-1.000000000e+00, v10;
	v59 =	vpop (erf)  }
0x108: {  	vm12 =	vgt.f32 v2, $0.0e+00;
	v7 =	vadd.f32 $-1.000000000e+00, v59;
	v60 =	vpop (erf)  }
0x109: {  	vm13 =	vgt.f32 v5, $0.0e+00;
	v2 =	vsel vm12, v2, v58;
	v61 =	vadd.f32 $-1.000000000e+00, v60;
	v62 =	vpop (erf)  }
0x10a: {  	[tilespmem:s0+$0x19800] =	vst v2;
	vm14 =	vgt.f32 v3, $0.0e+00;
	v2 =	vsel vm13, v5, v7;
	v63 =	vadd.f32 $-1.000000000e+00, v62  }
0x10b: {  	vm15 =	vgt.f32 v4, $0.0e+00;
	[tilespmem:s4+$0x19800] =	vst v2;
	v2 =	vsel vm14, v3, v61  }
0x10c: {  	[tilespmem:s31+$0x19800] =	vst v2;
	v2 =	vsel vm15, v4, v63  }
0x10d: {  	[tilespmem:s10+$0x19800] =	vst v2  }
0x10e: {  	[spmem:s7] =	stream.linear.scatter [tilespmem:s22], [sflag:$0x2], $0x1400, $0x38;
	[tilespmem:$0x1FC00] =	vst v63  }
0x10f: {  	_ =	swait.ge [sflag:s23], $0x1400  }
0x110: {  	[sflag:s23] =	ssyncset.done $0x0  }
0x111: {  	s0 =	simm.s32 @p0 $0x0;
	s4 =	simm.s32 @p0 $0x19800;
	[sflag:s23] =	ssyncadd.s32 $0xFFFFEC00  }
0x112: {  	[hbm4b:s17+s0] =	stream.linear.scatter @p0 [tilespmem:s4], [sflag:$0x2], $0x1400, $0x38;
	[tilespmem:$0x1FC00] =	vst v63  }
0x113: {  	s4 =	simm.s32 @p0 $0x2  }
0x114: {  	_ =	swait.ge @p0 [sflag:s4], $0x1400  }
0x115: {  	[sflag:s4] =	ssyncset.done @p0 $0x0  }
0x116: {  	s9 =	simm.s32 @p0 $0x17000;
	[sflag:s4] =	ssyncadd.s32 @p0 $0xFFFFEC00  }
0x117: {  	[hbm4b:s18+s0] =	stream.linear.scatter @p0 [tilespmem:s9], [sflag:$0x2], $0x1400, $0x38;
	[tilespmem:$0x1FC00] =	vst v63  }
0x118: {  	_ =	swait.ge @p0 [sflag:s4], $0x1400  }
0x119: {  	[sflag:s4] =	ssyncset.done @p0 $0x0  }
0x11a: {  	[sflag:s4] =	ssyncadd.s32 @p0 $0xFFFFEC00  }
0x11b: {  	s0 =	simm.s32 $0x0;
	[bflag:$0x0] =	sbarrier.arrive $0xFFFF  }
0x11c: {  	[tilespmem:s0], [sflag:$0x2] =	stream.linear.gather [hbm4b:s19+s0], $0x1400, $0x38;
	[tilespmem:$0x1FC00] =	vst v63  }
0x11d: {  	_ =	swait.ge [sflag:s23], $0x1400  }
0x11e: {  	[sflag:s23] =	ssyncset.done $0x0  }
0x11f: {  	s4 =	simm.s32 $0x1400;
	[sflag:s23] =	ssyncadd.s32 $0xFFFFEC00  }
.LBB2_18:
0x120: {  	p1 =	sne.s32 s0, $0x4E00  }
.Ltmp8:
0x121: {  	_ = 	snop;
	(pc) =	sbr.rel @p1 .LBB2_18-.Ltmp8, $4  }
0x122: {  	_ = 	snop  }
0x123: {  	s9 =	sshra.s32 s0, $0x2  }
0x124: {  	[tilespmem:s4], [sflag:$0x1] =	stream.indirect.gather [spmem:s2], $0x10, s9, s24, $0xb8;
	[tilespmem:$0x1FC00] =	vst v63  }
0x125: {  	s0 =	sadd.s32 $0x200, s0;
	s4 =	sadd.s32 $0x800, s4  }
0x126: {  	_ =	swait.ge [sflag:s26], $0x800  }
0x127: {  	s0 =	simm.s32 $0x27;
	[sflag:s26] =	ssyncset.done $0x0  }
.LBB2_20:
0x128: {  	p1 =	sne.s32 s0, $0x1;
	s0 =	sadd.s32 $0xFFFFFFFF, s0;
	[sflag:s26] =	ssyncadd.s32 $0xFFFFF800  }
.Ltmp9:
0x129: {  	(pc) =	sbr.rel @p1 .LBB2_20-.Ltmp9, $3  }
0x12a: {  	_ =	sdelay $0x1  }
0x12b: {  	_ =	swait.ge [sflag:s26], $0x800  }
0x12c: {  	[sflag:s26] =	ssyncset.done $0x0  }
0x12d: {  	s1 =	sadd.s32 $0x1, s1  }
0x12e: {  	[sflag:s26] =	ssyncadd.s32 $0xFFFFF800;
	p1 =	sne.s32 s1, s21  }
.Ltmp10:
0x12f: {  	s0 =	simm.s32 $0x0;
	s4 =	simm.s32 $0x1400;
	(pc) =	sbr.rel @p1 .LBB2_1-.Ltmp10, $4  }
0x130: {  	[hbm4b:s20+s0] =	stream.linear.scatter [tilespmem:s4], [sflag:$0x2], $0x14000, $0x38;
	[tilespmem:$0x1FC00] =	vst v63  }
0x131: {  	_ =	swait.ge [sflag:s23], $0x14000  }
0x132: {  	[sflag:s23] =	ssyncset.done $0x0  }
0x133: {  	[sflag:s23] =	ssyncadd.s32 $0xFFFEC000  }
0x134: {  	_ =	sfence.sel $0x180000  }
0x135: {  	[bflag:$0x0] =	sbarrier.arrive $0xFFFF  }
0x136: {  	_ =	strace $0x9000004A  }
0x137: {  	s0 =	stileid.u32;
	[bflag:$0x2] =	sbarrier.arrive $0xFFFF  }
0x138: {  	p0 =	sne.s32 s0, $0x0;
	s0 =	rddreg [dreg:$0x3]  }
0x139: {  	s0 =	sadd.s32 @!p0 $0x100000, s0  }
0x13a: {  	[sflag:s0] =	ssyncadd.tile.s32 @!p0 $0x1;
	_ =	shalt  }
.Lfunc_end2:
_tile_overlayer_lowered:
.L_overlay_start_2:
0x13b: {  	(tag) =	ssettag $0x2  }
0x13c: {  	s0 =	rddreg [dreg:$0x0];
	s2 =	stileid.u32  }
0x13d: {  	s1 =	rddreg [dreg:$0x1];
	p0 =	sne.s32 s2, $0x0  }
0x13e: {  	s3 =	rddreg [dreg:$0x2];
	[bflag:$0x3] =	sbarrier.arrive $0xFFFF;
	s2 =	simm.s32 @!p0 $0x1C02  }
0x13f: {  	[timem:s3], [sflag:s2] =	dma.local @!p0 [hbm:s0], s1  }
0x140: {  	s0 =	simm.s32 @!p0 $0x2  }
0x141: {  	_ =	swait.ge @!p0 [sflag:s0], s1  }
0x142: {  	s1 =	ssub.s32 @!p0 $0x0, s1;
	[sflag:s0] =	ssyncset.done @!p0 $0x0  }
0x143: {  	[sflag:s0] =	ssyncadd.s32 @!p0 s1  }
0x144: {  	[bflag:$0x3] =	sbarrier.arrive $0xFFFF  }
0x145: {  	_ =	shalt  }

// kernel: kernel.14.cloned.1.call-start
scs
__scs_entry_jumppad:
0x0: {  	(pc) =	sbr.rel $0x88, $3  }
0x1: {  	(tag) =	ssettag $0x0;
	lr =	simm.s32 $0x1  }
0x2: {  	[smem:$0x3F8B] =	sst lr;
	_ =	strace $0xD0000000  }
0x3: {  	_ = 	snop  }
0x4: {  	_ = 	snop  }
0x5: {  	_ = 	snop  }
0x6: {  	_ = 	snop  }
0x7: {  	_ = 	snop  }
__scs_overlays_trampoline_lowered:
0x8: {  	[smem:$0x3F9A] =	sst s0  }
0x9: {  	[smem:$0x3F9B] =	sst s1  }
0xa: {  	[smem:$0x3F9C] =	sst s2  }
0xb: {  	[smem:$0x3F9D] =	sst s3  }
0xc: {  	[smem:$0x3F9E] =	sst s4  }
0xd: {  	[smem:$0x3F9F] =	sst s5  }
0xe: {  	[smem:$0x3FA0] =	sst s6  }
0xf: {  	[smem:$0x3FA1] =	sst s7  }
0x10: {  	[smem:$0x3FA2] =	sst s8  }
0x11: {  	[smem:$0x3FA3] =	sst s9;
	s0 =	simm.s32 @!p0 $0x0  }
0x12: {  	s1 =	sld [smem:$0x3F89];
	s0 =	simm.s32 @p0 $0x1  }
0x13: {  	[smem:$0x3FA4] =	sst s0;
	s0 =	simm.s32 @!p1 $0x0  }
0x14: {  	s2 =	sld [smem:$0x3F88];
	s0 =	simm.s32 @p1 $0x1  }
0x15: {  	[smem:$0x3FA5] =	sst s0;
	s0 =	simm.s32 @!p2 $0x0  }
0x16: {  	s3 =	sld [smem:$0x3FDB];
	s0 =	simm.s32 @p2 $0x1  }
0x17: {  	s4 =	simm.s32 $0x1BF5;
	[smem:$0x3FA7] =	sst s0  }
0x18: {  	s0 =	sld [smem:$0x3F8A];
	_ =	swait.ge [sflag:s4], $0x0  }
0x19: {  	s7 =	sld [smem:$0x3F8B]  }
0x1a: {  	s8 =	sadd.s32 $0xFFFFE003, lr  }
0x1b: {  	s9 =	sadd.s32 $0xFFFFFEF7, lr;
	s5 =	simm.s32 $0xFFFFFFFF;
	p2 =	slt.u32 s8, $0xFFFFF086  }
0x1c: {  	p1 =	slt.u32 s9, $0xF7A;
	s5 =	simm.s32 @!p2 $0x0  }
0x1d: {  	s5 =	simm.s32 @p1 $0x1;
	p0 =	seq.s32 s7, s2  }
0x1e: {  	s7 =	smul.u32 @!p0 $0xF7A, s2;
	p2 =	seq.s32 @!p0 s5, $0x0  }
0x1f: {  	s9 =	smul.u32 $0xF7A, s1;
	s8 =	simm.s32 @!p0 $0x1BF5;
	p2 =	por !p2, p0  }
0x20: {  	[sflag:s8] =	ssyncset.s32 @!p0 $0xFFFFF086;
	s6 =	sadd.s32 @!p0 s3, s7;
	s7 =	simm.s32 @!p0 $0x108  }
0x21: {  	s3 =	sadd.s32 s3, s9;
	s6 =	sadd.s32 @!p0 $0x88, s6;
	s7 =	simm.s32 @p2 $0x1082  }
0x22: {  	[simem:s7], [sflag:s8] =	dma.local @!p0 [hbm:s6], $0xF7A  }
0x23: {  	s9 =	sor.u32 $0xD0000000, s2;
	s6 =	simm.s32 $0x108;
	_ =	swait.ge @!p0 [sflag:s8], $0x0  }
0x24: {  	s3 =	sadd.s32 $0x88, s3;
	s6 =	simm.s32 @!p1 $0x1082;
	[sflag:s4] =	ssyncset.s32 $0xFFFFF086  }
0x25: {  	[simem:s6], [sflag:s4] =	dma.local [hbm:s3], $0xF7A  }
0x26: {  	[smem:$0x3F8B] =	sst s1;
	(tag) =	ssettag s2;
	_ =	strace s9  }
0x27: {  	s1 =	sld [smem:$0x3F9B]  }
0x28: {  	s2 =	sld [smem:$0x3F9C]  }
0x29: {  	s4 =	sld [smem:$0x3F9E]  }
0x2a: {  	p0 =	seq.s32 s5, $0x0;
	s5 =	sld [smem:$0x3F9F]  }
0x2b: {  	s6 =	sld [smem:$0x3FA0]  }
0x2c: {  	s7 =	sld [smem:$0x3FA1]  }
0x2d: {  	s3 =	simm.s32 $0x108;
	s8 =	sld [smem:$0x3FA2]  }
0x2e: {  	s3 =	simm.s32 @!p0 $0x1082;
	s9 =	sld [smem:$0x3FA3]  }
0x2f: {  	lr =	sadd.s32 s0, s3;
	s0 =	sld [smem:$0x3F9A]  }
0x30: {  	s3 =	sld [smem:$0x3F9D]  }
0x31: {  	[smem:$0x3FA6] =	sst s10  }
0x32: {  	s10 =	sld [smem:$0x3FA4];
	_ =	sdelay $0x3  }
0x33: {  	p0 =	seq.s32 s10, $0x1;
	s10 =	sld [smem:$0x3FA6];
	_ =	sdelay $0x3  }
0x34: {  	[smem:$0x3FA6] =	sst s10  }
0x35: {  	s10 =	sld [smem:$0x3FA5];
	_ =	sdelay $0x3  }
0x36: {  	p1 =	seq.s32 s10, $0x1;
	s10 =	sld [smem:$0x3FA6];
	_ =	sdelay $0x3  }
0x37: {  	[smem:$0x3FA6] =	sst s10  }
0x38: {  	s10 =	sld [smem:$0x3FA7]  }
0x39: {  	_ = 	snop;
	(pc) =	sbr.ind lr, $3  }
0x3a: {  	_ = 	snop  }
0x3b: {  	_ = 	snop  }
0x3c: {  	p2 =	seq.s32 s10, $0x1;
	s10 =	sld [smem:$0x3FA6]  }
0x3d: {  	_ =	shalt  }
0x3e: {  	_ =	shalt  }
0x3f: {  	_ =	shalt  }
0x40: {  	_ =	shalt  }
0x41: {  	_ =	shalt  }
0x42: {  	_ =	shalt  }
0x43: {  	_ =	shalt  }
0x44: {  	_ =	shalt  }
0x45: {  	_ =	shalt  }
0x46: {  	_ =	shalt  }
0x47: {  	_ =	shalt  }
0x48: {  	_ =	shalt  }
0x49: {  	_ =	shalt  }
0x4a: {  	_ =	shalt  }
0x4b: {  	_ =	shalt  }
0x4c: {  	_ =	shalt  }
0x4d: {  	_ =	shalt  }
0x4e: {  	_ =	shalt  }
0x4f: {  	_ =	shalt  }
0x50: {  	_ =	shalt  }
0x51: {  	_ =	shalt  }
0x52: {  	_ =	shalt  }
0x53: {  	_ =	shalt  }
0x54: {  	_ =	shalt  }
0x55: {  	_ =	shalt  }
0x56: {  	_ =	shalt  }
0x57: {  	_ =	shalt  }
0x58: {  	_ =	shalt  }
0x59: {  	_ =	shalt  }
0x5a: {  	_ =	shalt  }
0x5b: {  	_ =	shalt  }
0x5c: {  	_ =	shalt  }
0x5d: {  	_ =	shalt  }
0x5e: {  	_ =	shalt  }
0x5f: {  	_ =	shalt  }
0x60: {  	_ =	shalt  }
0x61: {  	_ =	shalt  }
0x62: {  	_ =	shalt  }
0x63: {  	_ =	shalt  }
0x64: {  	_ =	shalt  }
0x65: {  	_ =	shalt  }
0x66: {  	_ =	shalt  }
0x67: {  	_ =	shalt  }
0x68: {  	_ =	shalt  }
0x69: {  	_ =	shalt  }
0x6a: {  	_ =	shalt  }
0x6b: {  	_ =	shalt  }
0x6c: {  	_ =	shalt  }
0x6d: {  	_ =	shalt  }
0x6e: {  	_ =	shalt  }
0x6f: {  	_ =	shalt  }
0x70: {  	_ =	shalt  }
0x71: {  	_ =	shalt  }
0x72: {  	_ =	shalt  }
0x73: {  	_ =	shalt  }
0x74: {  	_ =	shalt  }
0x75: {  	_ =	shalt  }
0x76: {  	_ =	shalt  }
0x77: {  	_ =	shalt  }
0x78: {  	_ =	shalt  }
0x79: {  	_ =	shalt  }
0x7a: {  	_ =	shalt  }
0x7b: {  	_ =	shalt  }
0x7c: {  	_ =	shalt  }
0x7d: {  	_ =	shalt  }
0x7e: {  	_ =	shalt  }
0x7f: {  	_ =	shalt  }
0x80: {  	_ =	shalt  }
0x81: {  	_ =	shalt  }
0x82: {  	_ =	shalt  }
0x83: {  	_ =	shalt  }
0x84: {  	_ =	shalt  }
0x85: {  	_ =	shalt  }
0x86: {  	_ =	shalt  }
0x87: {  	_ =	shalt  }
.Lfunc_end0:
.L_simem_size_0:
called_computation.2_lowered:
.L_overlay_start_0:
0x88: {  	s2 =	sld [smem:$0x3FD9]  }
0x89: {  	s3 =	sld [smem:$0x3FFE];
	_ =	sdelay $0x1  }
0x8a: {  	s1 =	srdreg.scid  }
0x8b: {  	s0 =	sand.u32 $0x1, s1  }
0x8c: {  	s16 =	sshll.u32 s0, $0xA;
	s2 =	sadd.s32 s3, s2  }
0x8d: {  	s2 =	sadd.s32 s2, s16  }
0x8e: {  	[smem:$0x3FB2] =	sst s2  }
0x8f: {  	_ = 	snop  }
0x90: {  	(tm) =	ssettm $0x1  }
0x91: {  	s17 =	sld [smem:$0x3FFB];
	_ =	sdelay $0x3  }
0x92: {  	_ =	strace s17  }
0x93: {  	s2 =	sld [smem:$0x3FFC];
	_ =	sdelay $0x3  }
0x94: {  	_ =	strace s2  }
0x95: {  	s2 =	sld [smem:$0x3FFD];
	_ =	sdelay $0x3  }
0x96: {  	_ =	strace s2  }
0x97: {  	_ =	strace $0x8FFFFFFF  }
0x98: {  	s18 =	sld [smem:$0x3FDB];
	_ =	sdelay $0x1  }
0x99: {  	s19 =	simm.s32 $_scs_section_size  }
0x9a: {  	s4 =	simm.s32 $_size__tile_overlayer_lowered;
	s5 =	simm.s32 $_tile_overlayer_lowered  }
0x9b: {  	s22 =	simm.s32 $0x1BFF;
	s21 =	sshll.u32 s5, $0x1;
	s2 =	sadd.s32 s19, s18  }
0x9c: {  	s6 =	simm.s32 $0x0;
	s20 =	sshll.u32 s4, $0x1;
	s4 =	sadd.s32 s21, s2  }
0x9d: {  	[timem:s6], [sflag:s22] =	dma.local [hbm:s4], s20  }
0x9e: {  	_ =	swait.ge [sflag:s22], s20  }
0x9f: {  	s3 =	ssub.s32 $0x0, s20;
	[sflag:s22] =	ssyncset.done $0x0  }
0xa0: {  	[sflag:s22] =	ssyncadd.s32 s3;
	_ =	sdelay $0x1  }
0xa1: {  	s23 =	simm.s32 $0x1B8B  }
0xa2: {  	_ =	swait.ge [sflag:s23], $0x1  }
0xa3: {  	[sflag:s23] =	ssyncset.done $0x0  }
0xa4: {  	s25 =	simm.s32 $0x1B8E;
	s24 =	sld [smem:$0x3FFE];
	[sflag:s23] =	ssyncadd.s32 $0xFFFFFFFF  }
0xa5: {  	s26 =	simm.s32 $execute0_lowered;
	[smem:$0x3FD2] =	sst s25  }
0xa6: {  	s4 =	sshll.u32 s26, $0x1;
	_ =	strace $0x8000004C;
	[dreg:$0x1] =	wrdreg $0xFFFFFFFF  }
0xa7: {  	s28 =	simm.s32 $_size_execute0_lowered;
	s2 =	sadd.s32 s2, s4;
	[dreg:$0x0] =	wrdreg $0x0  }
0xa8: {  	s4 =	sshll.u32 s28, $0x1;
	[dreg:$0x2] =	wrdreg s2  }
0xa9: {  	[dreg:$0x3] =	wrdreg s4  }
0xaa: {  	[dreg:$0x4] =	wrdreg $0xC0  }
0xab: {  	_ =	task [dreg:s6], $0x5FFFF  }
0xac: {  	[dreg:$0x1] =	wrdreg $0xFFFFFFFF  }
0xad: {  	[dreg:$0x0] =	wrdreg $0x60  }
0xae: {  	[dreg:$0x2] =	wrdreg s24  }
0xaf: {  	[dreg:$0x3] =	wrdreg $0x1A4000  }
0xb0: {  	[dreg:$0x4] =	wrdreg $0x9  }
0xb1: {  	_ =	task.clear_ibuf [dreg:s6], $0x5FFFF;
	_ =	strace $0x9000004C  }
0xb2: {  	s29 =	simm.s32 $0x9;
	_ =	strace $0x8000004E  }
0xb3: {  	_ =	swait.ge [sflag:s29], $0x1  }
0xb4: {  	[sflag:s29] =	ssyncadd.s32 $0xFFFFFFFF  }
0xb5: {  	_ =	strace $0x9000004E  }
0xb6: {  	_ =	sfence  }
0xb7: {  	s30 =	sld [smem:$0x0];
	_ =	sdelay $0x2  }
0xb8: {  	s31 =	sshll.u32 s1, $0xD;
	s1 =	sshrl.u32 s1, $0x2  }
0xb9: {  	s3 =	sand.u32 $0x4000, s31;
	s1 =	sadd.s32 s1, s30  }
0xba: {  	s0 =	sor.u32 s3, s0;
	s1 =	sshll.u32 s1, $0x11  }
0xbb: {  	s0 =	sor.u32 s1, s0  }
0xbc: {  	s0 =	sadd.s32 $0x8F2B, s0  }
0xbd: {  	[sflag:s0] =	ssyncadd.remote.s32 $0x1  }
0xbe: {  	_ =	sfence.sel $0xFFFF  }
0xbf: {  	[dreg:$0x0] =	wrdreg $0xFFFFFFFF;
	(pc) =	sbr.abs _section_cstart, $3  }
0xc0: {  	[dreg:$0x1] =	wrdreg $0xFFFFFFFF  }
0xc1: {  	_ =	task.clear_ibuf [dreg:s6], $0x2FFFF;
	_ =	strace $0x9FFFFFFF  }
0xc2: {  	(tm) =	ssettm $0x7FFFFFFF  }
0xc3: {  	_ =	shalt  }
tec
execute0_lowered:
.L_overlay_start_1:
0x0: {  	(tag) =	ssettag $0x1  }
0x1: {  	s4 =	rddreg [dreg:$0x0]  }
0x2: {  	s1 =	rddreg [dreg:$0x1];
	s2 =	simm.s32 $0x0;
	s3 =	srdreg.scid  }
0x3: {  	s19 =	simm.s32 $0x80;
	s20 =	simm.s32 $0x1;
	s21 =	simm.s32 $0x15400  }
0x4: {  	s22 =	simm.s32 $0x16800;
	s23 =	simm.s32 $0x17C00;
	[smem:$0x7FF] =	sst s2  }
0x5: {  	s9 =	sadd.s32 $0xB3400, s4;
	s14 =	sadd.s32 $0x103400, s4;
	s5 =	sand.u32 $0x1, s3  }
0x6: {  	s13 =	sadd.s32 $0x10D400, s4;
	s3 =	stileid.u32;
	s15 =	sadd.s32 $0x108400, s4  }
0x7: {  	s8 =	sadd.s32 $0xAE400, s4;
	_ =	strace $0x8000004D;
	s10 =	smul.u32 $0x2800, s3  }
0x8: {  	s6 =	ssub.s32 $0x2, s5;
	p1 =	slt.u32 s3, $0x8;
	s7 =	smul.u32 $0x500, s3  }
0x9: {  	p2 =	seq.s32 s5, $0x1;
	s11 =	smul.u32 $0x5000, s3;
	s30 =	sshllo.u32 s3, $0x1  }
0xa: {  	s29 =	sshrl.u32 s6, $0x1;
	p0 =	por !p2, !p2;
	s12 =	smul.u32 $0x280, s30  }
0xb: {  	s18 =	smul.u32 $0x2800, s30;
	s16 =	ssub.s32 s6, s29;
	p0 =	por @!p1 p2, p2  }
0xc: {  	s4 =	sadd.s32 s10, s1;
	s17 =	sadd.s32 $0x1400, s10;
	s6 =	sadd.s32 s8, s7  }
0xd: {  	s7 =	sadd.s32 s9, s11;
	s31 =	sshrl.u32 s10, $0x3;
	s5 =	sadd.s32 s17, s1  }
0xe: {  	s8 =	sadd.s32 s8, s12;
	s9 =	sadd.s32 s9, s18;
	s10 =	sadd.s32 s13, s31  }
0xf: {  	s11 =	sadd.s32 s14, s31;
	s17 =	sshrl.u32 s17, $0x3;
	s12 =	sadd.s32 s15, s31  }
0x10: {  	s16 =	smax.u32 s16, $0x1;
	s18 =	simm.s32 $0x2;
	s13 =	sadd.s32 s13, s17  }
0x11: {  	v0 =	vimm.f32 $0.0e+00;
	s14 =	sadd.s32 s14, s17;
	s15 =	sadd.s32 s15, s17;
	s17 =	simm.s32 $0x19000  }
.LBB2_1:
0x12: {  	s24 =	simm.s32 $0x40;
	s25 =	simm.s32 $0x0  }
.LBB2_2:
0x13: {  	p1 =	sne.s32 s24, $0x4FC0;
	[tilespmem:s25+$0x19000] =	vst v0;
	s25 =	smov.u32 s24;
	s24 =	sadd.s32 $0x40, s24  }
.Ltmp0:
0x14: {  	(pc) =	sbr.rel @p1 .LBB2_2-.Ltmp0, $2  }
0x15: {  	_ =	sdelay $0x2  }
0x16: {  	s25 =	sshra.s32 s25, $0x2  }
0x17: {  	[tilespmem:s25+$0x19000] =	vst v0  }
0x18: {  	[spmem:s4] =	stream.linear.scatter [tilespmem:s17], [sflag:$0x2], $0x1400, $0x38;
	[tilespmem:$0x1CC00] =	vst v63  }
0x19: {  	_ =	swait.ge [sflag:s18], $0x1400  }
0x1a: {  	[sflag:s18] =	ssyncset.done $0x0  }
0x1b: {  	[sflag:s18] =	ssyncadd.s32 $0xFFFFEC00  }
0x1c: {  	[spmem:s5] =	stream.linear.scatter [tilespmem:s17], [sflag:$0x2], $0x1400, $0x38;
	[tilespmem:$0x1CC00] =	vst v63  }
0x1d: {  	_ =	swait.ge [sflag:s18], $0x1400  }
0x1e: {  	[sflag:s18] =	ssyncset.done $0x0  }
0x1f: {  	[sflag:s18] =	ssyncadd.s32 $0xFFFFEC00  }
0x20: {  	s24 =	simm.s32 $0x0;
	[bflag:$0x0] =	sbarrier.arrive $0xFFFF  }
0x21: {  	[tilespmem:s24], [sflag:$0x2] =	stream.linear.gather [hbm4b:s6+s24], $0x1400, $0x38;
	[tilespmem:$0x1CC00] =	vst v63  }
0x22: {  	_ =	swait.ge [sflag:s18], $0x1400  }
0x23: {  	[sflag:s18] =	ssyncset.done $0x0  }
0x24: {  	s25 =	simm.s32 $0x1400;
	[sflag:s18] =	ssyncadd.s32 $0xFFFFEC00  }
0x25: {  	[tilespmem:s25], [sflag:$0x2] =	stream.linear.gather [hbm4b:s7+s24], $0x14000, $0x38;
	[tilespmem:$0x1CC00] =	vst v63  }
0x26: {  	_ =	swait.ge [sflag:s18], $0x14000  }
0x27: {  	[sflag:s18] =	ssyncset.done $0x0  }
0x28: {  	[sflag:s18] =	ssyncadd.s32 $0xFFFEC000  }
.LBB2_4:
0x29: {  	p1 =	sne.s32 s24, $0x4E00  }
.Ltmp1:
0x2a: {  	_ = 	snop;
	(pc) =	sbr.rel @p1 .LBB2_4-.Ltmp1, $4  }
0x2b: {  	_ = 	snop  }
0x2c: {  	s26 =	sshra.s32 s24, $0x2  }
0x2d: {  	[spmem:s1] =	stream.indirect.scatter.add.f32 [tilespmem:s25], [sflag:$0x1], $0x10, s26, s19, $0xb8;
	[tilespmem:$0x1CC00] =	vst v63  }
0x2e: {  	s24 =	sadd.s32 $0x200, s24;
	s25 =	sadd.s32 $0x800, s25  }
0x2f: {  	_ =	swait.ge [sflag:s20], $0x800  }
0x30: {  	s24 =	simm.s32 $0x27;
	[sflag:s20] =	ssyncset.done $0x0  }
.LBB2_6:
0x31: {  	p1 =	sne.s32 s24, $0x1;
	s24 =	sadd.s32 $0xFFFFFFFF, s24;
	[sflag:s20] =	ssyncadd.s32 $0xFFFFF800  }
.Ltmp2:
0x32: {  	(pc) =	sbr.rel @p1 .LBB2_6-.Ltmp2, $3  }
0x33: {  	_ =	sdelay $0x1  }
0x34: {  	_ =	swait.ge [sflag:s20], $0x800  }
0x35: {  	[sflag:s20] =	ssyncset.done $0x0  }
0x36: {  	[sflag:s20] =	ssyncadd.s32 $0xFFFFF800;
	s24 =	simm.s32 $0x0  }
0x37: {  	[tilespmem:s24], [sflag:$0x2] =	stream.linear.gather [hbm4b:s8+s24], $0x1400, $0x38;
	[tilespmem:$0x1CC00] =	vst v63  }
0x38: {  	_ =	swait.ge [sflag:s18], $0x1400  }
0x39: {  	[sflag:s18] =	ssyncset.done $0x0  }
0x3a: {  	s25 =	simm.s32 $0x1400;
	[sflag:s18] =	ssyncadd.s32 $0xFFFFEC00  }
0x3b: {  	[tilespmem:s25], [sflag:$0x2] =	stream.linear.gather [hbm4b:s9+s24], $0x14000, $0x38;
	[tilespmem:$0x1CC00] =	vst v63  }
0x3c: {  	_ =	swait.ge [sflag:s18], $0x14000  }
0x3d: {  	[sflag:s18] =	ssyncset.done $0x0  }
0x3e: {  	[sflag:s18] =	ssyncadd.s32 $0xFFFEC000  }
.LBB2_8:
0x3f: {  	p1 =	sne.s32 s24, $0x4E00  }
.Ltmp3:
0x40: {  	_ = 	snop;
	(pc) =	sbr.rel @p1 .LBB2_8-.Ltmp3, $4  }
0x41: {  	_ = 	snop  }
0x42: {  	s26 =	sshra.s32 s24, $0x2  }
0x43: {  	[spmem:s1] =	stream.indirect.scatter.add.f32 [tilespmem:s25], [sflag:$0x1], $0x10, s26, s19, $0xb8;
	[tilespmem:$0x1CC00] =	vst v63  }
0x44: {  	s24 =	sadd.s32 $0x200, s24;
	s25 =	sadd.s32 $0x800, s25  }
0x45: {  	_ =	swait.ge [sflag:s20], $0x800  }
0x46: {  	s24 =	simm.s32 $0x27;
	[sflag:s20] =	ssyncset.done $0x0  }
.LBB2_10:
0x47: {  	p1 =	sne.s32 s24, $0x1;
	s24 =	sadd.s32 $0xFFFFFFFF, s24;
	[sflag:s20] =	ssyncadd.s32 $0xFFFFF800  }
.Ltmp4:
0x48: {  	(pc) =	sbr.rel @p1 .LBB2_10-.Ltmp4, $3  }
0x49: {  	_ =	sdelay $0x1  }
0x4a: {  	_ =	swait.ge [sflag:s20], $0x800  }
0x4b: {  	[sflag:s20] =	ssyncset.done $0x0  }
0x4c: {  	[sflag:s20] =	ssyncadd.s32 $0xFFFFF800  }
0x4d: {  	[bflag:$0x0] =	sbarrier.arrive $0xFFFF  }
0x4e: {  	[tilespmem:s21], [sflag:$0x2] =	stream.linear.gather [spmem:s4], $0x1400, $0x38;
	[tilespmem:$0x1CC00] =	vst v63  }
0x4f: {  	_ =	swait.ge [sflag:s18], $0x1400  }
0x50: {  	[sflag:s18] =	ssyncset.done $0x0  }
0x51: {  	s24 =	simm.s32 $0x0;
	[sflag:s18] =	ssyncadd.s32 $0xFFFFEC00  }
0x52: {  	[tilespmem:s22], [sflag:$0x2] =	stream.linear.gather [hbm4b:s10+s24], $0x1400, $0x38;
	[tilespmem:$0x1CC00] =	vst v63  }
0x53: {  	_ =	swait.ge [sflag:s18], $0x1400  }
0x54: {  	[sflag:s18] =	ssyncset.done $0x0  }
0x55: {  	[sflag:s18] =	ssyncadd.s32 $0xFFFFEC00  }
0x56: {  	[tilespmem:s23], [sflag:$0x2] =	stream.linear.gather [hbm4b:s11+s24], $0x1400, $0x38;
	[tilespmem:$0x1CC00] =	vst v63  }
0x57: {  	_ =	swait.ge [sflag:s18], $0x1400  }
0x58: {  	[sflag:s18] =	ssyncset.done $0x0  }
0x59: {  	s30 =	simm.s32 $0x0;
	[sflag:s18] =	ssyncadd.s32 $0xFFFFEC00  }
0x5a: {  	v1 =	vld [tilespmem:s30+$0x16800];
	_ =	sdelay $0x4  }
0x5b: {  	v1 =	vmax.f32 v1, $1.000000000e+00  }
0x5c: {  	s28 =	simm.s32 $0x10;
	(erf) = vrcp.f32 v1  }
0x5d: {  	v1 =	vld [tilespmem:s28+$0x16800];
	_ =	sdelay $0x3  }
0x5e: {  	s24 =	simm.s32 $0x20;
	v2 =	vld [tilespmem:s30+$0x15400]  }
0x5f: {  	v3 =	vld [tilespmem:s24+$0x16800];
	v1 =	vmax.f32 v1, $1.000000000e+00  }
0x60: {  	v4 =	vld [tilespmem:s30+$0x17C00];
	_ =	sdelay $0x1  }
0x61: {  	(erf) = vrcp.f32 v1;
	v1 =	vpop (erf)  }
0x62: {  	v1 =	vmul.f32 v1, v2  }
0x63: {  	v2 =	vmax.f32 v3, $1.000000000e+00  }
0x64: {  	(erf) = vrcp.f32 v2;
	v2 =	vadd.f32 v1, v4;
	_ =	sdelay $0x1  }
0x65: {  	v4 =	vmin.f32 v2, $0.0e+00  }
0x66: {  	s25 =	simm.s32 $0x30;
	v1 =	vld [tilespmem:s28+$0x15400];
	v4 =	vmul.f32 $1.442695020e+00, v4  }
0x67: {  	v3 =	vld [tilespmem:s25+$0x16800]  }
0x68: {  	v5 =	vld [tilespmem:s28+$0x17C00];
	_ =	sdelay $0x1  }
0x69: {  	(erf) = vpow2.f32 v4;
	v4 =	vpop (erf)  }
0x6a: {  	s26 =	simm.s32 $0x40;
	v6 =	vld [tilespmem:s24+$0x15400];
	v1 =	vmul.f32 v4, v1  }
0x6b: {  	v7 =	vld [tilespmem:s26+$0x16800];
	v3 =	vmax.f32 v3, $1.000000000e+00  }
0x6c: {  	(erf) = vrcp.f32 v3;
	v4 =	vld [tilespmem:s24+$0x17C00];
	v3 =	vadd.f32 v1, v5;
	_ =	sdelay $0x1  }
0x6d: {  	v1 =	vpop (erf);
	v5 =	vmin.f32 v3, $0.0e+00  }
0x6e: {  	v1 =	vmul.f32 v1, v6;
	v5 =	vmul.f32 $1.442695020e+00, v5;
	_ =	sdelay $0x1  }
0x6f: {  	s29 =	simm.s32 $0x50;
	v6 =	vld [tilespmem:s25+$0x15400];
	v1 =	vadd.f32 v1, v4;
	v4 =	vmax.f32 v7, $1.000000000e+00;
	(erf) = vpow2.f32 v5  }
0x70: {  	v5 =	vld [tilespmem:s29+$0x16800];
	(erf) = vrcp.f32 v4  }
0x71: {  	v4 =	vld [tilespmem:s25+$0x17C00]  }
0x72: {  	v8 =	vpop (erf);
	v7 =	vmin.f32 v1, $0.0e+00  }
0x73: {  	v9 =	vpop (erf);
	v8 =	vadd.f32 $-1.000000000e+00, v8;
	v7 =	vmul.f32 $1.442695020e+00, v7  }
0x74: {  	s31 =	simm.s32 $0x180;
	vm0 =	vgt.f32 v2, $0.0e+00;
	v6 =	vmul.f32 v9, v6  }
.LBB2_12:
0x75: {  	s0 =	sshra.s32 s31, $0x2;
	p1 =	sne.s32 s31, $0x4FC0;
	s31 =	sadd.s32 $0x40, s31;
	v9 =	vmax.f32 v5, $1.000000000e+00;
	v10 =	vld [tilespmem:s26+$0x15400];
	(erf) = vpow2.f32 v7;
	v7 =	vsel vm0, v2, v8;
	v2 =	vmovc v3;
	v3 =	vmovc v1  }
.Ltmp5:
0x76: {  	v5 =	vld [tilespmem:s0+$0x16800];
	(erf) = vrcp.f32 v9;
	v1 =	vadd.f32 v6, v4;
	[tilespmem:s30+$0x19000] =	vst v7;
	s30 =	smov.u32 s28;
	s28 =	smov.u32 s24;
	(pc) =	sbr.rel @p1 .LBB2_12-.Ltmp5, $4  }
0x77: {  	s24 =	smov.u32 s25;
	s25 =	smov.u32 s26;
	v4 =	vld [tilespmem:s26+$0x17C00];
	s26 =	smov.u32 s29  }
0x78: {  	s29 =	smov.u32 s0;
	v6 =	vmin.f32 v1, $0.0e+00;
	v8 =	vpop (erf)  }
0x79: {  	v9 =	vpop (erf);
	v7 =	vmul.f32 $1.442695020e+00, v6;
	v8 =	vadd.f32 $-1.000000000e+00, v8  }
0x7a: {  	vm0 =	vgt.f32 v2, $0.0e+00;
	v6 =	vmul.f32 v9, v10  }
0x7b: {  	_ = 	snop  }
0x7c: {  	v5 =	vmax.f32 v5, $1.000000000e+00;
	(erf) = vpow2.f32 v7  }
0x7d: {  	(erf) = vrcp.f32 v5  }
0x7e: {  	v2 =	vsel vm0, v2, v8;
	v7 =	vpop (erf)  }
0x7f: {  	v5 =	vld [tilespmem:s26+$0x15400];
	[tilespmem:s30+$0x19000] =	vst v2;
	v2 =	vadd.f32 $-1.000000000e+00, v7  }
0x80: {  	vm0 =	vgt.f32 v3, $0.0e+00  }
0x81: {  	v2 =	vsel vm0, v3, v2  }
0x82: {  	v8 =	vld [tilespmem:s29+$0x15400]  }
0x83: {  	v7 =	vld [tilespmem:s26+$0x17C00];
	[tilespmem:s28+$0x19000] =	vst v2  }
0x84: {  	v3 =	vld [tilespmem:s29+$0x17C00];
	v2 =	vpop (erf)  }
0x85: {  	v9 =	vpop (erf)  }
0x86: {  	v2 =	vmul.f32 v2, v5;
	v5 =	vpop (erf)  }
0x87: {  	v4 =	vadd.f32 v6, v4;
	v5 =	vmul.f32 v5, v8  }
0x88: {  	v2 =	vadd.f32 v2, v7  }
0x89: {  	v6 =	vmin.f32 v4, $0.0e+00;
	v3 =	vadd.f32 v5, v3  }
0x8a: {  	v5 =	vmul.f32 $1.442695020e+00, v6;
	v6 =	vmin.f32 v2, $0.0e+00  }
0x8b: {  	v6 =	vmul.f32 $1.442695020e+00, v6;
	v7 =	vmin.f32 v3, $0.0e+00  }
0x8c: {  	(erf) = vpow2.f32 v5;
	v5 =	vmul.f32 $1.442695020e+00, v7  }
0x8d: {  	(erf) = vpow2.f32 v6  }
0x8e: {  	(erf) = vpow2.f32 v5;
	_ =	sdelay $0x6  }
0x8f: {  	v5 =	vadd.f32 $-1.000000000e+00, v9;
	v6 =	vpop (erf)  }
0x90: {  	vm0 =	vgt.f32 v1, $0.0e+00;
	v6 =	vadd.f32 $-1.000000000e+00, v6;
	v7 =	vpop (erf)  }
0x91: {  	v1 =	vsel vm0, v1, v5;
	vm0 =	vgt.f32 v4, $0.0e+00;
	v5 =	vadd.f32 $-1.000000000e+00, v7;
	v7 =	vpop (erf)  }
0x92: {  	[tilespmem:s24+$0x19000] =	vst v1;
	v1 =	vsel vm0, v4, v6;
	vm0 =	vgt.f32 v2, $0.0e+00;
	v4 =	vadd.f32 $-1.000000000e+00, v7  }
0x93: {  	[tilespmem:s25+$0x19000] =	vst v1;
	v1 =	vsel vm0, v2, v5;
	vm0 =	vgt.f32 v3, $0.0e+00  }
0x94: {  	[tilespmem:s26+$0x19000] =	vst v1;
	v1 =	vsel vm0, v3, v4  }
0x95: {  	s0 =	simm.s32 @p0 $0x0;
	s24 =	simm.s32 @p0 $0x19000;
	[tilespmem:s29+$0x19000] =	vst v1  }
0x96: {  	[hbm4b:s12+s0] =	stream.linear.scatter @p0 [tilespmem:s24], [sflag:$0x2], $0x1400, $0x38;
	[tilespmem:$0x1CC00] =	vst v63  }
0x97: {  	s0 =	simm.s32 @p0 $0x2  }
0x98: {  	_ =	swait.ge @p0 [sflag:s0], $0x1400  }
0x99: {  	[sflag:s0] =	ssyncset.done @p0 $0x0  }
0x9a: {  	[sflag:s0] =	ssyncadd.s32 @p0 $0xFFFFEC00  }
0x9b: {  	[tilespmem:s21], [sflag:$0x2] =	stream.linear.gather [spmem:s5], $0x1400, $0x38;
	[tilespmem:$0x1CC00] =	vst v63  }
0x9c: {  	_ =	swait.ge [sflag:s18], $0x1400  }
0x9d: {  	[sflag:s18] =	ssyncset.done $0x0  }
0x9e: {  	s26 =	simm.s32 $0x0;
	[sflag:s18] =	ssyncadd.s32 $0xFFFFEC00  }
0x9f: {  	[tilespmem:s22], [sflag:$0x2] =	stream.linear.gather [hbm4b:s13+s26], $0x1400, $0x38;
	[tilespmem:$0x1CC00] =	vst v63  }
0xa0: {  	_ =	swait.ge [sflag:s18], $0x1400  }
0xa1: {  	[sflag:s18] =	ssyncset.done $0x0  }
0xa2: {  	[sflag:s18] =	ssyncadd.s32 $0xFFFFEC00  }
0xa3: {  	[tilespmem:s23], [sflag:$0x2] =	stream.linear.gather [hbm4b:s14+s26], $0x1400, $0x38;
	[tilespmem:$0x1CC00] =	vst v63  }
0xa4: {  	_ =	swait.ge [sflag:s18], $0x1400  }
0xa5: {  	[sflag:s18] =	ssyncset.done $0x0  }
0xa6: {  	s30 =	simm.s32 $0x0;
	[sflag:s18] =	ssyncadd.s32 $0xFFFFEC00  }
0xa7: {  	v1 =	vld [tilespmem:s30+$0x16800];
	_ =	sdelay $0x4  }
0xa8: {  	v1 =	vmax.f32 v1, $1.000000000e+00  }
0xa9: {  	s28 =	simm.s32 $0x10;
	(erf) = vrcp.f32 v1  }
0xaa: {  	v1 =	vld [tilespmem:s28+$0x16800];
	_ =	sdelay $0x3  }
0xab: {  	s24 =	simm.s32 $0x20;
	v2 =	vld [tilespmem:s30+$0x15400]  }
0xac: {  	v3 =	vld [tilespmem:s24+$0x16800];
	v1 =	vmax.f32 v1, $1.000000000e+00  }
0xad: {  	v4 =	vld [tilespmem:s30+$0x17C00];
	_ =	sdelay $0x1  }
0xae: {  	(erf) = vrcp.f32 v1;
	v1 =	vpop (erf)  }
0xaf: {  	v1 =	vmul.f32 v1, v2  }
0xb0: {  	v2 =	vmax.f32 v3, $1.000000000e+00  }
0xb1: {  	(erf) = vrcp.f32 v2;
	v2 =	vadd.f32 v1, v4;
	_ =	sdelay $0x1  }
0xb2: {  	v4 =	vmin.f32 v2, $0.0e+00  }
0xb3: {  	s25 =	simm.s32 $0x30;
	v1 =	vld [tilespmem:s28+$0x15400];
	v4 =	vmul.f32 $1.442695020e+00, v4  }
0xb4: {  	v3 =	vld [tilespmem:s25+$0x16800]  }
0xb5: {  	v5 =	vld [tilespmem:s28+$0x17C00];
	_ =	sdelay $0x1  }
0xb6: {  	(erf) = vpow2.f32 v4;
	v4 =	vpop (erf)  }
0xb7: {  	s26 =	simm.s32 $0x40;
	v6 =	vld [tilespmem:s24+$0x15400];
	v1 =	vmul.f32 v4, v1  }
0xb8: {  	v7 =	vld [tilespmem:s26+$0x16800];
	v3 =	vmax.f32 v3, $1.000000000e+00  }
0xb9: {  	(erf) = vrcp.f32 v3;
	v4 =	vld [tilespmem:s24+$0x17C00];
	v3 =	vadd.f32 v1, v5;
	_ =	sdelay $0x1  }
0xba: {  	v1 =	vpop (erf);
	v5 =	vmin.f32 v3, $0.0e+00  }
0xbb: {  	v1 =	vmul.f32 v1, v6;
	v5 =	vmul.f32 $1.442695020e+00, v5;
	_ =	sdelay $0x1  }
0xbc: {  	s29 =	simm.s32 $0x50;
	v6 =	vld [tilespmem:s25+$0x15400];
	v1 =	vadd.f32 v1, v4;
	v4 =	vmax.f32 v7, $1.000000000e+00;
	(erf) = vpow2.f32 v5  }
0xbd: {  	v5 =	vld [tilespmem:s29+$0x16800];
	(erf) = vrcp.f32 v4  }
0xbe: {  	v4 =	vld [tilespmem:s25+$0x17C00]  }
0xbf: {  	v8 =	vpop (erf);
	v7 =	vmin.f32 v1, $0.0e+00  }
0xc0: {  	v8 =	vadd.f32 $-1.000000000e+00, v8;
	v9 =	vpop (erf);
	v7 =	vmul.f32 $1.442695020e+00, v7  }
0xc1: {  	s31 =	simm.s32 $0x180;
	vm0 =	vgt.f32 v2, $0.0e+00;
	v6 =	vmul.f32 v9, v6  }
.LBB2_14:
0xc2: {  	s0 =	sshra.s32 s31, $0x2;
	p1 =	sne.s32 s31, $0x4FC0;
	s31 =	sadd.s32 $0x40, s31;
	v9 =	vmax.f32 v5, $1.000000000e+00;
	v10 =	vld [tilespmem:s26+$0x15400];
	(erf) = vpow2.f32 v7;
	v7 =	vsel vm0, v2, v8;
	v2 =	vmovc v3;
	v3 =	vmovc v1  }
.Ltmp6:
0xc3: {  	v5 =	vld [tilespmem:s0+$0x16800];
	(erf) = vrcp.f32 v9;
	v1 =	vadd.f32 v6, v4;
	[tilespmem:s30+$0x19000] =	vst v7;
	s30 =	smov.u32 s28;
	s28 =	smov.u32 s24;
	(pc) =	sbr.rel @p1 .LBB2_14-.Ltmp6, $4  }
0xc4: {  	s24 =	smov.u32 s25;
	s25 =	smov.u32 s26;
	v4 =	vld [tilespmem:s26+$0x17C00];
	s26 =	smov.u32 s29  }
0xc5: {  	s29 =	smov.u32 s0;
	v6 =	vmin.f32 v1, $0.0e+00;
	v8 =	vpop (erf)  }
0xc6: {  	v9 =	vpop (erf);
	v7 =	vmul.f32 $1.442695020e+00, v6;
	v8 =	vadd.f32 $-1.000000000e+00, v8  }
0xc7: {  	vm0 =	vgt.f32 v2, $0.0e+00;
	v6 =	vmul.f32 v9, v10  }
0xc8: {  	_ = 	snop  }
0xc9: {  	v5 =	vmax.f32 v5, $1.000000000e+00;
	(erf) = vpow2.f32 v7  }
0xca: {  	(erf) = vrcp.f32 v5  }
0xcb: {  	v2 =	vsel vm0, v2, v8;
	v50 =	vpop (erf)  }
0xcc: {  	v49 =	vld [tilespmem:s26+$0x15400];
	[tilespmem:s30+$0x19000] =	vst v2;
	v2 =	vadd.f32 $-1.000000000e+00, v50  }
0xcd: {  	vm11 =	vgt.f32 v3, $0.0e+00  }
0xce: {  	v2 =	vsel vm11, v3, v2  }
0xcf: {  	v52 =	vld [tilespmem:s29+$0x15400]  }
0xd0: {  	v51 =	vld [tilespmem:s26+$0x17C00];
	[tilespmem:s28+$0x19000] =	vst v2  }
0xd1: {  	v3 =	vld [tilespmem:s29+$0x17C00];
	v2 =	vpop (erf)  }
0xd2: {  	v9 =	vpop (erf)  }
0xd3: {  	v2 =	vmul.f32 v2, v49;
	v53 =	vpop (erf)  }
0xd4: {  	v4 =	vadd.f32 v6, v4;
	v5 =	vmul.f32 v53, v52  }
0xd5: {  	v2 =	vadd.f32 v2, v51  }
0xd6: {  	v6 =	vmin.f32 v4, $0.0e+00;
	v3 =	vadd.f32 v5, v3  }
0xd7: {  	v54 =	vmul.f32 $1.442695020e+00, v6;
	v55 =	vmin.f32 v2, $0.0e+00  }
0xd8: {  	v6 =	vmul.f32 $1.442695020e+00, v55;
	v56 =	vmin.f32 v3, $0.0e+00  }
0xd9: {  	(erf) = vpow2.f32 v54;
	v57 =	vmul.f32 $1.442695020e+00, v56  }
0xda: {  	(erf) = vpow2.f32 v6  }
0xdb: {  	(erf) = vpow2.f32 v57;
	_ =	sdelay $0x6  }
0xdc: {  	v58 =	vadd.f32 $-1.000000000e+00, v9;
	v59 =	vpop (erf)  }
0xdd: {  	vm12 =	vgt.f32 v1, $0.0e+00;
	v6 =	vadd.f32 $-1.000000000e+00, v59;
	v60 =	vpop (erf)  }
0xde: {  	vm13 =	vgt.f32 v4, $0.0e+00;
	v1 =	vsel vm12, v1, v58;
	v61 =	vadd.f32 $-1.000000000e+00, v60;
	v62 =	vpop (erf)  }
0xdf: {  	[tilespmem:s24+$0x19000] =	vst v1;
	vm14 =	vgt.f32 v2, $0.0e+00;
	v1 =	vsel vm13, v4, v6;
	v63 =	vadd.f32 $-1.000000000e+00, v62  }
0xe0: {  	vm15 =	vgt.f32 v3, $0.0e+00;
	[tilespmem:s25+$0x19000] =	vst v1;
	v1 =	vsel vm14, v2, v61  }
0xe1: {  	s2 =	sadd.s32 $0x1, s2;
	[tilespmem:s26+$0x19000] =	vst v1;
	v1 =	vsel vm15, v3, v63  }
0xe2: {  	s0 =	simm.s32 @p0 $0x0;
	p1 =	sne.s32 s2, s16;
	s24 =	simm.s32 @p0 $0x19000;
	[tilespmem:s29+$0x19000] =	vst v1  }
0xe3: {  	[hbm4b:s15+s0] =	stream.linear.scatter @p0 [tilespmem:s24], [sflag:$0x2], $0x1400, $0x38;
	[tilespmem:$0x1CC00] =	vst v63  }
.Ltmp7:
0xe4: {  	_ = 	snop;
	(pc) =	sbr.rel @p1 .LBB2_1-.Ltmp7, $4  }
0xe5: {  	s0 =	simm.s32 @p0 $0x2  }
0xe6: {  	_ =	swait.ge @p0 [sflag:s0], $0x1400  }
0xe7: {  	[sflag:s0] =	ssyncset.done @p0 $0x0  }
0xe8: {  	[sflag:s0] =	ssyncadd.s32 @p0 $0xFFFFEC00  }
0xe9: {  	_ =	sfence.sel $0x180000  }
0xea: {  	[bflag:$0x0] =	sbarrier.arrive $0xFFFF  }
0xeb: {  	_ =	strace $0x9000004D  }
0xec: {  	[bflag:$0x2] =	sbarrier.arrive $0xFFFF  }
0xed: {  	p0 =	sne.s32 s3, $0x0;
	s0 =	rddreg [dreg:$0x2]  }
0xee: {  	s0 =	sadd.s32 @!p0 $0x100000, s0  }
0xef: {  	[sflag:s0] =	ssyncadd.tile.s32 @!p0 $0x1;
	_ =	shalt  }
.Lfunc_end2:
_tile_overlayer_lowered:
.L_overlay_start_2:
0xf0: {  	(tag) =	ssettag $0x2  }
0xf1: {  	s0 =	rddreg [dreg:$0x0];
	s2 =	stileid.u32  }
0xf2: {  	s1 =	rddreg [dreg:$0x1];
	p0 =	sne.s32 s2, $0x0  }
0xf3: {  	s3 =	rddreg [dreg:$0x2];
	[bflag:$0x3] =	sbarrier.arrive $0xFFFF;
	s2 =	simm.s32 @!p0 $0x1C02  }
0xf4: {  	[timem:s3], [sflag:s2] =	dma.local @!p0 [hbm:s0], s1  }
0xf5: {  	s0 =	simm.s32 @!p0 $0x2  }
0xf6: {  	_ =	swait.ge @!p0 [sflag:s0], s1  }
0xf7: {  	s1 =	ssub.s32 @!p0 $0x0, s1;
	[sflag:s0] =	ssyncset.done @!p0 $0x0  }
0xf8: {  	[sflag:s0] =	ssyncadd.s32 @!p0 s1  }
0xf9: {  	[bflag:$0x3] =	sbarrier.arrive $0xFFFF  }
0xfa: {  	_ =	shalt  }

// kernel: kernel.8.cloned.1.call-start
scs
__scs_entry_jumppad:
0x0: {  	(pc) =	sbr.rel $0x88, $3  }
0x1: {  	(tag) =	ssettag $0x0;
	lr =	simm.s32 $0x1  }
0x2: {  	[smem:$0x3F8B] =	sst lr;
	_ =	strace $0xD0000000  }
0x3: {  	_ = 	snop  }
0x4: {  	_ = 	snop  }
0x5: {  	_ = 	snop  }
0x6: {  	_ = 	snop  }
0x7: {  	_ = 	snop  }
__scs_overlays_trampoline_lowered:
0x8: {  	[smem:$0x3F9A] =	sst s0  }
0x9: {  	[smem:$0x3F9B] =	sst s1  }
0xa: {  	[smem:$0x3F9C] =	sst s2  }
0xb: {  	[smem:$0x3F9D] =	sst s3  }
0xc: {  	[smem:$0x3F9E] =	sst s4  }
0xd: {  	[smem:$0x3F9F] =	sst s5  }
0xe: {  	[smem:$0x3FA0] =	sst s6  }
0xf: {  	[smem:$0x3FA1] =	sst s7  }
0x10: {  	[smem:$0x3FA2] =	sst s8  }
0x11: {  	[smem:$0x3FA3] =	sst s9;
	s0 =	simm.s32 @!p0 $0x0  }
0x12: {  	s1 =	sld [smem:$0x3F89];
	s0 =	simm.s32 @p0 $0x1  }
0x13: {  	[smem:$0x3FA4] =	sst s0;
	s0 =	simm.s32 @!p1 $0x0  }
0x14: {  	s2 =	sld [smem:$0x3F88];
	s0 =	simm.s32 @p1 $0x1  }
0x15: {  	[smem:$0x3FA5] =	sst s0;
	s0 =	simm.s32 @!p2 $0x0  }
0x16: {  	s3 =	sld [smem:$0x3FDB];
	s0 =	simm.s32 @p2 $0x1  }
0x17: {  	s4 =	simm.s32 $0x1BF5;
	[smem:$0x3FA7] =	sst s0  }
0x18: {  	s0 =	sld [smem:$0x3F8A];
	_ =	swait.ge [sflag:s4], $0x0  }
0x19: {  	s7 =	sld [smem:$0x3F8B]  }
0x1a: {  	s8 =	sadd.s32 $0xFFFFE003, lr  }
0x1b: {  	s9 =	sadd.s32 $0xFFFFFEF7, lr;
	s5 =	simm.s32 $0xFFFFFFFF;
	p2 =	slt.u32 s8, $0xFFFFF086  }
0x1c: {  	p1 =	slt.u32 s9, $0xF7A;
	s5 =	simm.s32 @!p2 $0x0  }
0x1d: {  	s5 =	simm.s32 @p1 $0x1;
	p0 =	seq.s32 s7, s2  }
0x1e: {  	s7 =	smul.u32 @!p0 $0xF7A, s2;
	p2 =	seq.s32 @!p0 s5, $0x0  }
0x1f: {  	s9 =	smul.u32 $0xF7A, s1;
	s8 =	simm.s32 @!p0 $0x1BF5;
	p2 =	por !p2, p0  }
0x20: {  	[sflag:s8] =	ssyncset.s32 @!p0 $0xFFFFF086;
	s6 =	sadd.s32 @!p0 s3, s7;
	s7 =	simm.s32 @!p0 $0x108  }
0x21: {  	s3 =	sadd.s32 s3, s9;
	s6 =	sadd.s32 @!p0 $0x88, s6;
	s7 =	simm.s32 @p2 $0x1082  }
0x22: {  	[simem:s7], [sflag:s8] =	dma.local @!p0 [hbm:s6], $0xF7A  }
0x23: {  	s9 =	sor.u32 $0xD0000000, s2;
	s6 =	simm.s32 $0x108;
	_ =	swait.ge @!p0 [sflag:s8], $0x0  }
0x24: {  	s3 =	sadd.s32 $0x88, s3;
	s6 =	simm.s32 @!p1 $0x1082;
	[sflag:s4] =	ssyncset.s32 $0xFFFFF086  }
0x25: {  	[simem:s6], [sflag:s4] =	dma.local [hbm:s3], $0xF7A  }
0x26: {  	[smem:$0x3F8B] =	sst s1;
	(tag) =	ssettag s2;
	_ =	strace s9  }
0x27: {  	s1 =	sld [smem:$0x3F9B]  }
0x28: {  	s2 =	sld [smem:$0x3F9C]  }
0x29: {  	s4 =	sld [smem:$0x3F9E]  }
0x2a: {  	p0 =	seq.s32 s5, $0x0;
	s5 =	sld [smem:$0x3F9F]  }
0x2b: {  	s6 =	sld [smem:$0x3FA0]  }
0x2c: {  	s7 =	sld [smem:$0x3FA1]  }
0x2d: {  	s3 =	simm.s32 $0x108;
	s8 =	sld [smem:$0x3FA2]  }
0x2e: {  	s3 =	simm.s32 @!p0 $0x1082;
	s9 =	sld [smem:$0x3FA3]  }
0x2f: {  	lr =	sadd.s32 s0, s3;
	s0 =	sld [smem:$0x3F9A]  }
0x30: {  	s3 =	sld [smem:$0x3F9D]  }
0x31: {  	[smem:$0x3FA6] =	sst s10  }
0x32: {  	s10 =	sld [smem:$0x3FA4];
	_ =	sdelay $0x3  }
0x33: {  	p0 =	seq.s32 s10, $0x1;
	s10 =	sld [smem:$0x3FA6];
	_ =	sdelay $0x3  }
0x34: {  	[smem:$0x3FA6] =	sst s10  }
0x35: {  	s10 =	sld [smem:$0x3FA5];
	_ =	sdelay $0x3  }
0x36: {  	p1 =	seq.s32 s10, $0x1;
	s10 =	sld [smem:$0x3FA6];
	_ =	sdelay $0x3  }
0x37: {  	[smem:$0x3FA6] =	sst s10  }
0x38: {  	s10 =	sld [smem:$0x3FA7]  }
0x39: {  	_ = 	snop;
	(pc) =	sbr.ind lr, $3  }
0x3a: {  	_ = 	snop  }
0x3b: {  	_ = 	snop  }
0x3c: {  	p2 =	seq.s32 s10, $0x1;
	s10 =	sld [smem:$0x3FA6]  }
0x3d: {  	_ =	shalt  }
0x3e: {  	_ =	shalt  }
0x3f: {  	_ =	shalt  }
0x40: {  	_ =	shalt  }
0x41: {  	_ =	shalt  }
0x42: {  	_ =	shalt  }
0x43: {  	_ =	shalt  }
0x44: {  	_ =	shalt  }
0x45: {  	_ =	shalt  }
0x46: {  	_ =	shalt  }
0x47: {  	_ =	shalt  }
0x48: {  	_ =	shalt  }
0x49: {  	_ =	shalt  }
0x4a: {  	_ =	shalt  }
0x4b: {  	_ =	shalt  }
0x4c: {  	_ =	shalt  }
0x4d: {  	_ =	shalt  }
0x4e: {  	_ =	shalt  }
0x4f: {  	_ =	shalt  }
0x50: {  	_ =	shalt  }
0x51: {  	_ =	shalt  }
0x52: {  	_ =	shalt  }
0x53: {  	_ =	shalt  }
0x54: {  	_ =	shalt  }
0x55: {  	_ =	shalt  }
0x56: {  	_ =	shalt  }
0x57: {  	_ =	shalt  }
0x58: {  	_ =	shalt  }
0x59: {  	_ =	shalt  }
0x5a: {  	_ =	shalt  }
0x5b: {  	_ =	shalt  }
0x5c: {  	_ =	shalt  }
0x5d: {  	_ =	shalt  }
0x5e: {  	_ =	shalt  }
0x5f: {  	_ =	shalt  }
0x60: {  	_ =	shalt  }
0x61: {  	_ =	shalt  }
0x62: {  	_ =	shalt  }
0x63: {  	_ =	shalt  }
0x64: {  	_ =	shalt  }
0x65: {  	_ =	shalt  }
0x66: {  	_ =	shalt  }
0x67: {  	_ =	shalt  }
0x68: {  	_ =	shalt  }
0x69: {  	_ =	shalt  }
0x6a: {  	_ =	shalt  }
0x6b: {  	_ =	shalt  }
0x6c: {  	_ =	shalt  }
0x6d: {  	_ =	shalt  }
0x6e: {  	_ =	shalt  }
0x6f: {  	_ =	shalt  }
0x70: {  	_ =	shalt  }
0x71: {  	_ =	shalt  }
0x72: {  	_ =	shalt  }
0x73: {  	_ =	shalt  }
0x74: {  	_ =	shalt  }
0x75: {  	_ =	shalt  }
0x76: {  	_ =	shalt  }
0x77: {  	_ =	shalt  }
0x78: {  	_ =	shalt  }
0x79: {  	_ =	shalt  }
0x7a: {  	_ =	shalt  }
0x7b: {  	_ =	shalt  }
0x7c: {  	_ =	shalt  }
0x7d: {  	_ =	shalt  }
0x7e: {  	_ =	shalt  }
0x7f: {  	_ =	shalt  }
0x80: {  	_ =	shalt  }
0x81: {  	_ =	shalt  }
0x82: {  	_ =	shalt  }
0x83: {  	_ =	shalt  }
0x84: {  	_ =	shalt  }
0x85: {  	_ =	shalt  }
0x86: {  	_ =	shalt  }
0x87: {  	_ =	shalt  }
.Lfunc_end0:
.L_simem_size_0:
called_computation_lowered:
.L_overlay_start_0:
0x88: {  	s2 =	sld [smem:$0x3FD9]  }
0x89: {  	s3 =	sld [smem:$0x3FFE];
	_ =	sdelay $0x1  }
0x8a: {  	s1 =	srdreg.scid  }
0x8b: {  	s0 =	sand.u32 $0x1, s1  }
0x8c: {  	s16 =	sshll.u32 s0, $0xA;
	s2 =	sadd.s32 s3, s2  }
0x8d: {  	s2 =	sadd.s32 s2, s16  }
0x8e: {  	[smem:$0x3FB2] =	sst s2  }
0x8f: {  	_ = 	snop  }
0x90: {  	(tm) =	ssettm $0x1  }
0x91: {  	s17 =	sld [smem:$0x3FFB];
	_ =	sdelay $0x3  }
0x92: {  	_ =	strace s17  }
0x93: {  	s2 =	sld [smem:$0x3FFC];
	_ =	sdelay $0x3  }
0x94: {  	_ =	strace s2  }
0x95: {  	s2 =	sld [smem:$0x3FFD];
	_ =	sdelay $0x3  }
0x96: {  	_ =	strace s2  }
0x97: {  	_ =	strace $0x8FFFFFFF  }
0x98: {  	s18 =	sld [smem:$0x3FDB];
	_ =	sdelay $0x1  }
0x99: {  	s19 =	simm.s32 $_scs_section_size  }
0x9a: {  	s4 =	simm.s32 $_size__tile_overlayer_lowered;
	s5 =	simm.s32 $_tile_overlayer_lowered  }
0x9b: {  	s22 =	simm.s32 $0x1BFF;
	s21 =	sshll.u32 s5, $0x1;
	s2 =	sadd.s32 s19, s18  }
0x9c: {  	s6 =	simm.s32 $0x0;
	s20 =	sshll.u32 s4, $0x1;
	s4 =	sadd.s32 s21, s2  }
0x9d: {  	[timem:s6], [sflag:s22] =	dma.local [hbm:s4], s20  }
0x9e: {  	_ =	swait.ge [sflag:s22], s20  }
0x9f: {  	s3 =	ssub.s32 $0x0, s20;
	[sflag:s22] =	ssyncset.done $0x0  }
0xa0: {  	[sflag:s22] =	ssyncadd.s32 s3;
	_ =	sdelay $0x1  }
0xa1: {  	s23 =	simm.s32 $0x1B8B  }
0xa2: {  	_ =	swait.ge [sflag:s23], $0x1  }
0xa3: {  	[sflag:s23] =	ssyncset.done $0x0  }
0xa4: {  	s25 =	simm.s32 $0x1B8E;
	s24 =	sld [smem:$0x3FFE];
	[sflag:s23] =	ssyncadd.s32 $0xFFFFFFFF  }
0xa5: {  	s26 =	simm.s32 $execute0_lowered;
	[smem:$0x3FD2] =	sst s25  }
0xa6: {  	s4 =	sshll.u32 s26, $0x1;
	_ =	strace $0x80000046;
	[dreg:$0x1] =	wrdreg $0xFFFFFFFF  }
0xa7: {  	s28 =	simm.s32 $_size_execute0_lowered;
	s2 =	sadd.s32 s2, s4;
	[dreg:$0x0] =	wrdreg $0x0  }
0xa8: {  	s4 =	sshll.u32 s28, $0x1;
	[dreg:$0x2] =	wrdreg s2  }
0xa9: {  	[dreg:$0x3] =	wrdreg s4  }
0xaa: {  	[dreg:$0x4] =	wrdreg $0xC0  }
0xab: {  	_ =	task [dreg:s6], $0x5FFFF  }
0xac: {  	[dreg:$0x1] =	wrdreg $0xFFFFFFFF  }
0xad: {  	[dreg:$0x0] =	wrdreg $0x60  }
0xae: {  	[dreg:$0x2] =	wrdreg s24  }
0xaf: {  	[dreg:$0x3] =	wrdreg $0x9  }
0xb0: {  	_ =	task.clear_ibuf [dreg:s6], $0x4FFFF;
	_ =	strace $0x90000046  }
0xb1: {  	s29 =	simm.s32 $0x9;
	_ =	strace $0x80000048  }
0xb2: {  	_ =	swait.ge [sflag:s29], $0x1  }
0xb3: {  	[sflag:s29] =	ssyncadd.s32 $0xFFFFFFFF  }
0xb4: {  	_ =	strace $0x90000048  }
0xb5: {  	_ =	sfence  }
0xb6: {  	s30 =	sld [smem:$0x0];
	_ =	sdelay $0x2  }
0xb7: {  	s31 =	sshll.u32 s1, $0xD;
	s1 =	sshrl.u32 s1, $0x2  }
0xb8: {  	s3 =	sand.u32 $0x4000, s31;
	s1 =	sadd.s32 s1, s30  }
0xb9: {  	s0 =	sor.u32 s3, s0;
	s1 =	sshll.u32 s1, $0x11  }
0xba: {  	s0 =	sor.u32 s1, s0  }
0xbb: {  	s0 =	sadd.s32 $0x8F2B, s0  }
0xbc: {  	[sflag:s0] =	ssyncadd.remote.s32 $0x1  }
0xbd: {  	_ =	sfence.sel $0xFFFF  }
0xbe: {  	[dreg:$0x0] =	wrdreg $0xFFFFFFFF;
	(pc) =	sbr.abs _section_cstart, $3  }
0xbf: {  	[dreg:$0x1] =	wrdreg $0xFFFFFFFF  }
0xc0: {  	_ =	task.clear_ibuf [dreg:s6], $0x2FFFF;
	_ =	strace $0x9FFFFFFF  }
0xc1: {  	(tm) =	ssettm $0x7FFFFFFF  }
tec
execute0_lowered:
.L_overlay_start_1:
0x0: {  	(tag) =	ssettag $0x1  }
0x1: {  	s0 =	srdreg.scid;
	s5 =	rddreg [dreg:$0x0]  }
0x2: {  	s2 =	simm.s32 $0x0;
	s8 =	simm.s32 $0x80;
	s4 =	sand.u32 $0x1, s0  }
0x3: {  	s9 =	simm.s32 $0x1;
	s0 =	stileid.u32;
	s1 =	sshll.u32 s4, $0x4  }
0x4: {  	s10 =	simm.s32 $0x1400;
	s11 =	simm.s32 $0x0;
	s3 =	sor.u32 s0, s1  }
0x5: {  	[smem:$0x7FF] =	sst s2;
	s4 =	ssub.s32 $0x2, s4;
	s6 =	smul.u32 $0x280, s3  }
0x6: {  	s1 =	rddreg [dreg:$0x1];
	_ =	strace $0x80000047;
	s7 =	smul.u32 $0x2800, s3  }
0x7: {  	s31 =	sshrl.u32 s4, $0x1;
	s3 =	sadd.s32 $0x4200, s5;
	s6 =	sadd.s32 s6, s5  }
0x8: {  	s5 =	sadd.s32 s7, s5;
	s7 =	ssub.s32 s4, s31;
	s4 =	sadd.s32 $0x9200, s6  }
0x9: {  	s5 =	sadd.s32 $0xE200, s5;
	s6 =	smax.u32 s7, $0x1;
	s7 =	simm.s32 $0x2  }
.LBB2_1:
0xa: {  	[tilespmem:s2], [sflag:$0x2] =	stream.linear.gather [hbm4b:s4+s2], $0x1400, $0x38;
	[tilespmem:$0x15400] =	vst v63  }
0xb: {  	_ =	swait.ge [sflag:s7], $0x1400  }
0xc: {  	[sflag:s7] =	ssyncset.done $0x0  }
0xd: {  	s12 =	simm.s32 $0x1400;
	s13 =	simm.s32 $0x0;
	[sflag:s7] =	ssyncadd.s32 $0xFFFFEC00  }
.LBB2_2:
0xe: {  	p0 =	sne.s32 s13, $0x4E00  }
.Ltmp0:
0xf: {  	_ = 	snop;
	(pc) =	sbr.rel @p0 .LBB2_2-.Ltmp0, $4  }
0x10: {  	_ = 	snop  }
0x11: {  	s14 =	sshra.s32 s13, $0x2  }
0x12: {  	[tilespmem:s12], [sflag:$0x1] =	stream.indirect.gather [hbm4b:s3+s8], $0x10, s14, s8, $0xb8;
	[tilespmem:$0x15400] =	vst v63  }
0x13: {  	s13 =	sadd.s32 $0x200, s13;
	s12 =	sadd.s32 $0x800, s12  }
0x14: {  	_ =	swait.ge [sflag:s9], $0x800  }
0x15: {  	s12 =	simm.s32 $0x27;
	[sflag:s9] =	ssyncset.done $0x0  }
.LBB2_4:
0x16: {  	p0 =	sne.s32 s12, $0x1;
	s12 =	sadd.s32 $0xFFFFFFFF, s12;
	[sflag:s9] =	ssyncadd.s32 $0xFFFFF800  }
.Ltmp1:
0x17: {  	(pc) =	sbr.rel @p0 .LBB2_4-.Ltmp1, $3  }
0x18: {  	_ =	sdelay $0x1  }
0x19: {  	_ =	swait.ge [sflag:s9], $0x800  }
0x1a: {  	[sflag:s9] =	ssyncset.done $0x0  }
0x1b: {  	s11 =	sadd.s32 $0x1, s11  }
0x1c: {  	p0 =	sne.s32 s11, s6  }
.Ltmp2:
0x1d: {  	[sflag:s9] =	ssyncadd.s32 $0xFFFFF800;
	(pc) =	sbr.rel @p0 .LBB2_1-.Ltmp2, $4  }
0x1e: {  	[hbm4b:s5+s2] =	stream.linear.scatter [tilespmem:s10], [sflag:$0x2], $0x14000, $0x38;
	[tilespmem:$0x15400] =	vst v63  }
0x1f: {  	_ =	swait.ge [sflag:s7], $0x14000  }
0x20: {  	[sflag:s7] =	ssyncset.done $0x0  }
0x21: {  	[sflag:s7] =	ssyncadd.s32 $0xFFFEC000  }
0x22: {  	_ =	sfence.sel $0x180000  }
0x23: {  	[bflag:$0x0] =	sbarrier.arrive $0xFFFF  }
0x24: {  	p0 =	sne.s32 s0, $0x0;
	_ =	strace $0x90000047  }
0x25: {  	s0 =	sadd.s32 @!p0 $0x100000, s1;
	[bflag:$0x2] =	sbarrier.arrive $0xFFFF  }
0x26: {  	[sflag:s0] =	ssyncadd.tile.s32 @!p0 $0x1;
	_ =	shalt  }
.Lfunc_end2:
_tile_overlayer_lowered:
.L_overlay_start_2:
0x27: {  	(tag) =	ssettag $0x2  }
0x28: {  	s0 =	rddreg [dreg:$0x0];
	s2 =	stileid.u32  }
0x29: {  	s1 =	rddreg [dreg:$0x1];
	p0 =	sne.s32 s2, $0x0  }
0x2a: {  	s3 =	rddreg [dreg:$0x2];
	[bflag:$0x3] =	sbarrier.arrive $0xFFFF;
	s2 =	simm.s32 @!p0 $0x1C02  }
0x2b: {  	[timem:s3], [sflag:s2] =	dma.local @!p0 [hbm:s0], s1  }
0x2c: {  	s0 =	simm.s32 @!p0 $0x2  }
0x2d: {  	_ =	swait.ge @!p0 [sflag:s0], s1  }
0x2e: {  	s1 =	ssub.s32 @!p0 $0x0, s1;
	[sflag:s0] =	ssyncset.done @!p0 $0x0  }
0x2f: {  	[sflag:s0] =	ssyncadd.s32 @!p0 s1  }
0x30: {  	[bflag:$0x3] =	sbarrier.arrive $0xFFFF  }
0x31: {  	_ =	shalt  }

</sc_bundles>
